<compile_context>
chip_gen: v7x
topology: tpu7x:2x2x1
jax: 0.10.2.dev20260603
libtpu: 0.0.44.dev20260713+nightly
codegen_flags: <defaults>
</compile_context>

<pallas_src>
import functools

import jax
import jax.numpy as jnp
from jax import lax
from jax.experimental import pallas as pl
from jax.experimental.pallas import tpu as pltpu
from jax.experimental.pallas import tpu_sc as plsc

B = 16384
D = 208
TR = 514
NC = 2
NS = 16
NW = NC * NS
BPW = B // NW
CH = 128
NCH = BPW // CH
L = 16
NJ = D // L


def _tanh16(x):
    e = jnp.exp(x + x)
    return 1.0 - 2.0 / (e + 1.0)


def _precompute_body(e_ref, w1a_ref, w1b_ref, b1_ref, w2_ref, b2_ref, t_ref):
    e = e_ref[...]
    p1 = jnp.dot(e, w1a_ref[...], preferred_element_type=jnp.float32)
    p1 = (p1 + b1_ref[...]) * 2.0
    p2 = jnp.dot(e, w1b_ref[...], preferred_element_type=jnp.float32)
    p2 = p2 * 2.0
    pad = jnp.zeros((256, D - 200), jnp.float32)
    t_ref[0:256, :] = jnp.concatenate([p1, pad], axis=1)
    t_ref[256:512, :] = jnp.concatenate([p2, pad], axis=1)
    w2 = w2_ref[...]
    w2row = jnp.concatenate([2.0 * w2, jnp.zeros((1, D - 200), jnp.float32)],
                            axis=1)
    t_ref[512:513, :] = w2row
    bias = b2_ref[0] + jnp.sum(w2)
    t_ref[513:514, :] = jnp.full((1, D), bias, jnp.float32)


def _precompute(embed_table, w1a, w1b, b1_row, w2_row, b2):
    return pl.pallas_call(
        _precompute_body,
        in_specs=[
            pl.BlockSpec((256, 256), lambda: (0, 0)),
            pl.BlockSpec((256, 200), lambda: (0, 0)),
            pl.BlockSpec((256, 200), lambda: (0, 0)),
            pl.BlockSpec((1, 200), lambda: (0, 0)),
            pl.BlockSpec((1, 200), lambda: (0, 0)),
            pl.BlockSpec(memory_space=pltpu.SMEM),
        ],
        out_specs=pl.BlockSpec((TR, D), lambda: (0, 0)),
        out_shape=jax.ShapeDtypeStruct((TR, D), jnp.float32),
    )(embed_table, w1a, w1b, b1_row, w2_row, b2)


def _sc_fused(t_hbm, idx0_hbm, idx1_hbm, out_hbm,
              idx0_v, idx1_v, r1a, r2a, r1b, r2b, wb_v, out_v,
              sem1a, sem2a, sem1b, sem2b):
    wid = lax.axis_index("s") * NC + lax.axis_index("c")
    base = wid * BPW
    pltpu.sync_copy(idx0_hbm.at[pl.ds(base, BPW)], idx0_v)
    pltpu.sync_copy(idx1_hbm.at[pl.ds(base, BPW)], idx1_v)
    pltpu.sync_copy(t_hbm.at[pl.ds(512, 2)], wb_v)

    lane = lax.iota(jnp.int32, L)
    last_lane = lane == (L - 1)

    w2r = [wb_v[0, pl.ds(j * L, L)] for j in range(NJ)]
    b2r = wb_v[1, pl.ds(0, L)]

    bufs = [(r1a, r2a, sem1a, sem2a), (r1b, r2b, sem1b, sem2b)]

    def start(c, bi):
        r1, r2, s1, s2 = bufs[bi]
        pltpu.async_copy(t_hbm.at[idx0_v.at[pl.ds(c * CH, CH)]], r1, s1)
        pltpu.async_copy(t_hbm.at[idx1_v.at[pl.ds(c * CH, CH)]], r2, s2)

    def wait(bi):
        r1, r2, s1, s2 = bufs[bi]
        pltpu.make_async_copy(t_hbm.at[idx0_v.at[pl.ds(0, CH)]], r1, s1).wait()
        pltpu.make_async_copy(t_hbm.at[idx1_v.at[pl.ds(0, CH)]], r2, s2).wait()

    def compute(c, bi):
        r1, r2, _, _ = bufs[bi]

        def row_body(i):
            acc0 = jnp.zeros((L,), jnp.float32)
            acc1 = jnp.zeros((L,), jnp.float32)
            for j in range(NJ):
                sl = pl.ds(j * L, L)
                e = jnp.exp(r1[i, sl] + r2[i, sl])
                t = w2r[j] / (e + 1.0)
                if j % 2 == 0:
                    acc0 = acc0 + t
                else:
                    acc1 = acc1 + t
            total = plsc.cumsum(acc0 + acc1)
            plsc.store_scatter(out_v, [jnp.full((L,), c * CH, jnp.int32) + i],
                               total, mask=last_lane)

        plsc.parallel_loop(0, CH, 1, unroll=4)(row_body)

    start(0, 0)

    def pair_body(t, carry):
        c0 = 2 * t
        start(c0 + 1, 1)
        wait(0)
        compute(c0, 0)

        @pl.when(t + 1 < NCH // 2)
        def _():
            start(c0 + 2, 0)

        wait(1)
        compute(c0 + 1, 1)
        return carry

    lax.fori_loop(0, NCH // 2, pair_body, 0)

    for g in range(BPW // L):
        sl = pl.ds(g * L, L)
        out_v[sl] = _tanh16(b2r - out_v[sl])
    pltpu.sync_copy(out_v, out_hbm.at[pl.ds(base, BPW)])


_sc_fused_call = functools.partial(
    pl.kernel,
    out_type=jax.ShapeDtypeStruct((B,), jnp.float32),
    mesh=plsc.VectorSubcoreMesh(core_axis_name="c", subcore_axis_name="s"),
    compiler_params=pltpu.CompilerParams(use_tc_tiling_on_sc=False,
                                         needs_layout_passes=False),
    scratch_types=[
        pltpu.VMEM((BPW,), jnp.int32),
        pltpu.VMEM((BPW,), jnp.int32),
        pltpu.VMEM((CH, D), jnp.float32),
        pltpu.VMEM((CH, D), jnp.float32),
        pltpu.VMEM((CH, D), jnp.float32),
        pltpu.VMEM((CH, D), jnp.float32),
        pltpu.VMEM((2, D), jnp.float32),
        pltpu.VMEM((BPW,), jnp.float32),
        pltpu.SemaphoreType.DMA,
        pltpu.SemaphoreType.DMA,
        pltpu.SemaphoreType.DMA,
        pltpu.SemaphoreType.DMA,
    ],
)(_sc_fused)


def kernel(inp, embed_table, W1, b1, W2, b2):
    idx = inp.astype(jnp.int32)
    idx0 = idx[:, 0]
    idx1 = idx[:, 1] + 256
    table = _precompute(embed_table, W1[:256], W1[256:], b1.reshape(1, 200),
                        W2.reshape(1, 200), b2.reshape(1))
    out = _sc_fused_call(table, idx0, idx1)
    return out.reshape(B, 1)

# --- scband reference (transcript-rebuilt; emitter-appended) ---
"""Pipeline reference for scband-baseline-71511205479069 (READ-ONLY COPY).

The authoritative reference and input builder live on the scoring server;
editing this copy changes nothing except your own understanding.
"""

import jax, jax.numpy as jnp
import numpy as np


def setup_inputs(seed: int = 0) -> dict:
    key = jax.random.key(seed)
    k_inp, k_emb, k_w1, k_b1, k_w2, k_b2 = jax.random.split(key, 6)
    B = 16384
    inp = jax.random.randint(k_inp, (B, 2), 0, 256, dtype=jnp.int64 if jax.config.jax_enable_x64 else jnp.int32)
    embed_table = jax.random.normal(k_emb, (256, 256), dtype=jnp.float32)
    # PyTorch Linear default init ~ U(-1/sqrt(fan_in), 1/sqrt(fan_in)); use normal-ish scale for simplicity
    W1 = jax.random.uniform(k_w1, (512, 200), minval=-1.0/np.sqrt(512), maxval=1.0/np.sqrt(512), dtype=jnp.float32)
    b1 = jax.random.uniform(k_b1, (200,), minval=-1.0/np.sqrt(512), maxval=1.0/np.sqrt(512), dtype=jnp.float32)
    W2 = jax.random.uniform(k_w2, (200, 1), minval=-1.0/np.sqrt(200), maxval=1.0/np.sqrt(200), dtype=jnp.float32)
    b2 = jax.random.uniform(k_b2, (1,), minval=-1.0/np.sqrt(200), maxval=1.0/np.sqrt(200), dtype=jnp.float32)
    return {"inp": inp, "embed_table": embed_table, "W1": W1, "b1": b1, "W2": W2, "b2": b2}


def reference(inp, embed_table, W1, b1, W2, b2):
    # embedding lookup: [B, 2] -> [B, 2, 256]
    embedded = jnp.take(embed_table, inp, axis=0)
    # flatten from dim 1: [B, 512]
    flat = embedded.reshape(embedded.shape[0], -1)
    z_1 = flat @ W1 + b1
    a_1 = jnp.tanh(z_1)
    z_2 = a_1 @ W2 + b2
    a_2 = jnp.tanh(z_2)
    return a_2

if __name__ == "__main__":
    import jax
    _d = setup_inputs()
    print(jax.jit(kernel)(*tuple(_d.values())))

</pallas_src>

<mosaic_0001>
#map = affine_map<(d0, d1) -> (0, 0)>
#map1 = affine_map<(d0, d1) -> (0)>
module attributes {stable_mosaic.version = 14 : i64} {
  func.func @_sc_fused(%arg0: i32, %arg1: i32, %arg2: memref<514x208xf32, #tpu.memory_space<hbm>>, %arg3: memref<16384xi32, #tpu.memory_space<hbm>>, %arg4: memref<16384xi32, #tpu.memory_space<hbm>>, %arg5: memref<16384xf32, #tpu.memory_space<hbm>>, %arg6: memref<512xi32, #tpu.memory_space<vmem>>, %arg7: memref<512xi32, #tpu.memory_space<vmem>>, %arg8: memref<128x208xf32, #tpu.memory_space<vmem>>, %arg9: memref<128x208xf32, #tpu.memory_space<vmem>>, %arg10: memref<128x208xf32, #tpu.memory_space<vmem>>, %arg11: memref<128x208xf32, #tpu.memory_space<vmem>>, %arg12: memref<2x208xf32, #tpu.memory_space<vmem>>, %arg13: memref<512xf32, #tpu.memory_space<vmem>>, %arg14: memref<!tpu.dma_semaphore, #tpu.memory_space<semaphore_mem>>, %arg15: memref<!tpu.dma_semaphore, #tpu.memory_space<semaphore_mem>>, %arg16: memref<!tpu.dma_semaphore, #tpu.memory_space<semaphore_mem>>, %arg17: memref<!tpu.dma_semaphore, #tpu.memory_space<semaphore_mem>>) attributes {dimension_semantics = [#tpu.dimension_semantics<core_parallel>, #tpu.dimension_semantics<subcore_parallel>], iteration_bounds = array<i64: 2, 16>, scalar_prefetch = 0 : i64, scratch_operands = 12 : i64, tpu.core_type = #tpu.core_type<sc_vector_subcore>, window_params = [{transform_indices = #map}, {transform_indices = #map1}, {transform_indices = #map1}, {transform_indices = #map1}]} {
    %mul3A = arith.constant 2 : i32
    %mul3A_0 = arith.muli %arg1, %mul3A : i32
    %add3A = arith.addi %mul3A_0, %arg0 : i32
    %mul3A_1 = arith.constant 512 : i32
    %mul3A_2 = arith.muli %add3A, %mul3A_1 : i32
    "tpu.region"() ({
      %run_scoped3A = tpu.sem_alloc : memref<!tpu.dma_semaphore, #tpu.memory_space<semaphore_mem>>
      %dma_start3A_582 = tpu.memref_slice %arg3[%mul3A_2] : memref<16384xi32, #tpu.memory_space<hbm>> -> memref<512xi32, #tpu.memory_space<hbm>>
      %dma_start3A_583 = tpu.memref_slice %arg3[%mul3A_2] : memref<16384xi32, #tpu.memory_space<hbm>> -> memref<512xi32, #tpu.memory_space<hbm>>
      tpu.enqueue_dma source(%dma_start3A_583 : memref<512xi32, #tpu.memory_space<hbm>>) target(%arg6 : memref<512xi32, #tpu.memory_space<vmem>>) target_semaphore(%run_scoped3A : memref<!tpu.dma_semaphore, #tpu.memory_space<semaphore_mem>>)
      %dma_wait3A = tpu.memref_slice %arg3[%mul3A_2] : memref<16384xi32, #tpu.memory_space<hbm>> -> memref<512xi32, #tpu.memory_space<hbm>>
      %dma_wait3A_584 = tpu.memref_slice %arg3[%mul3A_2] : memref<16384xi32, #tpu.memory_space<hbm>> -> memref<512xi32, #tpu.memory_space<hbm>>
      tpu.wait_dma2 semaphore(%run_scoped3A : memref<!tpu.dma_semaphore, #tpu.memory_space<semaphore_mem>>) src(%dma_wait3A_584 : memref<512xi32, #tpu.memory_space<hbm>>) dst(%arg6 : memref<512xi32, #tpu.memory_space<vmem>>)
      tpu.yield
    }) : () -> ()
    "tpu.region"() ({
      %run_scoped3A = tpu.sem_alloc : memref<!tpu.dma_semaphore, #tpu.memory_space<semaphore_mem>>
      %dma_start3A_582 = tpu.memref_slice %arg4[%mul3A_2] : memref<16384xi32, #tpu.memory_space<hbm>> -> memref<512xi32, #tpu.memory_space<hbm>>
      %dma_start3A_583 = tpu.memref_slice %arg4[%mul3A_2] : memref<16384xi32, #tpu.memory_space<hbm>> -> memref<512xi32, #tpu.memory_space<hbm>>
      tpu.enqueue_dma source(%dma_start3A_583 : memref<512xi32, #tpu.memory_space<hbm>>) target(%arg7 : memref<512xi32, #tpu.memory_space<vmem>>) target_semaphore(%run_scoped3A : memref<!tpu.dma_semaphore, #tpu.memory_space<semaphore_mem>>)
      %dma_wait3A = tpu.memref_slice %arg4[%mul3A_2] : memref<16384xi32, #tpu.memory_space<hbm>> -> memref<512xi32, #tpu.memory_space<hbm>>
      %dma_wait3A_584 = tpu.memref_slice %arg4[%mul3A_2] : memref<16384xi32, #tpu.memory_space<hbm>> -> memref<512xi32, #tpu.memory_space<hbm>>
      tpu.wait_dma2 semaphore(%run_scoped3A : memref<!tpu.dma_semaphore, #tpu.memory_space<semaphore_mem>>) src(%dma_wait3A_584 : memref<512xi32, #tpu.memory_space<hbm>>) dst(%arg7 : memref<512xi32, #tpu.memory_space<vmem>>)
      tpu.yield
    }) : () -> ()
    "tpu.region"() ({
      %run_scoped3A = tpu.sem_alloc : memref<!tpu.dma_semaphore, #tpu.memory_space<semaphore_mem>>
      %dma_start3A_582 = arith.constant 512 : i32
      %dma_start3A_583 = arith.constant 0 : i32
      %dma_start3A_584 = tpu.memref_slice %arg2[%dma_start3A_582, %dma_start3A_583] : memref<514x208xf32, #tpu.memory_space<hbm>> -> memref<2x208xf32, #tpu.memory_space<hbm>>
      %dma_start3A_585 = arith.constant 512 : i32
      %dma_start3A_586 = arith.constant 0 : i32
      %dma_start3A_587 = tpu.memref_slice %arg2[%dma_start3A_585, %dma_start3A_586] : memref<514x208xf32, #tpu.memory_space<hbm>> -> memref<2x208xf32, #tpu.memory_space<hbm>>
      tpu.enqueue_dma source(%dma_start3A_587 : memref<2x208xf32, #tpu.memory_space<hbm>>) target(%arg12 : memref<2x208xf32, #tpu.memory_space<vmem>>) target_semaphore(%run_scoped3A : memref<!tpu.dma_semaphore, #tpu.memory_space<semaphore_mem>>)
      %dma_wait3A = arith.constant 512 : i32
      %dma_wait3A_588 = arith.constant 0 : i32
      %dma_wait3A_589 = tpu.memref_slice %arg2[%dma_wait3A, %dma_wait3A_588] : memref<514x208xf32, #tpu.memory_space<hbm>> -> memref<2x208xf32, #tpu.memory_space<hbm>>
      %dma_wait3A_590 = arith.constant 512 : i32
      %dma_wait3A_591 = arith.constant 0 : i32
      %dma_wait3A_592 = tpu.memref_slice %arg2[%dma_wait3A_590, %dma_wait3A_591] : memref<514x208xf32, #tpu.memory_space<hbm>> -> memref<2x208xf32, #tpu.memory_space<hbm>>
      tpu.wait_dma2 semaphore(%run_scoped3A : memref<!tpu.dma_semaphore, #tpu.memory_space<semaphore_mem>>) src(%dma_wait3A_592 : memref<2x208xf32, #tpu.memory_space<hbm>>) dst(%arg12 : memref<2x208xf32, #tpu.memory_space<vmem>>)
      tpu.yield
    }) : () -> ()
    %iota3A = tpu.iota {dimensions = array<i32: 0>} : vector<16xi32>
    %eq3A = arith.constant 15 : i32
    %eq3A_3 = vector.broadcast %eq3A : i32 to vector<16xi32>
    %eq3A_4 = arith.cmpi eq, %iota3A, %eq3A_3 : vector<16xi32>
    %get3A = arith.constant 0 : i32
    %get3A_5 = arith.index_cast %get3A : i32 to index
    %get3A_6 = arith.constant 0 : index
    %get3A_7 = tpu.vector_load %arg12[%get3A_5, %get3A_6] {strides = array<i32>} : memref<2x208xf32, #tpu.memory_space<vmem>>, vector<16xf32>,
    %get3A_8 = arith.constant 0 : i32
    %get3A_9 = arith.index_cast %get3A_8 : i32 to index
    %get3A_10 = arith.constant 16 : index
    %get3A_11 = tpu.vector_load %arg12[%get3A_9, %get3A_10] {strides = array<i32>} : memref<2x208xf32, #tpu.memory_space<vmem>>, vector<16xf32>,
    %get3A_12 = arith.constant 0 : i32
    %get3A_13 = arith.index_cast %get3A_12 : i32 to index
    %get3A_14 = arith.constant 32 : index
    %get3A_15 = tpu.vector_load %arg12[%get3A_13, %get3A_14] {strides = array<i32>} : memref<2x208xf32, #tpu.memory_space<vmem>>, vector<16xf32>,
    %get3A_16 = arith.constant 0 : i32
    %get3A_17 = arith.index_cast %get3A_16 : i32 to index
    %get3A_18 = arith.constant 48 : index
    %get3A_19 = tpu.vector_load %arg12[%get3A_17, %get3A_18] {strides = array<i32>} : memref<2x208xf32, #tpu.memory_space<vmem>>, vector<16xf32>,
    %get3A_20 = arith.constant 0 : i32
    %get3A_21 = arith.index_cast %get3A_20 : i32 to index
    %get3A_22 = arith.constant 64 : index
    %get3A_23 = tpu.vector_load %arg12[%get3A_21, %get3A_22] {strides = array<i32>} : memref<2x208xf32, #tpu.memory_space<vmem>>, vector<16xf32>,
    %get3A_24 = arith.constant 0 : i32
    %get3A_25 = arith.index_cast %get3A_24 : i32 to index
    %get3A_26 = arith.constant 80 : index
    %get3A_27 = tpu.vector_load %arg12[%get3A_25, %get3A_26] {strides = array<i32>} : memref<2x208xf32, #tpu.memory_space<vmem>>, vector<16xf32>,
    %get3A_28 = arith.constant 0 : i32
    %get3A_29 = arith.index_cast %get3A_28 : i32 to index
    %get3A_30 = arith.constant 96 : index
    %get3A_31 = tpu.vector_load %arg12[%get3A_29, %get3A_30] {strides = array<i32>} : memref<2x208xf32, #tpu.memory_space<vmem>>, vector<16xf32>,
    %get3A_32 = arith.constant 0 : i32
    %get3A_33 = arith.index_cast %get3A_32 : i32 to index
    %get3A_34 = arith.constant 112 : index
    %get3A_35 = tpu.vector_load %arg12[%get3A_33, %get3A_34] {strides = array<i32>} : memref<2x208xf32, #tpu.memory_space<vmem>>, vector<16xf32>,
    %get3A_36 = arith.constant 0 : i32
    %get3A_37 = arith.index_cast %get3A_36 : i32 to index
    %get3A_38 = arith.constant 128 : index
    %get3A_39 = tpu.vector_load %arg12[%get3A_37, %get3A_38] {strides = array<i32>} : memref<2x208xf32, #tpu.memory_space<vmem>>, vector<16xf32>,
    %get3A_40 = arith.constant 0 : i32
    %get3A_41 = arith.index_cast %get3A_40 : i32 to index
    %get3A_42 = arith.constant 144 : index
    %get3A_43 = tpu.vector_load %arg12[%get3A_41, %get3A_42] {strides = array<i32>} : memref<2x208xf32, #tpu.memory_space<vmem>>, vector<16xf32>,
    %get3A_44 = arith.constant 0 : i32
    %get3A_45 = arith.index_cast %get3A_44 : i32 to index
    %get3A_46 = arith.constant 160 : index
    %get3A_47 = tpu.vector_load %arg12[%get3A_45, %get3A_46] {strides = array<i32>} : memref<2x208xf32, #tpu.memory_space<vmem>>, vector<16xf32>,
    %get3A_48 = arith.constant 0 : i32
    %get3A_49 = arith.index_cast %get3A_48 : i32 to index
    %get3A_50 = arith.constant 176 : index
    %get3A_51 = tpu.vector_load %arg12[%get3A_49, %get3A_50] {strides = array<i32>} : memref<2x208xf32, #tpu.memory_space<vmem>>, vector<16xf32>,
    %get3A_52 = arith.constant 0 : i32
    %get3A_53 = arith.index_cast %get3A_52 : i32 to index
    %get3A_54 = arith.constant 192 : index
    %get3A_55 = tpu.vector_load %arg12[%get3A_53, %get3A_54] {strides = array<i32>} : memref<2x208xf32, #tpu.memory_space<vmem>>, vector<16xf32>,
    %get3A_56 = arith.constant 1 : i32
    %get3A_57 = arith.index_cast %get3A_56 : i32 to index
    %get3A_58 = arith.constant 0 : index
    %get3A_59 = tpu.vector_load %arg12[%get3A_57, %get3A_58] {strides = array<i32>} : memref<2x208xf32, #tpu.memory_space<vmem>>, vector<16xf32>,
    %dma_start3A = arith.constant 0 : i32
    %dma_start3A_60 = tpu.memref_slice %arg6[%dma_start3A] : memref<512xi32, #tpu.memory_space<vmem>> -> memref<128xi32, #tpu.memory_space<vmem>>
    %dma_start3A_61 = arith.constant 0 : i32
    %dma_start3A_62 = arith.constant 0 : i32
    %dma_start3A_63 = tpu.memref_slice %arg2[%dma_start3A_61, %dma_start3A_62] : memref<514x208xf32, #tpu.memory_space<hbm>> -> memref<514x208xf32, #tpu.memory_space<hbm>>
    tpu.enqueue_indirect_dma source(%dma_start3A_63 : memref<514x208xf32, #tpu.memory_space<hbm>>) target(%arg8 : memref<128x208xf32, #tpu.memory_space<vmem>>) offsets(%dma_start3A_60 : memref<128xi32, #tpu.memory_space<vmem>>) semaphore(%arg14 : memref<!tpu.dma_semaphore, #tpu.memory_space<semaphore_mem>>)
    %dma_start3A_64 = arith.constant 0 : i32
    %dma_start3A_65 = tpu.memref_slice %arg7[%dma_start3A_64] : memref<512xi32, #tpu.memory_space<vmem>> -> memref<128xi32, #tpu.memory_space<vmem>>
    %dma_start3A_66 = arith.constant 0 : i32
    %dma_start3A_67 = arith.constant 0 : i32
    %dma_start3A_68 = tpu.memref_slice %arg2[%dma_start3A_66, %dma_start3A_67] : memref<514x208xf32, #tpu.memory_space<hbm>> -> memref<514x208xf32, #tpu.memory_space<hbm>>
    tpu.enqueue_indirect_dma source(%dma_start3A_68 : memref<514x208xf32, #tpu.memory_space<hbm>>) target(%arg9 : memref<128x208xf32, #tpu.memory_space<vmem>>) offsets(%dma_start3A_65 : memref<128xi32, #tpu.memory_space<vmem>>) semaphore(%arg15 : memref<!tpu.dma_semaphore, #tpu.memory_space<semaphore_mem>>)
    %scan3A = arith.constant 0 : i32
    %scan3A_69 = arith.constant 0 : i32
    %scan3A_70 = arith.constant 2 : i32
    %scan3A_71 = arith.addi %scan3A_69, %scan3A_70 : i32
    %scan3A_72 = arith.constant 1 : i32
    scf.for %scan3A_582 = %scan3A_69 to %scan3A_71 step %scan3A_72  : i32 {
      %mul3A_583 = arith.constant 2 : i32
      %mul3A_584 = arith.muli %mul3A_583, %scan3A_582 : i32
      %add3A_585 = arith.constant 1 : i32
      %add3A_586 = arith.addi %mul3A_584, %add3A_585 : i32
      %mul3A_587 = arith.constant 128 : i32
      %mul3A_588 = arith.muli %add3A_586, %mul3A_587 : i32
      %dma_start3A_589 = tpu.memref_slice %arg6[%mul3A_588] : memref<512xi32, #tpu.memory_space<vmem>> -> memref<128xi32, #tpu.memory_space<vmem>>
      %dma_start3A_590 = arith.constant 0 : i32
      %dma_start3A_591 = arith.constant 0 : i32
      %dma_start3A_592 = tpu.memref_slice %arg2[%dma_start3A_590, %dma_start3A_591] : memref<514x208xf32, #tpu.memory_space<hbm>> -> memref<514x208xf32, #tpu.memory_space<hbm>>
      tpu.enqueue_indirect_dma source(%dma_start3A_592 : memref<514x208xf32, #tpu.memory_space<hbm>>) target(%arg10 : memref<128x208xf32, #tpu.memory_space<vmem>>) offsets(%dma_start3A_589 : memref<128xi32, #tpu.memory_space<vmem>>) semaphore(%arg16 : memref<!tpu.dma_semaphore, #tpu.memory_space<semaphore_mem>>)
      %mul3A_593 = arith.constant 128 : i32
      %mul3A_594 = arith.muli %add3A_586, %mul3A_593 : i32
      %dma_start3A_595 = tpu.memref_slice %arg7[%mul3A_594] : memref<512xi32, #tpu.memory_space<vmem>> -> memref<128xi32, #tpu.memory_space<vmem>>
      %dma_start3A_596 = arith.constant 0 : i32
      %dma_start3A_597 = arith.constant 0 : i32
      %dma_start3A_598 = tpu.memref_slice %arg2[%dma_start3A_596, %dma_start3A_597] : memref<514x208xf32, #tpu.memory_space<hbm>> -> memref<514x208xf32, #tpu.memory_space<hbm>>
      tpu.enqueue_indirect_dma source(%dma_start3A_598 : memref<514x208xf32, #tpu.memory_space<hbm>>) target(%arg11 : memref<128x208xf32, #tpu.memory_space<vmem>>) offsets(%dma_start3A_595 : memref<128xi32, #tpu.memory_space<vmem>>) semaphore(%arg17 : memref<!tpu.dma_semaphore, #tpu.memory_space<semaphore_mem>>)
      %dma_wait3A = arith.constant 0 : i32
      %dma_wait3A_599 = tpu.memref_slice %arg6[%dma_wait3A] : memref<512xi32, #tpu.memory_space<vmem>> -> memref<128xi32, #tpu.memory_space<vmem>>
      %dma_wait3A_600 = arith.constant 0 : i32
      %dma_wait3A_601 = arith.constant 0 : i32
      %dma_wait3A_602 = tpu.memref_slice %arg2[%dma_wait3A_600, %dma_wait3A_601] : memref<514x208xf32, #tpu.memory_space<hbm>> -> memref<514x208xf32, #tpu.memory_space<hbm>>
      tpu.wait_indirect_dma semaphore(%arg14 : memref<!tpu.dma_semaphore, #tpu.memory_space<semaphore_mem>>) src(%dma_wait3A_602 : memref<514x208xf32, #tpu.memory_space<hbm>>) dst(%arg8 : memref<128x208xf32, #tpu.memory_space<vmem>>)
      %dma_wait3A_603 = arith.constant 0 : i32
      %dma_wait3A_604 = tpu.memref_slice %arg7[%dma_wait3A_603] : memref<512xi32, #tpu.memory_space<vmem>> -> memref<128xi32, #tpu.memory_space<vmem>>
      %dma_wait3A_605 = arith.constant 0 : i32
      %dma_wait3A_606 = arith.constant 0 : i32
      %dma_wait3A_607 = tpu.memref_slice %arg2[%dma_wait3A_605, %dma_wait3A_606] : memref<514x208xf32, #tpu.memory_space<hbm>> -> memref<514x208xf32, #tpu.memory_space<hbm>>
      tpu.wait_indirect_dma semaphore(%arg15 : memref<!tpu.dma_semaphore, #tpu.memory_space<semaphore_mem>>) src(%dma_wait3A_607 : memref<514x208xf32, #tpu.memory_space<hbm>>) dst(%arg9 : memref<128x208xf32, #tpu.memory_space<vmem>>)
      %parallel_loop3A = arith.constant 0 : i32
      %parallel_loop3A_608 = arith.constant 128 : i32
      %parallel_loop3A_609 = arith.constant 1 : i32
      scf.for %parallel_loop3A_629 = %parallel_loop3A to %parallel_loop3A_608 step %parallel_loop3A_609  : i32 {
        %parallel_loop3A_630 = arith.constant 0.000000e+00 : f32
        %parallel_loop3A_631 = vector.broadcast %parallel_loop3A_630 : f32 to vector<16xf32>
        %parallel_loop3A_632 = arith.constant 0.000000e+00 : f32
        %parallel_loop3A_633 = vector.broadcast %parallel_loop3A_632 : f32 to vector<16xf32>
        %parallel_loop3A_634 = arith.index_cast %parallel_loop3A_629 : i32 to index
        %parallel_loop3A_635 = arith.constant 0 : index
        %parallel_loop3A_636 = tpu.vector_load %arg8[%parallel_loop3A_634, %parallel_loop3A_635] {strides = array<i32>} : memref<128x208xf32, #tpu.memory_space<vmem>>, vector<16xf32>,
        %parallel_loop3A_637 = arith.index_cast %parallel_loop3A_629 : i32 to index
        %parallel_loop3A_638 = arith.constant 0 : index
        %parallel_loop3A_639 = tpu.vector_load %arg9[%parallel_loop3A_637, %parallel_loop3A_638] {strides = array<i32>} : memref<128x208xf32, #tpu.memory_space<vmem>>, vector<16xf32>,
        %parallel_loop3A_640 = arith.addf %parallel_loop3A_636, %parallel_loop3A_639 : vector<16xf32>
        %parallel_loop3A_641 = math.exp %parallel_loop3A_640 : vector<16xf32>
        %parallel_loop3A_642 = arith.constant 1.000000e+00 : f32
        %parallel_loop3A_643 = vector.broadcast %parallel_loop3A_642 : f32 to vector<16xf32>
        %parallel_loop3A_644 = arith.addf %parallel_loop3A_641, %parallel_loop3A_643 : vector<16xf32>
        %parallel_loop3A_645 = arith.divf %get3A_7, %parallel_loop3A_644 : vector<16xf32>
        %parallel_loop3A_646 = arith.addf %parallel_loop3A_631, %parallel_loop3A_645 : vector<16xf32>
        %parallel_loop3A_647 = arith.index_cast %parallel_loop3A_629 : i32 to index
        %parallel_loop3A_648 = arith.constant 16 : index
        %parallel_loop3A_649 = tpu.vector_load %arg8[%parallel_loop3A_647, %parallel_loop3A_648] {strides = array<i32>} : memref<128x208xf32, #tpu.memory_space<vmem>>, vector<16xf32>,
        %parallel_loop3A_650 = arith.index_cast %parallel_loop3A_629 : i32 to index
        %parallel_loop3A_651 = arith.constant 16 : index
        %parallel_loop3A_652 = tpu.vector_load %arg9[%parallel_loop3A_650, %parallel_loop3A_651] {strides = array<i32>} : memref<128x208xf32, #tpu.memory_space<vmem>>, vector<16xf32>,
        %parallel_loop3A_653 = arith.addf %parallel_loop3A_649, %parallel_loop3A_652 : vector<16xf32>
        %parallel_loop3A_654 = math.exp %parallel_loop3A_653 : vector<16xf32>
        %parallel_loop3A_655 = arith.constant 1.000000e+00 : f32
        %parallel_loop3A_656 = vector.broadcast %parallel_loop3A_655 : f32 to vector<16xf32>
        %parallel_loop3A_657 = arith.addf %parallel_loop3A_654, %parallel_loop3A_656 : vector<16xf32>
        %parallel_loop3A_658 = arith.divf %get3A_11, %parallel_loop3A_657 : vector<16xf32>
        %parallel_loop3A_659 = arith.addf %parallel_loop3A_633, %parallel_loop3A_658 : vector<16xf32>
        %parallel_loop3A_660 = arith.index_cast %parallel_loop3A_629 : i32 to index
        %parallel_loop3A_661 = arith.constant 32 : index
        %parallel_loop3A_662 = tpu.vector_load %arg8[%parallel_loop3A_660, %parallel_loop3A_661] {strides = array<i32>} : memref<128x208xf32, #tpu.memory_space<vmem>>, vector<16xf32>,
        %parallel_loop3A_663 = arith.index_cast %parallel_loop3A_629 : i32 to index
        %parallel_loop3A_664 = arith.constant 32 : index
        %parallel_loop3A_665 = tpu.vector_load %arg9[%parallel_loop3A_663, %parallel_loop3A_664] {strides = array<i32>} : memref<128x208xf32, #tpu.memory_space<vmem>>, vector<16xf32>,
        %parallel_loop3A_666 = arith.addf %parallel_loop3A_662, %parallel_loop3A_665 : vector<16xf32>
        %parallel_loop3A_667 = math.exp %parallel_loop3A_666 : vector<16xf32>
        %parallel_loop3A_668 = arith.constant 1.000000e+00 : f32
        %parallel_loop3A_669 = vector.broadcast %parallel_loop3A_668 : f32 to vector<16xf32>
        %parallel_loop3A_670 = arith.addf %parallel_loop3A_667, %parallel_loop3A_669 : vector<16xf32>
        %parallel_loop3A_671 = arith.divf %get3A_15, %parallel_loop3A_670 : vector<16xf32>
        %parallel_loop3A_672 = arith.addf %parallel_loop3A_646, %parallel_loop3A_671 : vector<16xf32>
        %parallel_loop3A_673 = arith.index_cast %parallel_loop3A_629 : i32 to index
        %parallel_loop3A_674 = arith.constant 48 : index
        %parallel_loop3A_675 = tpu.vector_load %arg8[%parallel_loop3A_673, %parallel_loop3A_674] {strides = array<i32>} : memref<128x208xf32, #tpu.memory_space<vmem>>, vector<16xf32>,
        %parallel_loop3A_676 = arith.index_cast %parallel_loop3A_629 : i32 to index
        %parallel_loop3A_677 = arith.constant 48 : index
        %parallel_loop3A_678 = tpu.vector_load %arg9[%parallel_loop3A_676, %parallel_loop3A_677] {strides = array<i32>} : memref<128x208xf32, #tpu.memory_space<vmem>>, vector<16xf32>,
        %parallel_loop3A_679 = arith.addf %parallel_loop3A_675, %parallel_loop3A_678 : vector<16xf32>
        %parallel_loop3A_680 = math.exp %parallel_loop3A_679 : vector<16xf32>
        %parallel_loop3A_681 = arith.constant 1.000000e+00 : f32
        %parallel_loop3A_682 = vector.broadcast %parallel_loop3A_681 : f32 to vector<16xf32>
        %parallel_loop3A_683 = arith.addf %parallel_loop3A_680, %parallel_loop3A_682 : vector<16xf32>
        %parallel_loop3A_684 = arith.divf %get3A_19, %parallel_loop3A_683 : vector<16xf32>
        %parallel_loop3A_685 = arith.addf %parallel_loop3A_659, %parallel_loop3A_684 : vector<16xf32>
        %parallel_loop3A_686 = arith.index_cast %parallel_loop3A_629 : i32 to index
        %parallel_loop3A_687 = arith.constant 64 : index
        %parallel_loop3A_688 = tpu.vector_load %arg8[%parallel_loop3A_686, %parallel_loop3A_687] {strides = array<i32>} : memref<128x208xf32, #tpu.memory_space<vmem>>, vector<16xf32>,
        %parallel_loop3A_689 = arith.index_cast %parallel_loop3A_629 : i32 to index
        %parallel_loop3A_690 = arith.constant 64 : index
        %parallel_loop3A_691 = tpu.vector_load %arg9[%parallel_loop3A_689, %parallel_loop3A_690] {strides = array<i32>} : memref<128x208xf32, #tpu.memory_space<vmem>>, vector<16xf32>,
        %parallel_loop3A_692 = arith.addf %parallel_loop3A_688, %parallel_loop3A_691 : vector<16xf32>
        %parallel_loop3A_693 = math.exp %parallel_loop3A_692 : vector<16xf32>
        %parallel_loop3A_694 = arith.constant 1.000000e+00 : f32
        %parallel_loop3A_695 = vector.broadcast %parallel_loop3A_694 : f32 to vector<16xf32>
        %parallel_loop3A_696 = arith.addf %parallel_loop3A_693, %parallel_loop3A_695 : vector<16xf32>
        %parallel_loop3A_697 = arith.divf %get3A_23, %parallel_loop3A_696 : vector<16xf32>
        %parallel_loop3A_698 = arith.addf %parallel_loop3A_672, %parallel_loop3A_697 : vector<16xf32>
        %parallel_loop3A_699 = arith.index_cast %parallel_loop3A_629 : i32 to index
        %parallel_loop3A_700 = arith.constant 80 : index
        %parallel_loop3A_701 = tpu.vector_load %arg8[%parallel_loop3A_699, %parallel_loop3A_700] {strides = array<i32>} : memref<128x208xf32, #tpu.memory_space<vmem>>, vector<16xf32>,
        %parallel_loop3A_702 = arith.index_cast %parallel_loop3A_629 : i32 to index
        %parallel_loop3A_703 = arith.constant 80 : index
        %parallel_loop3A_704 = tpu.vector_load %arg9[%parallel_loop3A_702, %parallel_loop3A_703] {strides = array<i32>} : memref<128x208xf32, #tpu.memory_space<vmem>>, vector<16xf32>,
        %parallel_loop3A_705 = arith.addf %parallel_loop3A_701, %parallel_loop3A_704 : vector<16xf32>
        %parallel_loop3A_706 = math.exp %parallel_loop3A_705 : vector<16xf32>
        %parallel_loop3A_707 = arith.constant 1.000000e+00 : f32
        %parallel_loop3A_708 = vector.broadcast %parallel_loop3A_707 : f32 to vector<16xf32>
        %parallel_loop3A_709 = arith.addf %parallel_loop3A_706, %parallel_loop3A_708 : vector<16xf32>
        %parallel_loop3A_710 = arith.divf %get3A_27, %parallel_loop3A_709 : vector<16xf32>
        %parallel_loop3A_711 = arith.addf %parallel_loop3A_685, %parallel_loop3A_710 : vector<16xf32>
        %parallel_loop3A_712 = arith.index_cast %parallel_loop3A_629 : i32 to index
        %parallel_loop3A_713 = arith.constant 96 : index
        %parallel_loop3A_714 = tpu.vector_load %arg8[%parallel_loop3A_712, %parallel_loop3A_713] {strides = array<i32>} : memref<128x208xf32, #tpu.memory_space<vmem>>, vector<16xf32>,
        %parallel_loop3A_715 = arith.index_cast %parallel_loop3A_629 : i32 to index
        %parallel_loop3A_716 = arith.constant 96 : index
        %parallel_loop3A_717 = tpu.vector_load %arg9[%parallel_loop3A_715, %parallel_loop3A_716] {strides = array<i32>} : memref<128x208xf32, #tpu.memory_space<vmem>>, vector<16xf32>,
        %parallel_loop3A_718 = arith.addf %parallel_loop3A_714, %parallel_loop3A_717 : vector<16xf32>
        %parallel_loop3A_719 = math.exp %parallel_loop3A_718 : vector<16xf32>
        %parallel_loop3A_720 = arith.constant 1.000000e+00 : f32
        %parallel_loop3A_721 = vector.broadcast %parallel_loop3A_720 : f32 to vector<16xf32>
        %parallel_loop3A_722 = arith.addf %parallel_loop3A_719, %parallel_loop3A_721 : vector<16xf32>
        %parallel_loop3A_723 = arith.divf %get3A_31, %parallel_loop3A_722 : vector<16xf32>
        %parallel_loop3A_724 = arith.addf %parallel_loop3A_698, %parallel_loop3A_723 : vector<16xf32>
        %parallel_loop3A_725 = arith.index_cast %parallel_loop3A_629 : i32 to index
        %parallel_loop3A_726 = arith.constant 112 : index
        %parallel_loop3A_727 = tpu.vector_load %arg8[%parallel_loop3A_725, %parallel_loop3A_726] {strides = array<i32>} : memref<128x208xf32, #tpu.memory_space<vmem>>, vector<16xf32>,
        %parallel_loop3A_728 = arith.index_cast %parallel_loop3A_629 : i32 to index
        %parallel_loop3A_729 = arith.constant 112 : index
        %parallel_loop3A_730 = tpu.vector_load %arg9[%parallel_loop3A_728, %parallel_loop3A_729] {strides = array<i32>} : memref<128x208xf32, #tpu.memory_space<vmem>>, vector<16xf32>,
        %parallel_loop3A_731 = arith.addf %parallel_loop3A_727, %parallel_loop3A_730 : vector<16xf32>
        %parallel_loop3A_732 = math.exp %parallel_loop3A_731 : vector<16xf32>
        %parallel_loop3A_733 = arith.constant 1.000000e+00 : f32
        %parallel_loop3A_734 = vector.broadcast %parallel_loop3A_733 : f32 to vector<16xf32>
        %parallel_loop3A_735 = arith.addf %parallel_loop3A_732, %parallel_loop3A_734 : vector<16xf32>
        %parallel_loop3A_736 = arith.divf %get3A_35, %parallel_loop3A_735 : vector<16xf32>
        %parallel_loop3A_737 = arith.addf %parallel_loop3A_711, %parallel_loop3A_736 : vector<16xf32>
        %parallel_loop3A_738 = arith.index_cast %parallel_loop3A_629 : i32 to index
        %parallel_loop3A_739 = arith.constant 128 : index
        %parallel_loop3A_740 = tpu.vector_load %arg8[%parallel_loop3A_738, %parallel_loop3A_739] {strides = array<i32>} : memref<128x208xf32, #tpu.memory_space<vmem>>, vector<16xf32>,
        %parallel_loop3A_741 = arith.index_cast %parallel_loop3A_629 : i32 to index
        %parallel_loop3A_742 = arith.constant 128 : index
        %parallel_loop3A_743 = tpu.vector_load %arg9[%parallel_loop3A_741, %parallel_loop3A_742] {strides = array<i32>} : memref<128x208xf32, #tpu.memory_space<vmem>>, vector<16xf32>,
        %parallel_loop3A_744 = arith.addf %parallel_loop3A_740, %parallel_loop3A_743 : vector<16xf32>
        %parallel_loop3A_745 = math.exp %parallel_loop3A_744 : vector<16xf32>
        %parallel_loop3A_746 = arith.constant 1.000000e+00 : f32
        %parallel_loop3A_747 = vector.broadcast %parallel_loop3A_746 : f32 to vector<16xf32>
        %parallel_loop3A_748 = arith.addf %parallel_loop3A_745, %parallel_loop3A_747 : vector<16xf32>
        %parallel_loop3A_749 = arith.divf %get3A_39, %parallel_loop3A_748 : vector<16xf32>
        %parallel_loop3A_750 = arith.addf %parallel_loop3A_724, %parallel_loop3A_749 : vector<16xf32>
        %parallel_loop3A_751 = arith.index_cast %parallel_loop3A_629 : i32 to index
        %parallel_loop3A_752 = arith.constant 144 : index
        %parallel_loop3A_753 = tpu.vector_load %arg8[%parallel_loop3A_751, %parallel_loop3A_752] {strides = array<i32>} : memref<128x208xf32, #tpu.memory_space<vmem>>, vector<16xf32>,
        %parallel_loop3A_754 = arith.index_cast %parallel_loop3A_629 : i32 to index
        %parallel_loop3A_755 = arith.constant 144 : index
        %parallel_loop3A_756 = tpu.vector_load %arg9[%parallel_loop3A_754, %parallel_loop3A_755] {strides = array<i32>} : memref<128x208xf32, #tpu.memory_space<vmem>>, vector<16xf32>,
        %parallel_loop3A_757 = arith.addf %parallel_loop3A_753, %parallel_loop3A_756 : vector<16xf32>
        %parallel_loop3A_758 = math.exp %parallel_loop3A_757 : vector<16xf32>
        %parallel_loop3A_759 = arith.constant 1.000000e+00 : f32
        %parallel_loop3A_760 = vector.broadcast %parallel_loop3A_759 : f32 to vector<16xf32>
        %parallel_loop3A_761 = arith.addf %parallel_loop3A_758, %parallel_loop3A_760 : vector<16xf32>
        %parallel_loop3A_762 = arith.divf %get3A_43, %parallel_loop3A_761 : vector<16xf32>
        %parallel_loop3A_763 = arith.addf %parallel_loop3A_737, %parallel_loop3A_762 : vector<16xf32>
        %parallel_loop3A_764 = arith.index_cast %parallel_loop3A_629 : i32 to index
        %parallel_loop3A_765 = arith.constant 160 : index
        %parallel_loop3A_766 = tpu.vector_load %arg8[%parallel_loop3A_764, %parallel_loop3A_765] {strides = array<i32>} : memref<128x208xf32, #tpu.memory_space<vmem>>, vector<16xf32>,
        %parallel_loop3A_767 = arith.index_cast %parallel_loop3A_629 : i32 to index
        %parallel_loop3A_768 = arith.constant 160 : index
        %parallel_loop3A_769 = tpu.vector_load %arg9[%parallel_loop3A_767, %parallel_loop3A_768] {strides = array<i32>} : memref<128x208xf32, #tpu.memory_space<vmem>>, vector<16xf32>,
        %parallel_loop3A_770 = arith.addf %parallel_loop3A_766, %parallel_loop3A_769 : vector<16xf32>
        %parallel_loop3A_771 = math.exp %parallel_loop3A_770 : vector<16xf32>
        %parallel_loop3A_772 = arith.constant 1.000000e+00 : f32
        %parallel_loop3A_773 = vector.broadcast %parallel_loop3A_772 : f32 to vector<16xf32>
        %parallel_loop3A_774 = arith.addf %parallel_loop3A_771, %parallel_loop3A_773 : vector<16xf32>
        %parallel_loop3A_775 = arith.divf %get3A_47, %parallel_loop3A_774 : vector<16xf32>
        %parallel_loop3A_776 = arith.addf %parallel_loop3A_750, %parallel_loop3A_775 : vector<16xf32>
        %parallel_loop3A_777 = arith.index_cast %parallel_loop3A_629 : i32 to index
        %parallel_loop3A_778 = arith.constant 176 : index
        %parallel_loop3A_779 = tpu.vector_load %arg8[%parallel_loop3A_777, %parallel_loop3A_778] {strides = array<i32>} : memref<128x208xf32, #tpu.memory_space<vmem>>, vector<16xf32>,
        %parallel_loop3A_780 = arith.index_cast %parallel_loop3A_629 : i32 to index
        %parallel_loop3A_781 = arith.constant 176 : index
        %parallel_loop3A_782 = tpu.vector_load %arg9[%parallel_loop3A_780, %parallel_loop3A_781] {strides = array<i32>} : memref<128x208xf32, #tpu.memory_space<vmem>>, vector<16xf32>,
        %parallel_loop3A_783 = arith.addf %parallel_loop3A_779, %parallel_loop3A_782 : vector<16xf32>
        %parallel_loop3A_784 = math.exp %parallel_loop3A_783 : vector<16xf32>
        %parallel_loop3A_785 = arith.constant 1.000000e+00 : f32
        %parallel_loop3A_786 = vector.broadcast %parallel_loop3A_785 : f32 to vector<16xf32>
        %parallel_loop3A_787 = arith.addf %parallel_loop3A_784, %parallel_loop3A_786 : vector<16xf32>
        %parallel_loop3A_788 = arith.divf %get3A_51, %parallel_loop3A_787 : vector<16xf32>
        %parallel_loop3A_789 = arith.addf %parallel_loop3A_763, %parallel_loop3A_788 : vector<16xf32>
        %parallel_loop3A_790 = arith.index_cast %parallel_loop3A_629 : i32 to index
        %parallel_loop3A_791 = arith.constant 192 : index
        %parallel_loop3A_792 = tpu.vector_load %arg8[%parallel_loop3A_790, %parallel_loop3A_791] {strides = array<i32>} : memref<128x208xf32, #tpu.memory_space<vmem>>, vector<16xf32>,
        %parallel_loop3A_793 = arith.index_cast %parallel_loop3A_629 : i32 to index
        %parallel_loop3A_794 = arith.constant 192 : index
        %parallel_loop3A_795 = tpu.vector_load %arg9[%parallel_loop3A_793, %parallel_loop3A_794] {strides = array<i32>} : memref<128x208xf32, #tpu.memory_space<vmem>>, vector<16xf32>,
        %parallel_loop3A_796 = arith.addf %parallel_loop3A_792, %parallel_loop3A_795 : vector<16xf32>
        %parallel_loop3A_797 = math.exp %parallel_loop3A_796 : vector<16xf32>
        %parallel_loop3A_798 = arith.constant 1.000000e+00 : f32
        %parallel_loop3A_799 = vector.broadcast %parallel_loop3A_798 : f32 to vector<16xf32>
        %parallel_loop3A_800 = arith.addf %parallel_loop3A_797, %parallel_loop3A_799 : vector<16xf32>
        %parallel_loop3A_801 = arith.divf %get3A_55, %parallel_loop3A_800 : vector<16xf32>
        %parallel_loop3A_802 = arith.addf %parallel_loop3A_776, %parallel_loop3A_801 : vector<16xf32>
        %parallel_loop3A_803 = arith.addf %parallel_loop3A_802, %parallel_loop3A_789 : vector<16xf32>
        %parallel_loop3A_804 = arith.constant true
        %parallel_loop3A_805 = vector.broadcast %parallel_loop3A_804 : i1 to vector<16xi1>
        %parallel_loop3A_806 = tpu.scan <sum>, %parallel_loop3A_803 masked %parallel_loop3A_805 : vector<16xf32>, vector<16xi1> -> vector<16xf32>
        %parallel_loop3A_807 = arith.constant 128 : i32
        %parallel_loop3A_808 = arith.muli %mul3A_584, %parallel_loop3A_807 : i32
        %parallel_loop3A_809 = vector.broadcast %parallel_loop3A_808 : i32 to vector<16xi32>
        %parallel_loop3A_810 = vector.broadcast %parallel_loop3A_629 : i32 to vector<16xi32>
        %parallel_loop3A_811 = arith.addi %parallel_loop3A_809, %parallel_loop3A_810 : vector<16xi32>
        tpu.vector_store_idx %arg13[%parallel_loop3A_811], %parallel_loop3A_806 masked %eq3A_4 : memref<512xf32, #tpu.memory_space<vmem>>[vector<16xi32>], vector<16xf32>, vector<16xi1>
      } {sc.loop_unroll_factor = 4 : i64, sc.parallel_access}
      %add3A_610 = arith.constant 1 : i32
      %add3A_611 = arith.addi %scan3A_582, %add3A_610 : i32
      %lt3A = arith.constant 2 : i32
      %lt3A_612 = arith.cmpi slt, %add3A_611, %lt3A : i32
      %convert_element_type3A = arith.extui %lt3A_612 : i1 to i32
      %cond3A = arith.constant 0 : i32
      %cond3A_613 = arith.cmpi ne, %convert_element_type3A, %cond3A : i32
      scf.if %cond3A_613 {
        %add3A_629 = arith.constant 2 : i32
        %add3A_630 = arith.addi %mul3A_584, %add3A_629 : i32
        %mul3A_631 = arith.constant 128 : i32
        %mul3A_632 = arith.muli %add3A_630, %mul3A_631 : i32
        %dma_start3A_633 = tpu.memref_slice %arg6[%mul3A_632] : memref<512xi32, #tpu.memory_space<vmem>> -> memref<128xi32, #tpu.memory_space<vmem>>
        %dma_start3A_634 = arith.constant 0 : i32
        %dma_start3A_635 = arith.constant 0 : i32
        %dma_start3A_636 = tpu.memref_slice %arg2[%dma_start3A_634, %dma_start3A_635] : memref<514x208xf32, #tpu.memory_space<hbm>> -> memref<514x208xf32, #tpu.memory_space<hbm>>
        tpu.enqueue_indirect_dma source(%dma_start3A_636 : memref<514x208xf32, #tpu.memory_space<hbm>>) target(%arg8 : memref<128x208xf32, #tpu.memory_space<vmem>>) offsets(%dma_start3A_633 : memref<128xi32, #tpu.memory_space<vmem>>) semaphore(%arg14 : memref<!tpu.dma_semaphore, #tpu.memory_space<semaphore_mem>>)
        %mul3A_637 = arith.constant 128 : i32
        %mul3A_638 = arith.muli %add3A_630, %mul3A_637 : i32
        %dma_start3A_639 = tpu.memref_slice %arg7[%mul3A_638] : memref<512xi32, #tpu.memory_space<vmem>> -> memref<128xi32, #tpu.memory_space<vmem>>
        %dma_start3A_640 = arith.constant 0 : i32
        %dma_start3A_641 = arith.constant 0 : i32
        %dma_start3A_642 = tpu.memref_slice %arg2[%dma_start3A_640, %dma_start3A_641] : memref<514x208xf32, #tpu.memory_space<hbm>> -> memref<514x208xf32, #tpu.memory_space<hbm>>
        tpu.enqueue_indirect_dma source(%dma_start3A_642 : memref<514x208xf32, #tpu.memory_space<hbm>>) target(%arg9 : memref<128x208xf32, #tpu.memory_space<vmem>>) offsets(%dma_start3A_639 : memref<128xi32, #tpu.memory_space<vmem>>) semaphore(%arg15 : memref<!tpu.dma_semaphore, #tpu.memory_space<semaphore_mem>>)
      } else {
      }
      %dma_wait3A_614 = arith.constant 0 : i32
      %dma_wait3A_615 = tpu.memref_slice %arg6[%dma_wait3A_614] : memref<512xi32, #tpu.memory_space<vmem>> -> memref<128xi32, #tpu.memory_space<vmem>>
      %dma_wait3A_616 = arith.constant 0 : i32
      %dma_wait3A_617 = arith.constant 0 : i32
      %dma_wait3A_618 = tpu.memref_slice %arg2[%dma_wait3A_616, %dma_wait3A_617] : memref<514x208xf32, #tpu.memory_space<hbm>> -> memref<514x208xf32, #tpu.memory_space<hbm>>
      tpu.wait_indirect_dma semaphore(%arg16 : memref<!tpu.dma_semaphore, #tpu.memory_space<semaphore_mem>>) src(%dma_wait3A_618 : memref<514x208xf32, #tpu.memory_space<hbm>>) dst(%arg10 : memref<128x208xf32, #tpu.memory_space<vmem>>)
      %dma_wait3A_619 = arith.constant 0 : i32
      %dma_wait3A_620 = tpu.memref_slice %arg7[%dma_wait3A_619] : memref<512xi32, #tpu.memory_space<vmem>> -> memref<128xi32, #tpu.memory_space<vmem>>
      %dma_wait3A_621 = arith.constant 0 : i32
      %dma_wait3A_622 = arith.constant 0 : i32
      %dma_wait3A_623 = tpu.memref_slice %arg2[%dma_wait3A_621, %dma_wait3A_622] : memref<514x208xf32, #tpu.memory_space<hbm>> -> memref<514x208xf32, #tpu.memory_space<hbm>>
      tpu.wait_indirect_dma semaphore(%arg17 : memref<!tpu.dma_semaphore, #tpu.memory_space<semaphore_mem>>) src(%dma_wait3A_623 : memref<514x208xf32, #tpu.memory_space<hbm>>) dst(%arg11 : memref<128x208xf32, #tpu.memory_space<vmem>>)
      %add3A_624 = arith.constant 1 : i32
      %add3A_625 = arith.addi %mul3A_584, %add3A_624 : i32
      %parallel_loop3A_626 = arith.constant 0 : i32
      %parallel_loop3A_627 = arith.constant 128 : i32
      %parallel_loop3A_628 = arith.constant 1 : i32
      scf.for %parallel_loop3A_629 = %parallel_loop3A_626 to %parallel_loop3A_627 step %parallel_loop3A_628  : i32 {
        %parallel_loop3A_630 = arith.constant 0.000000e+00 : f32
        %parallel_loop3A_631 = vector.broadcast %parallel_loop3A_630 : f32 to vector<16xf32>
        %parallel_loop3A_632 = arith.constant 0.000000e+00 : f32
        %parallel_loop3A_633 = vector.broadcast %parallel_loop3A_632 : f32 to vector<16xf32>
        %parallel_loop3A_634 = arith.index_cast %parallel_loop3A_629 : i32 to index
        %parallel_loop3A_635 = arith.constant 0 : index
        %parallel_loop3A_636 = tpu.vector_load %arg10[%parallel_loop3A_634, %parallel_loop3A_635] {strides = array<i32>} : memref<128x208xf32, #tpu.memory_space<vmem>>, vector<16xf32>,
        %parallel_loop3A_637 = arith.index_cast %parallel_loop3A_629 : i32 to index
        %parallel_loop3A_638 = arith.constant 0 : index
        %parallel_loop3A_639 = tpu.vector_load %arg11[%parallel_loop3A_637, %parallel_loop3A_638] {strides = array<i32>} : memref<128x208xf32, #tpu.memory_space<vmem>>, vector<16xf32>,
        %parallel_loop3A_640 = arith.addf %parallel_loop3A_636, %parallel_loop3A_639 : vector<16xf32>
        %parallel_loop3A_641 = math.exp %parallel_loop3A_640 : vector<16xf32>
        %parallel_loop3A_642 = arith.constant 1.000000e+00 : f32
        %parallel_loop3A_643 = vector.broadcast %parallel_loop3A_642 : f32 to vector<16xf32>
        %parallel_loop3A_644 = arith.addf %parallel_loop3A_641, %parallel_loop3A_643 : vector<16xf32>
        %parallel_loop3A_645 = arith.divf %get3A_7, %parallel_loop3A_644 : vector<16xf32>
        %parallel_loop3A_646 = arith.addf %parallel_loop3A_631, %parallel_loop3A_645 : vector<16xf32>
        %parallel_loop3A_647 = arith.index_cast %parallel_loop3A_629 : i32 to index
        %parallel_loop3A_648 = arith.constant 16 : index
        %parallel_loop3A_649 = tpu.vector_load %arg10[%parallel_loop3A_647, %parallel_loop3A_648] {strides = array<i32>} : memref<128x208xf32, #tpu.memory_space<vmem>>, vector<16xf32>,
        %parallel_loop3A_650 = arith.index_cast %parallel_loop3A_629 : i32 to index
        %parallel_loop3A_651 = arith.constant 16 : index
        %parallel_loop3A_652 = tpu.vector_load %arg11[%parallel_loop3A_650, %parallel_loop3A_651] {strides = array<i32>} : memref<128x208xf32, #tpu.memory_space<vmem>>, vector<16xf32>,
        %parallel_loop3A_653 = arith.addf %parallel_loop3A_649, %parallel_loop3A_652 : vector<16xf32>
        %parallel_loop3A_654 = math.exp %parallel_loop3A_653 : vector<16xf32>
        %parallel_loop3A_655 = arith.constant 1.000000e+00 : f32
        %parallel_loop3A_656 = vector.broadcast %parallel_loop3A_655 : f32 to vector<16xf32>
        %parallel_loop3A_657 = arith.addf %parallel_loop3A_654, %parallel_loop3A_656 : vector<16xf32>
        %parallel_loop3A_658 = arith.divf %get3A_11, %parallel_loop3A_657 : vector<16xf32>
        %parallel_loop3A_659 = arith.addf %parallel_loop3A_633, %parallel_loop3A_658 : vector<16xf32>
        %parallel_loop3A_660 = arith.index_cast %parallel_loop3A_629 : i32 to index
        %parallel_loop3A_661 = arith.constant 32 : index
        %parallel_loop3A_662 = tpu.vector_load %arg10[%parallel_loop3A_660, %parallel_loop3A_661] {strides = array<i32>} : memref<128x208xf32, #tpu.memory_space<vmem>>, vector<16xf32>,
        %parallel_loop3A_663 = arith.index_cast %parallel_loop3A_629 : i32 to index
        %parallel_loop3A_664 = arith.constant 32 : index
        %parallel_loop3A_665 = tpu.vector_load %arg11[%parallel_loop3A_663, %parallel_loop3A_664] {strides = array<i32>} : memref<128x208xf32, #tpu.memory_space<vmem>>, vector<16xf32>,
        %parallel_loop3A_666 = arith.addf %parallel_loop3A_662, %parallel_loop3A_665 : vector<16xf32>
        %parallel_loop3A_667 = math.exp %parallel_loop3A_666 : vector<16xf32>
        %parallel_loop3A_668 = arith.constant 1.000000e+00 : f32
        %parallel_loop3A_669 = vector.broadcast %parallel_loop3A_668 : f32 to vector<16xf32>
        %parallel_loop3A_670 = arith.addf %parallel_loop3A_667, %parallel_loop3A_669 : vector<16xf32>
        %parallel_loop3A_671 = arith.divf %get3A_15, %parallel_loop3A_670 : vector<16xf32>
        %parallel_loop3A_672 = arith.addf %parallel_loop3A_646, %parallel_loop3A_671 : vector<16xf32>
        %parallel_loop3A_673 = arith.index_cast %parallel_loop3A_629 : i32 to index
        %parallel_loop3A_674 = arith.constant 48 : index
        %parallel_loop3A_675 = tpu.vector_load %arg10[%parallel_loop3A_673, %parallel_loop3A_674] {strides = array<i32>} : memref<128x208xf32, #tpu.memory_space<vmem>>, vector<16xf32>,
        %parallel_loop3A_676 = arith.index_cast %parallel_loop3A_629 : i32 to index
        %parallel_loop3A_677 = arith.constant 48 : index
        %parallel_loop3A_678 = tpu.vector_load %arg11[%parallel_loop3A_676, %parallel_loop3A_677] {strides = array<i32>} : memref<128x208xf32, #tpu.memory_space<vmem>>, vector<16xf32>,
        %parallel_loop3A_679 = arith.addf %parallel_loop3A_675, %parallel_loop3A_678 : vector<16xf32>
        %parallel_loop3A_680 = math.exp %parallel_loop3A_679 : vector<16xf32>
        %parallel_loop3A_681 = arith.constant 1.000000e+00 : f32
        %parallel_loop3A_682 = vector.broadcast %parallel_loop3A_681 : f32 to vector<16xf32>
        %parallel_loop3A_683 = arith.addf %parallel_loop3A_680, %parallel_loop3A_682 : vector<16xf32>
        %parallel_loop3A_684 = arith.divf %get3A_19, %parallel_loop3A_683 : vector<16xf32>
        %parallel_loop3A_685 = arith.addf %parallel_loop3A_659, %parallel_loop3A_684 : vector<16xf32>
        %parallel_loop3A_686 = arith.index_cast %parallel_loop3A_629 : i32 to index
        %parallel_loop3A_687 = arith.constant 64 : index
        %parallel_loop3A_688 = tpu.vector_load %arg10[%parallel_loop3A_686, %parallel_loop3A_687] {strides = array<i32>} : memref<128x208xf32, #tpu.memory_space<vmem>>, vector<16xf32>,
        %parallel_loop3A_689 = arith.index_cast %parallel_loop3A_629 : i32 to index
        %parallel_loop3A_690 = arith.constant 64 : index
        %parallel_loop3A_691 = tpu.vector_load %arg11[%parallel_loop3A_689, %parallel_loop3A_690] {strides = array<i32>} : memref<128x208xf32, #tpu.memory_space<vmem>>, vector<16xf32>,
        %parallel_loop3A_692 = arith.addf %parallel_loop3A_688, %parallel_loop3A_691 : vector<16xf32>
        %parallel_loop3A_693 = math.exp %parallel_loop3A_692 : vector<16xf32>
        %parallel_loop3A_694 = arith.constant 1.000000e+00 : f32
        %parallel_loop3A_695 = vector.broadcast %parallel_loop3A_694 : f32 to vector<16xf32>
        %parallel_loop3A_696 = arith.addf %parallel_loop3A_693, %parallel_loop3A_695 : vector<16xf32>
        %parallel_loop3A_697 = arith.divf %get3A_23, %parallel_loop3A_696 : vector<16xf32>
        %parallel_loop3A_698 = arith.addf %parallel_loop3A_672, %parallel_loop3A_697 : vector<16xf32>
        %parallel_loop3A_699 = arith.index_cast %parallel_loop3A_629 : i32 to index
        %parallel_loop3A_700 = arith.constant 80 : index
        %parallel_loop3A_701 = tpu.vector_load %arg10[%parallel_loop3A_699, %parallel_loop3A_700] {strides = array<i32>} : memref<128x208xf32, #tpu.memory_space<vmem>>, vector<16xf32>,
        %parallel_loop3A_702 = arith.index_cast %parallel_loop3A_629 : i32 to index
        %parallel_loop3A_703 = arith.constant 80 : index
        %parallel_loop3A_704 = tpu.vector_load %arg11[%parallel_loop3A_702, %parallel_loop3A_703] {strides = array<i32>} : memref<128x208xf32, #tpu.memory_space<vmem>>, vector<16xf32>,
        %parallel_loop3A_705 = arith.addf %parallel_loop3A_701, %parallel_loop3A_704 : vector<16xf32>
        %parallel_loop3A_706 = math.exp %parallel_loop3A_705 : vector<16xf32>
        %parallel_loop3A_707 = arith.constant 1.000000e+00 : f32
        %parallel_loop3A_708 = vector.broadcast %parallel_loop3A_707 : f32 to vector<16xf32>
        %parallel_loop3A_709 = arith.addf %parallel_loop3A_706, %parallel_loop3A_708 : vector<16xf32>
        %parallel_loop3A_710 = arith.divf %get3A_27, %parallel_loop3A_709 : vector<16xf32>
        %parallel_loop3A_711 = arith.addf %parallel_loop3A_685, %parallel_loop3A_710 : vector<16xf32>
        %parallel_loop3A_712 = arith.index_cast %parallel_loop3A_629 : i32 to index
        %parallel_loop3A_713 = arith.constant 96 : index
        %parallel_loop3A_714 = tpu.vector_load %arg10[%parallel_loop3A_712, %parallel_loop3A_713] {strides = array<i32>} : memref<128x208xf32, #tpu.memory_space<vmem>>, vector<16xf32>,
        %parallel_loop3A_715 = arith.index_cast %parallel_loop3A_629 : i32 to index
        %parallel_loop3A_716 = arith.constant 96 : index
        %parallel_loop3A_717 = tpu.vector_load %arg11[%parallel_loop3A_715, %parallel_loop3A_716] {strides = array<i32>} : memref<128x208xf32, #tpu.memory_space<vmem>>, vector<16xf32>,
        %parallel_loop3A_718 = arith.addf %parallel_loop3A_714, %parallel_loop3A_717 : vector<16xf32>
        %parallel_loop3A_719 = math.exp %parallel_loop3A_718 : vector<16xf32>
        %parallel_loop3A_720 = arith.constant 1.000000e+00 : f32
        %parallel_loop3A_721 = vector.broadcast %parallel_loop3A_720 : f32 to vector<16xf32>
        %parallel_loop3A_722 = arith.addf %parallel_loop3A_719, %parallel_loop3A_721 : vector<16xf32>
        %parallel_loop3A_723 = arith.divf %get3A_31, %parallel_loop3A_722 : vector<16xf32>
        %parallel_loop3A_724 = arith.addf %parallel_loop3A_698, %parallel_loop3A_723 : vector<16xf32>
        %parallel_loop3A_725 = arith.index_cast %parallel_loop3A_629 : i32 to index
        %parallel_loop3A_726 = arith.constant 112 : index
        %parallel_loop3A_727 = tpu.vector_load %arg10[%parallel_loop3A_725, %parallel_loop3A_726] {strides = array<i32>} : memref<128x208xf32, #tpu.memory_space<vmem>>, vector<16xf32>,
        %parallel_loop3A_728 = arith.index_cast %parallel_loop3A_629 : i32 to index
        %parallel_loop3A_729 = arith.constant 112 : index
        %parallel_loop3A_730 = tpu.vector_load %arg11[%parallel_loop3A_728, %parallel_loop3A_729] {strides = array<i32>} : memref<128x208xf32, #tpu.memory_space<vmem>>, vector<16xf32>,
        %parallel_loop3A_731 = arith.addf %parallel_loop3A_727, %parallel_loop3A_730 : vector<16xf32>
        %parallel_loop3A_732 = math.exp %parallel_loop3A_731 : vector<16xf32>
        %parallel_loop3A_733 = arith.constant 1.000000e+00 : f32
        %parallel_loop3A_734 = vector.broadcast %parallel_loop3A_733 : f32 to vector<16xf32>
        %parallel_loop3A_735 = arith.addf %parallel_loop3A_732, %parallel_loop3A_734 : vector<16xf32>
        %parallel_loop3A_736 = arith.divf %get3A_35, %parallel_loop3A_735 : vector<16xf32>
        %parallel_loop3A_737 = arith.addf %parallel_loop3A_711, %parallel_loop3A_736 : vector<16xf32>
        %parallel_loop3A_738 = arith.index_cast %parallel_loop3A_629 : i32 to index
        %parallel_loop3A_739 = arith.constant 128 : index
        %parallel_loop3A_740 = tpu.vector_load %arg10[%parallel_loop3A_738, %parallel_loop3A_739] {strides = array<i32>} : memref<128x208xf32, #tpu.memory_space<vmem>>, vector<16xf32>,
        %parallel_loop3A_741 = arith.index_cast %parallel_loop3A_629 : i32 to index
        %parallel_loop3A_742 = arith.constant 128 : index
        %parallel_loop3A_743 = tpu.vector_load %arg11[%parallel_loop3A_741, %parallel_loop3A_742] {strides = array<i32>} : memref<128x208xf32, #tpu.memory_space<vmem>>, vector<16xf32>,
        %parallel_loop3A_744 = arith.addf %parallel_loop3A_740, %parallel_loop3A_743 : vector<16xf32>
        %parallel_loop3A_745 = math.exp %parallel_loop3A_744 : vector<16xf32>
        %parallel_loop3A_746 = arith.constant 1.000000e+00 : f32
        %parallel_loop3A_747 = vector.broadcast %parallel_loop3A_746 : f32 to vector<16xf32>
        %parallel_loop3A_748 = arith.addf %parallel_loop3A_745, %parallel_loop3A_747 : vector<16xf32>
        %parallel_loop3A_749 = arith.divf %get3A_39, %parallel_loop3A_748 : vector<16xf32>
        %parallel_loop3A_750 = arith.addf %parallel_loop3A_724, %parallel_loop3A_749 : vector<16xf32>
        %parallel_loop3A_751 = arith.index_cast %parallel_loop3A_629 : i32 to index
        %parallel_loop3A_752 = arith.constant 144 : index
        %parallel_loop3A_753 = tpu.vector_load %arg10[%parallel_loop3A_751, %parallel_loop3A_752] {strides = array<i32>} : memref<128x208xf32, #tpu.memory_space<vmem>>, vector<16xf32>,
        %parallel_loop3A_754 = arith.index_cast %parallel_loop3A_629 : i32 to index
        %parallel_loop3A_755 = arith.constant 144 : index
        %parallel_loop3A_756 = tpu.vector_load %arg11[%parallel_loop3A_754, %parallel_loop3A_755] {strides = array<i32>} : memref<128x208xf32, #tpu.memory_space<vmem>>, vector<16xf32>,
        %parallel_loop3A_757 = arith.addf %parallel_loop3A_753, %parallel_loop3A_756 : vector<16xf32>
        %parallel_loop3A_758 = math.exp %parallel_loop3A_757 : vector<16xf32>
        %parallel_loop3A_759 = arith.constant 1.000000e+00 : f32
        %parallel_loop3A_760 = vector.broadcast %parallel_loop3A_759 : f32 to vector<16xf32>
        %parallel_loop3A_761 = arith.addf %parallel_loop3A_758, %parallel_loop3A_760 : vector<16xf32>
        %parallel_loop3A_762 = arith.divf %get3A_43, %parallel_loop3A_761 : vector<16xf32>
        %parallel_loop3A_763 = arith.addf %parallel_loop3A_737, %parallel_loop3A_762 : vector<16xf32>
        %parallel_loop3A_764 = arith.index_cast %parallel_loop3A_629 : i32 to index
        %parallel_loop3A_765 = arith.constant 160 : index
        %parallel_loop3A_766 = tpu.vector_load %arg10[%parallel_loop3A_764, %parallel_loop3A_765] {strides = array<i32>} : memref<128x208xf32, #tpu.memory_space<vmem>>, vector<16xf32>,
        %parallel_loop3A_767 = arith.index_cast %parallel_loop3A_629 : i32 to index
        %parallel_loop3A_768 = arith.constant 160 : index
        %parallel_loop3A_769 = tpu.vector_load %arg11[%parallel_loop3A_767, %parallel_loop3A_768] {strides = array<i32>} : memref<128x208xf32, #tpu.memory_space<vmem>>, vector<16xf32>,
        %parallel_loop3A_770 = arith.addf %parallel_loop3A_766, %parallel_loop3A_769 : vector<16xf32>
        %parallel_loop3A_771 = math.exp %parallel_loop3A_770 : vector<16xf32>
        %parallel_loop3A_772 = arith.constant 1.000000e+00 : f32
        %parallel_loop3A_773 = vector.broadcast %parallel_loop3A_772 : f32 to vector<16xf32>
        %parallel_loop3A_774 = arith.addf %parallel_loop3A_771, %parallel_loop3A_773 : vector<16xf32>
        %parallel_loop3A_775 = arith.divf %get3A_47, %parallel_loop3A_774 : vector<16xf32>
        %parallel_loop3A_776 = arith.addf %parallel_loop3A_750, %parallel_loop3A_775 : vector<16xf32>
        %parallel_loop3A_777 = arith.index_cast %parallel_loop3A_629 : i32 to index
        %parallel_loop3A_778 = arith.constant 176 : index
        %parallel_loop3A_779 = tpu.vector_load %arg10[%parallel_loop3A_777, %parallel_loop3A_778] {strides = array<i32>} : memref<128x208xf32, #tpu.memory_space<vmem>>, vector<16xf32>,
        %parallel_loop3A_780 = arith.index_cast %parallel_loop3A_629 : i32 to index
        %parallel_loop3A_781 = arith.constant 176 : index
        %parallel_loop3A_782 = tpu.vector_load %arg11[%parallel_loop3A_780, %parallel_loop3A_781] {strides = array<i32>} : memref<128x208xf32, #tpu.memory_space<vmem>>, vector<16xf32>,
        %parallel_loop3A_783 = arith.addf %parallel_loop3A_779, %parallel_loop3A_782 : vector<16xf32>
        %parallel_loop3A_784 = math.exp %parallel_loop3A_783 : vector<16xf32>
        %parallel_loop3A_785 = arith.constant 1.000000e+00 : f32
        %parallel_loop3A_786 = vector.broadcast %parallel_loop3A_785 : f32 to vector<16xf32>
        %parallel_loop3A_787 = arith.addf %parallel_loop3A_784, %parallel_loop3A_786 : vector<16xf32>
        %parallel_loop3A_788 = arith.divf %get3A_51, %parallel_loop3A_787 : vector<16xf32>
        %parallel_loop3A_789 = arith.addf %parallel_loop3A_763, %parallel_loop3A_788 : vector<16xf32>
        %parallel_loop3A_790 = arith.index_cast %parallel_loop3A_629 : i32 to index
        %parallel_loop3A_791 = arith.constant 192 : index
        %parallel_loop3A_792 = tpu.vector_load %arg10[%parallel_loop3A_790, %parallel_loop3A_791] {strides = array<i32>} : memref<128x208xf32, #tpu.memory_space<vmem>>, vector<16xf32>,
        %parallel_loop3A_793 = arith.index_cast %parallel_loop3A_629 : i32 to index
        %parallel_loop3A_794 = arith.constant 192 : index
        %parallel_loop3A_795 = tpu.vector_load %arg11[%parallel_loop3A_793, %parallel_loop3A_794] {strides = array<i32>} : memref<128x208xf32, #tpu.memory_space<vmem>>, vector<16xf32>,
        %parallel_loop3A_796 = arith.addf %parallel_loop3A_792, %parallel_loop3A_795 : vector<16xf32>
        %parallel_loop3A_797 = math.exp %parallel_loop3A_796 : vector<16xf32>
        %parallel_loop3A_798 = arith.constant 1.000000e+00 : f32
        %parallel_loop3A_799 = vector.broadcast %parallel_loop3A_798 : f32 to vector<16xf32>
        %parallel_loop3A_800 = arith.addf %parallel_loop3A_797, %parallel_loop3A_799 : vector<16xf32>
        %parallel_loop3A_801 = arith.divf %get3A_55, %parallel_loop3A_800 : vector<16xf32>
        %parallel_loop3A_802 = arith.addf %parallel_loop3A_776, %parallel_loop3A_801 : vector<16xf32>
        %parallel_loop3A_803 = arith.addf %parallel_loop3A_802, %parallel_loop3A_789 : vector<16xf32>
        %parallel_loop3A_804 = arith.constant true
        %parallel_loop3A_805 = vector.broadcast %parallel_loop3A_804 : i1 to vector<16xi1>
        %parallel_loop3A_806 = tpu.scan <sum>, %parallel_loop3A_803 masked %parallel_loop3A_805 : vector<16xf32>, vector<16xi1> -> vector<16xf32>
        %parallel_loop3A_807 = arith.constant 128 : i32
        %parallel_loop3A_808 = arith.muli %add3A_625, %parallel_loop3A_807 : i32
        %parallel_loop3A_809 = vector.broadcast %parallel_loop3A_808 : i32 to vector<16xi32>
        %parallel_loop3A_810 = vector.broadcast %parallel_loop3A_629 : i32 to vector<16xi32>
        %parallel_loop3A_811 = arith.addi %parallel_loop3A_809, %parallel_loop3A_810 : vector<16xi32>
        tpu.vector_store_idx %arg13[%parallel_loop3A_811], %parallel_loop3A_806 masked %eq3A_4 : memref<512xf32, #tpu.memory_space<vmem>>[vector<16xi32>], vector<16xf32>, vector<16xi1>
      } {sc.loop_unroll_factor = 4 : i64, sc.parallel_access}
    }
    %scan3A_73 = arith.constant 2 : i32
    %get3A_74 = arith.constant 0 : index
    %get3A_75 = tpu.vector_load %arg13[%get3A_74] {strides = array<i32>} : memref<512xf32, #tpu.memory_space<vmem>>, vector<16xf32>,
    %sub3A = arith.subf %get3A_59, %get3A_75 : vector<16xf32>
    %add3A_76 = arith.addf %sub3A, %sub3A : vector<16xf32>
    %exp3A = math.exp %add3A_76 : vector<16xf32>
    %add3A_77 = arith.constant 1.000000e+00 : f32
    %add3A_78 = vector.broadcast %add3A_77 : f32 to vector<16xf32>
    %add3A_79 = arith.addf %exp3A, %add3A_78 : vector<16xf32>
    %div3A = arith.constant 2.000000e+00 : f32
    %div3A_80 = vector.broadcast %div3A : f32 to vector<16xf32>
    %div3A_81 = arith.divf %div3A_80, %add3A_79 : vector<16xf32>
    %sub3A_82 = arith.constant 1.000000e+00 : f32
    %sub3A_83 = vector.broadcast %sub3A_82 : f32 to vector<16xf32>
    %sub3A_84 = arith.subf %sub3A_83, %div3A_81 : vector<16xf32>
    %swap3A = arith.constant 0 : index
    %swap3A_85 = tpu.vector_load %arg13[%swap3A] {strides = array<i32>} : memref<512xf32, #tpu.memory_space<vmem>>, vector<16xf32>,
    tpu.vector_store %arg13[%swap3A], %sub3A_84 {strides = array<i32>} : memref<512xf32, #tpu.memory_space<vmem>>, vector<16xf32>,
    %get3A_86 = arith.constant 16 : index
    %get3A_87 = tpu.vector_load %arg13[%get3A_86] {strides = array<i32>} : memref<512xf32, #tpu.memory_space<vmem>>, vector<16xf32>,
    %sub3A_88 = arith.subf %get3A_59, %get3A_87 : vector<16xf32>
    %add3A_89 = arith.addf %sub3A_88, %sub3A_88 : vector<16xf32>
    %exp3A_90 = math.exp %add3A_89 : vector<16xf32>
    %add3A_91 = arith.constant 1.000000e+00 : f32
    %add3A_92 = vector.broadcast %add3A_91 : f32 to vector<16xf32>
    %add3A_93 = arith.addf %exp3A_90, %add3A_92 : vector<16xf32>
    %div3A_94 = arith.constant 2.000000e+00 : f32
    %div3A_95 = vector.broadcast %div3A_94 : f32 to vector<16xf32>
    %div3A_96 = arith.divf %div3A_95, %add3A_93 : vector<16xf32>
    %sub3A_97 = arith.constant 1.000000e+00 : f32
    %sub3A_98 = vector.broadcast %sub3A_97 : f32 to vector<16xf32>
    %sub3A_99 = arith.subf %sub3A_98, %div3A_96 : vector<16xf32>
    %swap3A_100 = arith.constant 16 : index
    %swap3A_101 = tpu.vector_load %arg13[%swap3A_100] {strides = array<i32>} : memref<512xf32, #tpu.memory_space<vmem>>, vector<16xf32>,
    tpu.vector_store %arg13[%swap3A_100], %sub3A_99 {strides = array<i32>} : memref<512xf32, #tpu.memory_space<vmem>>, vector<16xf32>,
    %get3A_102 = arith.constant 32 : index
    %get3A_103 = tpu.vector_load %arg13[%get3A_102] {strides = array<i32>} : memref<512xf32, #tpu.memory_space<vmem>>, vector<16xf32>,
    %sub3A_104 = arith.subf %get3A_59, %get3A_103 : vector<16xf32>
    %add3A_105 = arith.addf %sub3A_104, %sub3A_104 : vector<16xf32>
    %exp3A_106 = math.exp %add3A_105 : vector<16xf32>
    %add3A_107 = arith.constant 1.000000e+00 : f32
    %add3A_108 = vector.broadcast %add3A_107 : f32 to vector<16xf32>
    %add3A_109 = arith.addf %exp3A_106, %add3A_108 : vector<16xf32>
    %div3A_110 = arith.constant 2.000000e+00 : f32
    %div3A_111 = vector.broadcast %div3A_110 : f32 to vector<16xf32>
    %div3A_112 = arith.divf %div3A_111, %add3A_109 : vector<16xf32>
    %sub3A_113 = arith.constant 1.000000e+00 : f32
    %sub3A_114 = vector.broadcast %sub3A_113 : f32 to vector<16xf32>
    %sub3A_115 = arith.subf %sub3A_114, %div3A_112 : vector<16xf32>
    %swap3A_116 = arith.constant 32 : index
    %swap3A_117 = tpu.vector_load %arg13[%swap3A_116] {strides = array<i32>} : memref<512xf32, #tpu.memory_space<vmem>>, vector<16xf32>,
    tpu.vector_store %arg13[%swap3A_116], %sub3A_115 {strides = array<i32>} : memref<512xf32, #tpu.memory_space<vmem>>, vector<16xf32>,
    %get3A_118 = arith.constant 48 : index
    %get3A_119 = tpu.vector_load %arg13[%get3A_118] {strides = array<i32>} : memref<512xf32, #tpu.memory_space<vmem>>, vector<16xf32>,
    %sub3A_120 = arith.subf %get3A_59, %get3A_119 : vector<16xf32>
    %add3A_121 = arith.addf %sub3A_120, %sub3A_120 : vector<16xf32>
    %exp3A_122 = math.exp %add3A_121 : vector<16xf32>
    %add3A_123 = arith.constant 1.000000e+00 : f32
    %add3A_124 = vector.broadcast %add3A_123 : f32 to vector<16xf32>
    %add3A_125 = arith.addf %exp3A_122, %add3A_124 : vector<16xf32>
    %div3A_126 = arith.constant 2.000000e+00 : f32
    %div3A_127 = vector.broadcast %div3A_126 : f32 to vector<16xf32>
    %div3A_128 = arith.divf %div3A_127, %add3A_125 : vector<16xf32>
    %sub3A_129 = arith.constant 1.000000e+00 : f32
    %sub3A_130 = vector.broadcast %sub3A_129 : f32 to vector<16xf32>
    %sub3A_131 = arith.subf %sub3A_130, %div3A_128 : vector<16xf32>
    %swap3A_132 = arith.constant 48 : index
    %swap3A_133 = tpu.vector_load %arg13[%swap3A_132] {strides = array<i32>} : memref<512xf32, #tpu.memory_space<vmem>>, vector<16xf32>,
    tpu.vector_store %arg13[%swap3A_132], %sub3A_131 {strides = array<i32>} : memref<512xf32, #tpu.memory_space<vmem>>, vector<16xf32>,
    %get3A_134 = arith.constant 64 : index
    %get3A_135 = tpu.vector_load %arg13[%get3A_134] {strides = array<i32>} : memref<512xf32, #tpu.memory_space<vmem>>, vector<16xf32>,
    %sub3A_136 = arith.subf %get3A_59, %get3A_135 : vector<16xf32>
    %add3A_137 = arith.addf %sub3A_136, %sub3A_136 : vector<16xf32>
    %exp3A_138 = math.exp %add3A_137 : vector<16xf32>
    %add3A_139 = arith.constant 1.000000e+00 : f32
    %add3A_140 = vector.broadcast %add3A_139 : f32 to vector<16xf32>
    %add3A_141 = arith.addf %exp3A_138, %add3A_140 : vector<16xf32>
    %div3A_142 = arith.constant 2.000000e+00 : f32
    %div3A_143 = vector.broadcast %div3A_142 : f32 to vector<16xf32>
    %div3A_144 = arith.divf %div3A_143, %add3A_141 : vector<16xf32>
    %sub3A_145 = arith.constant 1.000000e+00 : f32
    %sub3A_146 = vector.broadcast %sub3A_145 : f32 to vector<16xf32>
    %sub3A_147 = arith.subf %sub3A_146, %div3A_144 : vector<16xf32>
    %swap3A_148 = arith.constant 64 : index
    %swap3A_149 = tpu.vector_load %arg13[%swap3A_148] {strides = array<i32>} : memref<512xf32, #tpu.memory_space<vmem>>, vector<16xf32>,
    tpu.vector_store %arg13[%swap3A_148], %sub3A_147 {strides = array<i32>} : memref<512xf32, #tpu.memory_space<vmem>>, vector<16xf32>,
    %get3A_150 = arith.constant 80 : index
    %get3A_151 = tpu.vector_load %arg13[%get3A_150] {strides = array<i32>} : memref<512xf32, #tpu.memory_space<vmem>>, vector<16xf32>,
    %sub3A_152 = arith.subf %get3A_59, %get3A_151 : vector<16xf32>
    %add3A_153 = arith.addf %sub3A_152, %sub3A_152 : vector<16xf32>
    %exp3A_154 = math.exp %add3A_153 : vector<16xf32>
    %add3A_155 = arith.constant 1.000000e+00 : f32
    %add3A_156 = vector.broadcast %add3A_155 : f32 to vector<16xf32>
    %add3A_157 = arith.addf %exp3A_154, %add3A_156 : vector<16xf32>
    %div3A_158 = arith.constant 2.000000e+00 : f32
    %div3A_159 = vector.broadcast %div3A_158 : f32 to vector<16xf32>
    %div3A_160 = arith.divf %div3A_159, %add3A_157 : vector<16xf32>
    %sub3A_161 = arith.constant 1.000000e+00 : f32
    %sub3A_162 = vector.broadcast %sub3A_161 : f32 to vector<16xf32>
    %sub3A_163 = arith.subf %sub3A_162, %div3A_160 : vector<16xf32>
    %swap3A_164 = arith.constant 80 : index
    %swap3A_165 = tpu.vector_load %arg13[%swap3A_164] {strides = array<i32>} : memref<512xf32, #tpu.memory_space<vmem>>, vector<16xf32>,
    tpu.vector_store %arg13[%swap3A_164], %sub3A_163 {strides = array<i32>} : memref<512xf32, #tpu.memory_space<vmem>>, vector<16xf32>,
    %get3A_166 = arith.constant 96 : index
    %get3A_167 = tpu.vector_load %arg13[%get3A_166] {strides = array<i32>} : memref<512xf32, #tpu.memory_space<vmem>>, vector<16xf32>,
    %sub3A_168 = arith.subf %get3A_59, %get3A_167 : vector<16xf32>
    %add3A_169 = arith.addf %sub3A_168, %sub3A_168 : vector<16xf32>
    %exp3A_170 = math.exp %add3A_169 : vector<16xf32>
    %add3A_171 = arith.constant 1.000000e+00 : f32
    %add3A_172 = vector.broadcast %add3A_171 : f32 to vector<16xf32>
    %add3A_173 = arith.addf %exp3A_170, %add3A_172 : vector<16xf32>
    %div3A_174 = arith.constant 2.000000e+00 : f32
    %div3A_175 = vector.broadcast %div3A_174 : f32 to vector<16xf32>
    %div3A_176 = arith.divf %div3A_175, %add3A_173 : vector<16xf32>
    %sub3A_177 = arith.constant 1.000000e+00 : f32
    %sub3A_178 = vector.broadcast %sub3A_177 : f32 to vector<16xf32>
    %sub3A_179 = arith.subf %sub3A_178, %div3A_176 : vector<16xf32>
    %swap3A_180 = arith.constant 96 : index
    %swap3A_181 = tpu.vector_load %arg13[%swap3A_180] {strides = array<i32>} : memref<512xf32, #tpu.memory_space<vmem>>, vector<16xf32>,
    tpu.vector_store %arg13[%swap3A_180], %sub3A_179 {strides = array<i32>} : memref<512xf32, #tpu.memory_space<vmem>>, vector<16xf32>,
    %get3A_182 = arith.constant 112 : index
    %get3A_183 = tpu.vector_load %arg13[%get3A_182] {strides = array<i32>} : memref<512xf32, #tpu.memory_space<vmem>>, vector<16xf32>,
    %sub3A_184 = arith.subf %get3A_59, %get3A_183 : vector<16xf32>
    %add3A_185 = arith.addf %sub3A_184, %sub3A_184 : vector<16xf32>
    %exp3A_186 = math.exp %add3A_185 : vector<16xf32>
    %add3A_187 = arith.constant 1.000000e+00 : f32
    %add3A_188 = vector.broadcast %add3A_187 : f32 to vector<16xf32>
    %add3A_189 = arith.addf %exp3A_186, %add3A_188 : vector<16xf32>
    %div3A_190 = arith.constant 2.000000e+00 : f32
    %div3A_191 = vector.broadcast %div3A_190 : f32 to vector<16xf32>
    %div3A_192 = arith.divf %div3A_191, %add3A_189 : vector<16xf32>
    %sub3A_193 = arith.constant 1.000000e+00 : f32
    %sub3A_194 = vector.broadcast %sub3A_193 : f32 to vector<16xf32>
    %sub3A_195 = arith.subf %sub3A_194, %div3A_192 : vector<16xf32>
    %swap3A_196 = arith.constant 112 : index
    %swap3A_197 = tpu.vector_load %arg13[%swap3A_196] {strides = array<i32>} : memref<512xf32, #tpu.memory_space<vmem>>, vector<16xf32>,
    tpu.vector_store %arg13[%swap3A_196], %sub3A_195 {strides = array<i32>} : memref<512xf32, #tpu.memory_space<vmem>>, vector<16xf32>,
    %get3A_198 = arith.constant 128 : index
    %get3A_199 = tpu.vector_load %arg13[%get3A_198] {strides = array<i32>} : memref<512xf32, #tpu.memory_space<vmem>>, vector<16xf32>,
    %sub3A_200 = arith.subf %get3A_59, %get3A_199 : vector<16xf32>
    %add3A_201 = arith.addf %sub3A_200, %sub3A_200 : vector<16xf32>
    %exp3A_202 = math.exp %add3A_201 : vector<16xf32>
    %add3A_203 = arith.constant 1.000000e+00 : f32
    %add3A_204 = vector.broadcast %add3A_203 : f32 to vector<16xf32>
    %add3A_205 = arith.addf %exp3A_202, %add3A_204 : vector<16xf32>
    %div3A_206 = arith.constant 2.000000e+00 : f32
    %div3A_207 = vector.broadcast %div3A_206 : f32 to vector<16xf32>
    %div3A_208 = arith.divf %div3A_207, %add3A_205 : vector<16xf32>
    %sub3A_209 = arith.constant 1.000000e+00 : f32
    %sub3A_210 = vector.broadcast %sub3A_209 : f32 to vector<16xf32>
    %sub3A_211 = arith.subf %sub3A_210, %div3A_208 : vector<16xf32>
    %swap3A_212 = arith.constant 128 : index
    %swap3A_213 = tpu.vector_load %arg13[%swap3A_212] {strides = array<i32>} : memref<512xf32, #tpu.memory_space<vmem>>, vector<16xf32>,
    tpu.vector_store %arg13[%swap3A_212], %sub3A_211 {strides = array<i32>} : memref<512xf32, #tpu.memory_space<vmem>>, vector<16xf32>,
    %get3A_214 = arith.constant 144 : index
    %get3A_215 = tpu.vector_load %arg13[%get3A_214] {strides = array<i32>} : memref<512xf32, #tpu.memory_space<vmem>>, vector<16xf32>,
    %sub3A_216 = arith.subf %get3A_59, %get3A_215 : vector<16xf32>
    %add3A_217 = arith.addf %sub3A_216, %sub3A_216 : vector<16xf32>
    %exp3A_218 = math.exp %add3A_217 : vector<16xf32>
    %add3A_219 = arith.constant 1.000000e+00 : f32
    %add3A_220 = vector.broadcast %add3A_219 : f32 to vector<16xf32>
    %add3A_221 = arith.addf %exp3A_218, %add3A_220 : vector<16xf32>
    %div3A_222 = arith.constant 2.000000e+00 : f32
    %div3A_223 = vector.broadcast %div3A_222 : f32 to vector<16xf32>
    %div3A_224 = arith.divf %div3A_223, %add3A_221 : vector<16xf32>
    %sub3A_225 = arith.constant 1.000000e+00 : f32
    %sub3A_226 = vector.broadcast %sub3A_225 : f32 to vector<16xf32>
    %sub3A_227 = arith.subf %sub3A_226, %div3A_224 : vector<16xf32>
    %swap3A_228 = arith.constant 144 : index
    %swap3A_229 = tpu.vector_load %arg13[%swap3A_228] {strides = array<i32>} : memref<512xf32, #tpu.memory_space<vmem>>, vector<16xf32>,
    tpu.vector_store %arg13[%swap3A_228], %sub3A_227 {strides = array<i32>} : memref<512xf32, #tpu.memory_space<vmem>>, vector<16xf32>,
    %get3A_230 = arith.constant 160 : index
    %get3A_231 = tpu.vector_load %arg13[%get3A_230] {strides = array<i32>} : memref<512xf32, #tpu.memory_space<vmem>>, vector<16xf32>,
    %sub3A_232 = arith.subf %get3A_59, %get3A_231 : vector<16xf32>
    %add3A_233 = arith.addf %sub3A_232, %sub3A_232 : vector<16xf32>
    %exp3A_234 = math.exp %add3A_233 : vector<16xf32>
    %add3A_235 = arith.constant 1.000000e+00 : f32
    %add3A_236 = vector.broadcast %add3A_235 : f32 to vector<16xf32>
    %add3A_237 = arith.addf %exp3A_234, %add3A_236 : vector<16xf32>
    %div3A_238 = arith.constant 2.000000e+00 : f32
    %div3A_239 = vector.broadcast %div3A_238 : f32 to vector<16xf32>
    %div3A_240 = arith.divf %div3A_239, %add3A_237 : vector<16xf32>
    %sub3A_241 = arith.constant 1.000000e+00 : f32
    %sub3A_242 = vector.broadcast %sub3A_241 : f32 to vector<16xf32>
    %sub3A_243 = arith.subf %sub3A_242, %div3A_240 : vector<16xf32>
    %swap3A_244 = arith.constant 160 : index
    %swap3A_245 = tpu.vector_load %arg13[%swap3A_244] {strides = array<i32>} : memref<512xf32, #tpu.memory_space<vmem>>, vector<16xf32>,
    tpu.vector_store %arg13[%swap3A_244], %sub3A_243 {strides = array<i32>} : memref<512xf32, #tpu.memory_space<vmem>>, vector<16xf32>,
    %get3A_246 = arith.constant 176 : index
    %get3A_247 = tpu.vector_load %arg13[%get3A_246] {strides = array<i32>} : memref<512xf32, #tpu.memory_space<vmem>>, vector<16xf32>,
    %sub3A_248 = arith.subf %get3A_59, %get3A_247 : vector<16xf32>
    %add3A_249 = arith.addf %sub3A_248, %sub3A_248 : vector<16xf32>
    %exp3A_250 = math.exp %add3A_249 : vector<16xf32>
    %add3A_251 = arith.constant 1.000000e+00 : f32
    %add3A_252 = vector.broadcast %add3A_251 : f32 to vector<16xf32>
    %add3A_253 = arith.addf %exp3A_250, %add3A_252 : vector<16xf32>
    %div3A_254 = arith.constant 2.000000e+00 : f32
    %div3A_255 = vector.broadcast %div3A_254 : f32 to vector<16xf32>
    %div3A_256 = arith.divf %div3A_255, %add3A_253 : vector<16xf32>
    %sub3A_257 = arith.constant 1.000000e+00 : f32
    %sub3A_258 = vector.broadcast %sub3A_257 : f32 to vector<16xf32>
    %sub3A_259 = arith.subf %sub3A_258, %div3A_256 : vector<16xf32>
    %swap3A_260 = arith.constant 176 : index
    %swap3A_261 = tpu.vector_load %arg13[%swap3A_260] {strides = array<i32>} : memref<512xf32, #tpu.memory_space<vmem>>, vector<16xf32>,
    tpu.vector_store %arg13[%swap3A_260], %sub3A_259 {strides = array<i32>} : memref<512xf32, #tpu.memory_space<vmem>>, vector<16xf32>,
    %get3A_262 = arith.constant 192 : index
    %get3A_263 = tpu.vector_load %arg13[%get3A_262] {strides = array<i32>} : memref<512xf32, #tpu.memory_space<vmem>>, vector<16xf32>,
    %sub3A_264 = arith.subf %get3A_59, %get3A_263 : vector<16xf32>
    %add3A_265 = arith.addf %sub3A_264, %sub3A_264 : vector<16xf32>
    %exp3A_266 = math.exp %add3A_265 : vector<16xf32>
    %add3A_267 = arith.constant 1.000000e+00 : f32
    %add3A_268 = vector.broadcast %add3A_267 : f32 to vector<16xf32>
    %add3A_269 = arith.addf %exp3A_266, %add3A_268 : vector<16xf32>
    %div3A_270 = arith.constant 2.000000e+00 : f32
    %div3A_271 = vector.broadcast %div3A_270 : f32 to vector<16xf32>
    %div3A_272 = arith.divf %div3A_271, %add3A_269 : vector<16xf32>
    %sub3A_273 = arith.constant 1.000000e+00 : f32
    %sub3A_274 = vector.broadcast %sub3A_273 : f32 to vector<16xf32>
    %sub3A_275 = arith.subf %sub3A_274, %div3A_272 : vector<16xf32>
    %swap3A_276 = arith.constant 192 : index
    %swap3A_277 = tpu.vector_load %arg13[%swap3A_276] {strides = array<i32>} : memref<512xf32, #tpu.memory_space<vmem>>, vector<16xf32>,
    tpu.vector_store %arg13[%swap3A_276], %sub3A_275 {strides = array<i32>} : memref<512xf32, #tpu.memory_space<vmem>>, vector<16xf32>,
    %get3A_278 = arith.constant 208 : index
    %get3A_279 = tpu.vector_load %arg13[%get3A_278] {strides = array<i32>} : memref<512xf32, #tpu.memory_space<vmem>>, vector<16xf32>,
    %sub3A_280 = arith.subf %get3A_59, %get3A_279 : vector<16xf32>
    %add3A_281 = arith.addf %sub3A_280, %sub3A_280 : vector<16xf32>
    %exp3A_282 = math.exp %add3A_281 : vector<16xf32>
    %add3A_283 = arith.constant 1.000000e+00 : f32
    %add3A_284 = vector.broadcast %add3A_283 : f32 to vector<16xf32>
    %add3A_285 = arith.addf %exp3A_282, %add3A_284 : vector<16xf32>
    %div3A_286 = arith.constant 2.000000e+00 : f32
    %div3A_287 = vector.broadcast %div3A_286 : f32 to vector<16xf32>
    %div3A_288 = arith.divf %div3A_287, %add3A_285 : vector<16xf32>
    %sub3A_289 = arith.constant 1.000000e+00 : f32
    %sub3A_290 = vector.broadcast %sub3A_289 : f32 to vector<16xf32>
    %sub3A_291 = arith.subf %sub3A_290, %div3A_288 : vector<16xf32>
    %swap3A_292 = arith.constant 208 : index
    %swap3A_293 = tpu.vector_load %arg13[%swap3A_292] {strides = array<i32>} : memref<512xf32, #tpu.memory_space<vmem>>, vector<16xf32>,
    tpu.vector_store %arg13[%swap3A_292], %sub3A_291 {strides = array<i32>} : memref<512xf32, #tpu.memory_space<vmem>>, vector<16xf32>,
    %get3A_294 = arith.constant 224 : index
    %get3A_295 = tpu.vector_load %arg13[%get3A_294] {strides = array<i32>} : memref<512xf32, #tpu.memory_space<vmem>>, vector<16xf32>,
    %sub3A_296 = arith.subf %get3A_59, %get3A_295 : vector<16xf32>
    %add3A_297 = arith.addf %sub3A_296, %sub3A_296 : vector<16xf32>
    %exp3A_298 = math.exp %add3A_297 : vector<16xf32>
    %add3A_299 = arith.constant 1.000000e+00 : f32
    %add3A_300 = vector.broadcast %add3A_299 : f32 to vector<16xf32>
    %add3A_301 = arith.addf %exp3A_298, %add3A_300 : vector<16xf32>
    %div3A_302 = arith.constant 2.000000e+00 : f32
    %div3A_303 = vector.broadcast %div3A_302 : f32 to vector<16xf32>
    %div3A_304 = arith.divf %div3A_303, %add3A_301 : vector<16xf32>
    %sub3A_305 = arith.constant 1.000000e+00 : f32
    %sub3A_306 = vector.broadcast %sub3A_305 : f32 to vector<16xf32>
    %sub3A_307 = arith.subf %sub3A_306, %div3A_304 : vector<16xf32>
    %swap3A_308 = arith.constant 224 : index
    %swap3A_309 = tpu.vector_load %arg13[%swap3A_308] {strides = array<i32>} : memref<512xf32, #tpu.memory_space<vmem>>, vector<16xf32>,
    tpu.vector_store %arg13[%swap3A_308], %sub3A_307 {strides = array<i32>} : memref<512xf32, #tpu.memory_space<vmem>>, vector<16xf32>,
    %get3A_310 = arith.constant 240 : index
    %get3A_311 = tpu.vector_load %arg13[%get3A_310] {strides = array<i32>} : memref<512xf32, #tpu.memory_space<vmem>>, vector<16xf32>,
    %sub3A_312 = arith.subf %get3A_59, %get3A_311 : vector<16xf32>
    %add3A_313 = arith.addf %sub3A_312, %sub3A_312 : vector<16xf32>
    %exp3A_314 = math.exp %add3A_313 : vector<16xf32>
    %add3A_315 = arith.constant 1.000000e+00 : f32
    %add3A_316 = vector.broadcast %add3A_315 : f32 to vector<16xf32>
    %add3A_317 = arith.addf %exp3A_314, %add3A_316 : vector<16xf32>
    %div3A_318 = arith.constant 2.000000e+00 : f32
    %div3A_319 = vector.broadcast %div3A_318 : f32 to vector<16xf32>
    %div3A_320 = arith.divf %div3A_319, %add3A_317 : vector<16xf32>
    %sub3A_321 = arith.constant 1.000000e+00 : f32
    %sub3A_322 = vector.broadcast %sub3A_321 : f32 to vector<16xf32>
    %sub3A_323 = arith.subf %sub3A_322, %div3A_320 : vector<16xf32>
    %swap3A_324 = arith.constant 240 : index
    %swap3A_325 = tpu.vector_load %arg13[%swap3A_324] {strides = array<i32>} : memref<512xf32, #tpu.memory_space<vmem>>, vector<16xf32>,
    tpu.vector_store %arg13[%swap3A_324], %sub3A_323 {strides = array<i32>} : memref<512xf32, #tpu.memory_space<vmem>>, vector<16xf32>,
    %get3A_326 = arith.constant 256 : index
    %get3A_327 = tpu.vector_load %arg13[%get3A_326] {strides = array<i32>} : memref<512xf32, #tpu.memory_space<vmem>>, vector<16xf32>,
    %sub3A_328 = arith.subf %get3A_59, %get3A_327 : vector<16xf32>
    %add3A_329 = arith.addf %sub3A_328, %sub3A_328 : vector<16xf32>
    %exp3A_330 = math.exp %add3A_329 : vector<16xf32>
    %add3A_331 = arith.constant 1.000000e+00 : f32
    %add3A_332 = vector.broadcast %add3A_331 : f32 to vector<16xf32>
    %add3A_333 = arith.addf %exp3A_330, %add3A_332 : vector<16xf32>
    %div3A_334 = arith.constant 2.000000e+00 : f32
    %div3A_335 = vector.broadcast %div3A_334 : f32 to vector<16xf32>
    %div3A_336 = arith.divf %div3A_335, %add3A_333 : vector<16xf32>
    %sub3A_337 = arith.constant 1.000000e+00 : f32
    %sub3A_338 = vector.broadcast %sub3A_337 : f32 to vector<16xf32>
    %sub3A_339 = arith.subf %sub3A_338, %div3A_336 : vector<16xf32>
    %swap3A_340 = arith.constant 256 : index
    %swap3A_341 = tpu.vector_load %arg13[%swap3A_340] {strides = array<i32>} : memref<512xf32, #tpu.memory_space<vmem>>, vector<16xf32>,
    tpu.vector_store %arg13[%swap3A_340], %sub3A_339 {strides = array<i32>} : memref<512xf32, #tpu.memory_space<vmem>>, vector<16xf32>,
    %get3A_342 = arith.constant 272 : index
    %get3A_343 = tpu.vector_load %arg13[%get3A_342] {strides = array<i32>} : memref<512xf32, #tpu.memory_space<vmem>>, vector<16xf32>,
    %sub3A_344 = arith.subf %get3A_59, %get3A_343 : vector<16xf32>
    %add3A_345 = arith.addf %sub3A_344, %sub3A_344 : vector<16xf32>
    %exp3A_346 = math.exp %add3A_345 : vector<16xf32>
    %add3A_347 = arith.constant 1.000000e+00 : f32
    %add3A_348 = vector.broadcast %add3A_347 : f32 to vector<16xf32>
    %add3A_349 = arith.addf %exp3A_346, %add3A_348 : vector<16xf32>
    %div3A_350 = arith.constant 2.000000e+00 : f32
    %div3A_351 = vector.broadcast %div3A_350 : f32 to vector<16xf32>
    %div3A_352 = arith.divf %div3A_351, %add3A_349 : vector<16xf32>
    %sub3A_353 = arith.constant 1.000000e+00 : f32
    %sub3A_354 = vector.broadcast %sub3A_353 : f32 to vector<16xf32>
    %sub3A_355 = arith.subf %sub3A_354, %div3A_352 : vector<16xf32>
    %swap3A_356 = arith.constant 272 : index
    %swap3A_357 = tpu.vector_load %arg13[%swap3A_356] {strides = array<i32>} : memref<512xf32, #tpu.memory_space<vmem>>, vector<16xf32>,
    tpu.vector_store %arg13[%swap3A_356], %sub3A_355 {strides = array<i32>} : memref<512xf32, #tpu.memory_space<vmem>>, vector<16xf32>,
    %get3A_358 = arith.constant 288 : index
    %get3A_359 = tpu.vector_load %arg13[%get3A_358] {strides = array<i32>} : memref<512xf32, #tpu.memory_space<vmem>>, vector<16xf32>,
    %sub3A_360 = arith.subf %get3A_59, %get3A_359 : vector<16xf32>
    %add3A_361 = arith.addf %sub3A_360, %sub3A_360 : vector<16xf32>
    %exp3A_362 = math.exp %add3A_361 : vector<16xf32>
    %add3A_363 = arith.constant 1.000000e+00 : f32
    %add3A_364 = vector.broadcast %add3A_363 : f32 to vector<16xf32>
    %add3A_365 = arith.addf %exp3A_362, %add3A_364 : vector<16xf32>
    %div3A_366 = arith.constant 2.000000e+00 : f32
    %div3A_367 = vector.broadcast %div3A_366 : f32 to vector<16xf32>
    %div3A_368 = arith.divf %div3A_367, %add3A_365 : vector<16xf32>
    %sub3A_369 = arith.constant 1.000000e+00 : f32
    %sub3A_370 = vector.broadcast %sub3A_369 : f32 to vector<16xf32>
    %sub3A_371 = arith.subf %sub3A_370, %div3A_368 : vector<16xf32>
    %swap3A_372 = arith.constant 288 : index
    %swap3A_373 = tpu.vector_load %arg13[%swap3A_372] {strides = array<i32>} : memref<512xf32, #tpu.memory_space<vmem>>, vector<16xf32>,
    tpu.vector_store %arg13[%swap3A_372], %sub3A_371 {strides = array<i32>} : memref<512xf32, #tpu.memory_space<vmem>>, vector<16xf32>,
    %get3A_374 = arith.constant 304 : index
    %get3A_375 = tpu.vector_load %arg13[%get3A_374] {strides = array<i32>} : memref<512xf32, #tpu.memory_space<vmem>>, vector<16xf32>,
    %sub3A_376 = arith.subf %get3A_59, %get3A_375 : vector<16xf32>
    %add3A_377 = arith.addf %sub3A_376, %sub3A_376 : vector<16xf32>
    %exp3A_378 = math.exp %add3A_377 : vector<16xf32>
    %add3A_379 = arith.constant 1.000000e+00 : f32
    %add3A_380 = vector.broadcast %add3A_379 : f32 to vector<16xf32>
    %add3A_381 = arith.addf %exp3A_378, %add3A_380 : vector<16xf32>
    %div3A_382 = arith.constant 2.000000e+00 : f32
    %div3A_383 = vector.broadcast %div3A_382 : f32 to vector<16xf32>
    %div3A_384 = arith.divf %div3A_383, %add3A_381 : vector<16xf32>
    %sub3A_385 = arith.constant 1.000000e+00 : f32
    %sub3A_386 = vector.broadcast %sub3A_385 : f32 to vector<16xf32>
    %sub3A_387 = arith.subf %sub3A_386, %div3A_384 : vector<16xf32>
    %swap3A_388 = arith.constant 304 : index
    %swap3A_389 = tpu.vector_load %arg13[%swap3A_388] {strides = array<i32>} : memref<512xf32, #tpu.memory_space<vmem>>, vector<16xf32>,
    tpu.vector_store %arg13[%swap3A_388], %sub3A_387 {strides = array<i32>} : memref<512xf32, #tpu.memory_space<vmem>>, vector<16xf32>,
    %get3A_390 = arith.constant 320 : index
    %get3A_391 = tpu.vector_load %arg13[%get3A_390] {strides = array<i32>} : memref<512xf32, #tpu.memory_space<vmem>>, vector<16xf32>,
    %sub3A_392 = arith.subf %get3A_59, %get3A_391 : vector<16xf32>
    %add3A_393 = arith.addf %sub3A_392, %sub3A_392 : vector<16xf32>
    %exp3A_394 = math.exp %add3A_393 : vector<16xf32>
    %add3A_395 = arith.constant 1.000000e+00 : f32
    %add3A_396 = vector.broadcast %add3A_395 : f32 to vector<16xf32>
    %add3A_397 = arith.addf %exp3A_394, %add3A_396 : vector<16xf32>
    %div3A_398 = arith.constant 2.000000e+00 : f32
    %div3A_399 = vector.broadcast %div3A_398 : f32 to vector<16xf32>
    %div3A_400 = arith.divf %div3A_399, %add3A_397 : vector<16xf32>
    %sub3A_401 = arith.constant 1.000000e+00 : f32
    %sub3A_402 = vector.broadcast %sub3A_401 : f32 to vector<16xf32>
    %sub3A_403 = arith.subf %sub3A_402, %div3A_400 : vector<16xf32>
    %swap3A_404 = arith.constant 320 : index
    %swap3A_405 = tpu.vector_load %arg13[%swap3A_404] {strides = array<i32>} : memref<512xf32, #tpu.memory_space<vmem>>, vector<16xf32>,
    tpu.vector_store %arg13[%swap3A_404], %sub3A_403 {strides = array<i32>} : memref<512xf32, #tpu.memory_space<vmem>>, vector<16xf32>,
    %get3A_406 = arith.constant 336 : index
    %get3A_407 = tpu.vector_load %arg13[%get3A_406] {strides = array<i32>} : memref<512xf32, #tpu.memory_space<vmem>>, vector<16xf32>,
    %sub3A_408 = arith.subf %get3A_59, %get3A_407 : vector<16xf32>
    %add3A_409 = arith.addf %sub3A_408, %sub3A_408 : vector<16xf32>
    %exp3A_410 = math.exp %add3A_409 : vector<16xf32>
    %add3A_411 = arith.constant 1.000000e+00 : f32
    %add3A_412 = vector.broadcast %add3A_411 : f32 to vector<16xf32>
    %add3A_413 = arith.addf %exp3A_410, %add3A_412 : vector<16xf32>
    %div3A_414 = arith.constant 2.000000e+00 : f32
    %div3A_415 = vector.broadcast %div3A_414 : f32 to vector<16xf32>
    %div3A_416 = arith.divf %div3A_415, %add3A_413 : vector<16xf32>
    %sub3A_417 = arith.constant 1.000000e+00 : f32
    %sub3A_418 = vector.broadcast %sub3A_417 : f32 to vector<16xf32>
    %sub3A_419 = arith.subf %sub3A_418, %div3A_416 : vector<16xf32>
    %swap3A_420 = arith.constant 336 : index
    %swap3A_421 = tpu.vector_load %arg13[%swap3A_420] {strides = array<i32>} : memref<512xf32, #tpu.memory_space<vmem>>, vector<16xf32>,
    tpu.vector_store %arg13[%swap3A_420], %sub3A_419 {strides = array<i32>} : memref<512xf32, #tpu.memory_space<vmem>>, vector<16xf32>,
    %get3A_422 = arith.constant 352 : index
    %get3A_423 = tpu.vector_load %arg13[%get3A_422] {strides = array<i32>} : memref<512xf32, #tpu.memory_space<vmem>>, vector<16xf32>,
    %sub3A_424 = arith.subf %get3A_59, %get3A_423 : vector<16xf32>
    %add3A_425 = arith.addf %sub3A_424, %sub3A_424 : vector<16xf32>
    %exp3A_426 = math.exp %add3A_425 : vector<16xf32>
    %add3A_427 = arith.constant 1.000000e+00 : f32
    %add3A_428 = vector.broadcast %add3A_427 : f32 to vector<16xf32>
    %add3A_429 = arith.addf %exp3A_426, %add3A_428 : vector<16xf32>
    %div3A_430 = arith.constant 2.000000e+00 : f32
    %div3A_431 = vector.broadcast %div3A_430 : f32 to vector<16xf32>
    %div3A_432 = arith.divf %div3A_431, %add3A_429 : vector<16xf32>
    %sub3A_433 = arith.constant 1.000000e+00 : f32
    %sub3A_434 = vector.broadcast %sub3A_433 : f32 to vector<16xf32>
    %sub3A_435 = arith.subf %sub3A_434, %div3A_432 : vector<16xf32>
    %swap3A_436 = arith.constant 352 : index
    %swap3A_437 = tpu.vector_load %arg13[%swap3A_436] {strides = array<i32>} : memref<512xf32, #tpu.memory_space<vmem>>, vector<16xf32>,
    tpu.vector_store %arg13[%swap3A_436], %sub3A_435 {strides = array<i32>} : memref<512xf32, #tpu.memory_space<vmem>>, vector<16xf32>,
    %get3A_438 = arith.constant 368 : index
    %get3A_439 = tpu.vector_load %arg13[%get3A_438] {strides = array<i32>} : memref<512xf32, #tpu.memory_space<vmem>>, vector<16xf32>,
    %sub3A_440 = arith.subf %get3A_59, %get3A_439 : vector<16xf32>
    %add3A_441 = arith.addf %sub3A_440, %sub3A_440 : vector<16xf32>
    %exp3A_442 = math.exp %add3A_441 : vector<16xf32>
    %add3A_443 = arith.constant 1.000000e+00 : f32
    %add3A_444 = vector.broadcast %add3A_443 : f32 to vector<16xf32>
    %add3A_445 = arith.addf %exp3A_442, %add3A_444 : vector<16xf32>
    %div3A_446 = arith.constant 2.000000e+00 : f32
    %div3A_447 = vector.broadcast %div3A_446 : f32 to vector<16xf32>
    %div3A_448 = arith.divf %div3A_447, %add3A_445 : vector<16xf32>
    %sub3A_449 = arith.constant 1.000000e+00 : f32
    %sub3A_450 = vector.broadcast %sub3A_449 : f32 to vector<16xf32>
    %sub3A_451 = arith.subf %sub3A_450, %div3A_448 : vector<16xf32>
    %swap3A_452 = arith.constant 368 : index
    %swap3A_453 = tpu.vector_load %arg13[%swap3A_452] {strides = array<i32>} : memref<512xf32, #tpu.memory_space<vmem>>, vector<16xf32>,
    tpu.vector_store %arg13[%swap3A_452], %sub3A_451 {strides = array<i32>} : memref<512xf32, #tpu.memory_space<vmem>>, vector<16xf32>,
    %get3A_454 = arith.constant 384 : index
    %get3A_455 = tpu.vector_load %arg13[%get3A_454] {strides = array<i32>} : memref<512xf32, #tpu.memory_space<vmem>>, vector<16xf32>,
    %sub3A_456 = arith.subf %get3A_59, %get3A_455 : vector<16xf32>
    %add3A_457 = arith.addf %sub3A_456, %sub3A_456 : vector<16xf32>
    %exp3A_458 = math.exp %add3A_457 : vector<16xf32>
    %add3A_459 = arith.constant 1.000000e+00 : f32
    %add3A_460 = vector.broadcast %add3A_459 : f32 to vector<16xf32>
    %add3A_461 = arith.addf %exp3A_458, %add3A_460 : vector<16xf32>
    %div3A_462 = arith.constant 2.000000e+00 : f32
    %div3A_463 = vector.broadcast %div3A_462 : f32 to vector<16xf32>
    %div3A_464 = arith.divf %div3A_463, %add3A_461 : vector<16xf32>
    %sub3A_465 = arith.constant 1.000000e+00 : f32
    %sub3A_466 = vector.broadcast %sub3A_465 : f32 to vector<16xf32>
    %sub3A_467 = arith.subf %sub3A_466, %div3A_464 : vector<16xf32>
    %swap3A_468 = arith.constant 384 : index
    %swap3A_469 = tpu.vector_load %arg13[%swap3A_468] {strides = array<i32>} : memref<512xf32, #tpu.memory_space<vmem>>, vector<16xf32>,
    tpu.vector_store %arg13[%swap3A_468], %sub3A_467 {strides = array<i32>} : memref<512xf32, #tpu.memory_space<vmem>>, vector<16xf32>,
    %get3A_470 = arith.constant 400 : index
    %get3A_471 = tpu.vector_load %arg13[%get3A_470] {strides = array<i32>} : memref<512xf32, #tpu.memory_space<vmem>>, vector<16xf32>,
    %sub3A_472 = arith.subf %get3A_59, %get3A_471 : vector<16xf32>
    %add3A_473 = arith.addf %sub3A_472, %sub3A_472 : vector<16xf32>
    %exp3A_474 = math.exp %add3A_473 : vector<16xf32>
    %add3A_475 = arith.constant 1.000000e+00 : f32
    %add3A_476 = vector.broadcast %add3A_475 : f32 to vector<16xf32>
    %add3A_477 = arith.addf %exp3A_474, %add3A_476 : vector<16xf32>
    %div3A_478 = arith.constant 2.000000e+00 : f32
    %div3A_479 = vector.broadcast %div3A_478 : f32 to vector<16xf32>
    %div3A_480 = arith.divf %div3A_479, %add3A_477 : vector<16xf32>
    %sub3A_481 = arith.constant 1.000000e+00 : f32
    %sub3A_482 = vector.broadcast %sub3A_481 : f32 to vector<16xf32>
    %sub3A_483 = arith.subf %sub3A_482, %div3A_480 : vector<16xf32>
    %swap3A_484 = arith.constant 400 : index
    %swap3A_485 = tpu.vector_load %arg13[%swap3A_484] {strides = array<i32>} : memref<512xf32, #tpu.memory_space<vmem>>, vector<16xf32>,
    tpu.vector_store %arg13[%swap3A_484], %sub3A_483 {strides = array<i32>} : memref<512xf32, #tpu.memory_space<vmem>>, vector<16xf32>,
    %get3A_486 = arith.constant 416 : index
    %get3A_487 = tpu.vector_load %arg13[%get3A_486] {strides = array<i32>} : memref<512xf32, #tpu.memory_space<vmem>>, vector<16xf32>,
    %sub3A_488 = arith.subf %get3A_59, %get3A_487 : vector<16xf32>
    %add3A_489 = arith.addf %sub3A_488, %sub3A_488 : vector<16xf32>
    %exp3A_490 = math.exp %add3A_489 : vector<16xf32>
    %add3A_491 = arith.constant 1.000000e+00 : f32
    %add3A_492 = vector.broadcast %add3A_491 : f32 to vector<16xf32>
    %add3A_493 = arith.addf %exp3A_490, %add3A_492 : vector<16xf32>
    %div3A_494 = arith.constant 2.000000e+00 : f32
    %div3A_495 = vector.broadcast %div3A_494 : f32 to vector<16xf32>
    %div3A_496 = arith.divf %div3A_495, %add3A_493 : vector<16xf32>
    %sub3A_497 = arith.constant 1.000000e+00 : f32
    %sub3A_498 = vector.broadcast %sub3A_497 : f32 to vector<16xf32>
    %sub3A_499 = arith.subf %sub3A_498, %div3A_496 : vector<16xf32>
    %swap3A_500 = arith.constant 416 : index
    %swap3A_501 = tpu.vector_load %arg13[%swap3A_500] {strides = array<i32>} : memref<512xf32, #tpu.memory_space<vmem>>, vector<16xf32>,
    tpu.vector_store %arg13[%swap3A_500], %sub3A_499 {strides = array<i32>} : memref<512xf32, #tpu.memory_space<vmem>>, vector<16xf32>,
    %get3A_502 = arith.constant 432 : index
    %get3A_503 = tpu.vector_load %arg13[%get3A_502] {strides = array<i32>} : memref<512xf32, #tpu.memory_space<vmem>>, vector<16xf32>,
    %sub3A_504 = arith.subf %get3A_59, %get3A_503 : vector<16xf32>
    %add3A_505 = arith.addf %sub3A_504, %sub3A_504 : vector<16xf32>
    %exp3A_506 = math.exp %add3A_505 : vector<16xf32>
    %add3A_507 = arith.constant 1.000000e+00 : f32
    %add3A_508 = vector.broadcast %add3A_507 : f32 to vector<16xf32>
    %add3A_509 = arith.addf %exp3A_506, %add3A_508 : vector<16xf32>
    %div3A_510 = arith.constant 2.000000e+00 : f32
    %div3A_511 = vector.broadcast %div3A_510 : f32 to vector<16xf32>
    %div3A_512 = arith.divf %div3A_511, %add3A_509 : vector<16xf32>
    %sub3A_513 = arith.constant 1.000000e+00 : f32
    %sub3A_514 = vector.broadcast %sub3A_513 : f32 to vector<16xf32>
    %sub3A_515 = arith.subf %sub3A_514, %div3A_512 : vector<16xf32>
    %swap3A_516 = arith.constant 432 : index
    %swap3A_517 = tpu.vector_load %arg13[%swap3A_516] {strides = array<i32>} : memref<512xf32, #tpu.memory_space<vmem>>, vector<16xf32>,
    tpu.vector_store %arg13[%swap3A_516], %sub3A_515 {strides = array<i32>} : memref<512xf32, #tpu.memory_space<vmem>>, vector<16xf32>,
    %get3A_518 = arith.constant 448 : index
    %get3A_519 = tpu.vector_load %arg13[%get3A_518] {strides = array<i32>} : memref<512xf32, #tpu.memory_space<vmem>>, vector<16xf32>,
    %sub3A_520 = arith.subf %get3A_59, %get3A_519 : vector<16xf32>
    %add3A_521 = arith.addf %sub3A_520, %sub3A_520 : vector<16xf32>
    %exp3A_522 = math.exp %add3A_521 : vector<16xf32>
    %add3A_523 = arith.constant 1.000000e+00 : f32
    %add3A_524 = vector.broadcast %add3A_523 : f32 to vector<16xf32>
    %add3A_525 = arith.addf %exp3A_522, %add3A_524 : vector<16xf32>
    %div3A_526 = arith.constant 2.000000e+00 : f32
    %div3A_527 = vector.broadcast %div3A_526 : f32 to vector<16xf32>
    %div3A_528 = arith.divf %div3A_527, %add3A_525 : vector<16xf32>
    %sub3A_529 = arith.constant 1.000000e+00 : f32
    %sub3A_530 = vector.broadcast %sub3A_529 : f32 to vector<16xf32>
    %sub3A_531 = arith.subf %sub3A_530, %div3A_528 : vector<16xf32>
    %swap3A_532 = arith.constant 448 : index
    %swap3A_533 = tpu.vector_load %arg13[%swap3A_532] {strides = array<i32>} : memref<512xf32, #tpu.memory_space<vmem>>, vector<16xf32>,
    tpu.vector_store %arg13[%swap3A_532], %sub3A_531 {strides = array<i32>} : memref<512xf32, #tpu.memory_space<vmem>>, vector<16xf32>,
    %get3A_534 = arith.constant 464 : index
    %get3A_535 = tpu.vector_load %arg13[%get3A_534] {strides = array<i32>} : memref<512xf32, #tpu.memory_space<vmem>>, vector<16xf32>,
    %sub3A_536 = arith.subf %get3A_59, %get3A_535 : vector<16xf32>
    %add3A_537 = arith.addf %sub3A_536, %sub3A_536 : vector<16xf32>
    %exp3A_538 = math.exp %add3A_537 : vector<16xf32>
    %add3A_539 = arith.constant 1.000000e+00 : f32
    %add3A_540 = vector.broadcast %add3A_539 : f32 to vector<16xf32>
    %add3A_541 = arith.addf %exp3A_538, %add3A_540 : vector<16xf32>
    %div3A_542 = arith.constant 2.000000e+00 : f32
    %div3A_543 = vector.broadcast %div3A_542 : f32 to vector<16xf32>
    %div3A_544 = arith.divf %div3A_543, %add3A_541 : vector<16xf32>
    %sub3A_545 = arith.constant 1.000000e+00 : f32
    %sub3A_546 = vector.broadcast %sub3A_545 : f32 to vector<16xf32>
    %sub3A_547 = arith.subf %sub3A_546, %div3A_544 : vector<16xf32>
    %swap3A_548 = arith.constant 464 : index
    %swap3A_549 = tpu.vector_load %arg13[%swap3A_548] {strides = array<i32>} : memref<512xf32, #tpu.memory_space<vmem>>, vector<16xf32>,
    tpu.vector_store %arg13[%swap3A_548], %sub3A_547 {strides = array<i32>} : memref<512xf32, #tpu.memory_space<vmem>>, vector<16xf32>,
    %get3A_550 = arith.constant 480 : index
    %get3A_551 = tpu.vector_load %arg13[%get3A_550] {strides = array<i32>} : memref<512xf32, #tpu.memory_space<vmem>>, vector<16xf32>,
    %sub3A_552 = arith.subf %get3A_59, %get3A_551 : vector<16xf32>
    %add3A_553 = arith.addf %sub3A_552, %sub3A_552 : vector<16xf32>
    %exp3A_554 = math.exp %add3A_553 : vector<16xf32>
    %add3A_555 = arith.constant 1.000000e+00 : f32
    %add3A_556 = vector.broadcast %add3A_555 : f32 to vector<16xf32>
    %add3A_557 = arith.addf %exp3A_554, %add3A_556 : vector<16xf32>
    %div3A_558 = arith.constant 2.000000e+00 : f32
    %div3A_559 = vector.broadcast %div3A_558 : f32 to vector<16xf32>
    %div3A_560 = arith.divf %div3A_559, %add3A_557 : vector<16xf32>
    %sub3A_561 = arith.constant 1.000000e+00 : f32
    %sub3A_562 = vector.broadcast %sub3A_561 : f32 to vector<16xf32>
    %sub3A_563 = arith.subf %sub3A_562, %div3A_560 : vector<16xf32>
    %swap3A_564 = arith.constant 480 : index
    %swap3A_565 = tpu.vector_load %arg13[%swap3A_564] {strides = array<i32>} : memref<512xf32, #tpu.memory_space<vmem>>, vector<16xf32>,
    tpu.vector_store %arg13[%swap3A_564], %sub3A_563 {strides = array<i32>} : memref<512xf32, #tpu.memory_space<vmem>>, vector<16xf32>,
    %get3A_566 = arith.constant 496 : index
    %get3A_567 = tpu.vector_load %arg13[%get3A_566] {strides = array<i32>} : memref<512xf32, #tpu.memory_space<vmem>>, vector<16xf32>,
    %sub3A_568 = arith.subf %get3A_59, %get3A_567 : vector<16xf32>
    %add3A_569 = arith.addf %sub3A_568, %sub3A_568 : vector<16xf32>
    %exp3A_570 = math.exp %add3A_569 : vector<16xf32>
    %add3A_571 = arith.constant 1.000000e+00 : f32
    %add3A_572 = vector.broadcast %add3A_571 : f32 to vector<16xf32>
    %add3A_573 = arith.addf %exp3A_570, %add3A_572 : vector<16xf32>
    %div3A_574 = arith.constant 2.000000e+00 : f32
    %div3A_575 = vector.broadcast %div3A_574 : f32 to vector<16xf32>
    %div3A_576 = arith.divf %div3A_575, %add3A_573 : vector<16xf32>
    %sub3A_577 = arith.constant 1.000000e+00 : f32
    %sub3A_578 = vector.broadcast %sub3A_577 : f32 to vector<16xf32>
    %sub3A_579 = arith.subf %sub3A_578, %div3A_576 : vector<16xf32>
    %swap3A_580 = arith.constant 496 : index
    %swap3A_581 = tpu.vector_load %arg13[%swap3A_580] {strides = array<i32>} : memref<512xf32, #tpu.memory_space<vmem>>, vector<16xf32>,
    tpu.vector_store %arg13[%swap3A_580], %sub3A_579 {strides = array<i32>} : memref<512xf32, #tpu.memory_space<vmem>>, vector<16xf32>,
    "tpu.region"() ({
      %run_scoped3A = tpu.sem_alloc : memref<!tpu.dma_semaphore, #tpu.memory_space<semaphore_mem>>
      %dma_start3A_582 = tpu.memref_slice %arg5[%mul3A_2] : memref<16384xf32, #tpu.memory_space<hbm>> -> memref<512xf32, #tpu.memory_space<hbm>>
      %dma_start3A_583 = tpu.memref_slice %arg5[%mul3A_2] : memref<16384xf32, #tpu.memory_space<hbm>> -> memref<512xf32, #tpu.memory_space<hbm>>
      tpu.enqueue_dma source(%arg13 : memref<512xf32, #tpu.memory_space<vmem>>) target(%dma_start3A_583 : memref<512xf32, #tpu.memory_space<hbm>>) target_semaphore(%run_scoped3A : memref<!tpu.dma_semaphore, #tpu.memory_space<semaphore_mem>>)
      %dma_wait3A = tpu.memref_slice %arg5[%mul3A_2] : memref<16384xf32, #tpu.memory_space<hbm>> -> memref<512xf32, #tpu.memory_space<hbm>>
      %dma_wait3A_584 = tpu.memref_slice %arg5[%mul3A_2] : memref<16384xf32, #tpu.memory_space<hbm>> -> memref<512xf32, #tpu.memory_space<hbm>>
      tpu.wait_dma2 semaphore(%run_scoped3A : memref<!tpu.dma_semaphore, #tpu.memory_space<semaphore_mem>>) src(%arg13 : memref<512xf32, #tpu.memory_space<vmem>>) dst(%dma_wait3A_584 : memref<512xf32, #tpu.memory_space<hbm>>)
      tpu.yield
    }) : () -> ()
    return
  }
}

module attributes {stable_mosaic.version = 14 : i64} {
  func.func @_precompute_body(%arg0: memref<256x256xf32, #tpu.memory_space<vmem>>, %arg1: memref<256x200xf32, #tpu.memory_space<vmem>>, %arg2: memref<256x200xf32, #tpu.memory_space<vmem>>, %arg3: memref<1x200xf32, #tpu.memory_space<vmem>>, %arg4: memref<1x200xf32, #tpu.memory_space<vmem>>, %arg5: memref<1xf32, #tpu.memory_space<smem>>, %arg6: memref<514x208xf32, #tpu.memory_space<vmem>>) attributes {dimension_semantics = [], scalar_prefetch = 0 : i64, scratch_operands = 0 : i64, tpu.core_type = #tpu.core_type<tc>} {
    %get3A = arith.constant 0 : index
    %get3A_0 = arith.constant 0 : index
    %get3A_1 = vector.load %arg0[%get3A, %get3A_0] : memref<256x256xf32, #tpu.memory_space<vmem>>, vector<256x256xf32>
    %get3A_2 = arith.constant 0 : index
    %get3A_3 = arith.constant 0 : index
    %get3A_4 = vector.load %arg1[%get3A_2, %get3A_3] : memref<256x200xf32, #tpu.memory_space<vmem>>, vector<256x200xf32>
    %dot_general3A = arith.constant dense<0.000000e+00> : vector<256x200xf32>
    %dot_general3A_5 = tpu.matmul %get3A_1, %get3A_4, %dot_general3A {dimension_numbers = #tpu.dot_dimension_numbers<[1], [0], [0], [1], [0, 0, 1, 1], [], []>, transpose_lhs_hint = false} : vector<256x256xf32>, vector<256x200xf32>, vector<256x200xf32> -> vector<256x200xf32>
    %get3A_6 = arith.constant 0 : index
    %get3A_7 = arith.constant 0 : index
    %get3A_8 = vector.load %arg3[%get3A_6, %get3A_7] : memref<1x200xf32, #tpu.memory_space<vmem>>, vector<1x200xf32>
    %add3A = vector.broadcast %get3A_8 : vector<1x200xf32> to vector<256x200xf32>
    %add3A_9 = arith.addf %dot_general3A_5, %add3A : vector<256x200xf32>
    %mul3A = arith.constant 2.000000e+00 : f32
    %mul3A_10 = vector.broadcast %mul3A : f32 to vector<256x200xf32>
    %mul3A_11 = arith.mulf %add3A_9, %mul3A_10 : vector<256x200xf32>
    %get3A_12 = arith.constant 0 : index
    %get3A_13 = arith.constant 0 : index
    %get3A_14 = vector.load %arg2[%get3A_12, %get3A_13] : memref<256x200xf32, #tpu.memory_space<vmem>>, vector<256x200xf32>
    %dot_general3A_15 = arith.constant dense<0.000000e+00> : vector<256x200xf32>
    %dot_general3A_16 = tpu.matmul %get3A_1, %get3A_14, %dot_general3A_15 {dimension_numbers = #tpu.dot_dimension_numbers<[1], [0], [0], [1], [0, 0, 1, 1], [], []>, transpose_lhs_hint = false} : vector<256x256xf32>, vector<256x200xf32>, vector<256x200xf32> -> vector<256x200xf32>
    %mul3A_17 = arith.constant 2.000000e+00 : f32
    %mul3A_18 = vector.broadcast %mul3A_17 : f32 to vector<256x200xf32>
    %mul3A_19 = arith.mulf %dot_general3A_16, %mul3A_18 : vector<256x200xf32>
    %broadcast_in_dim3A = arith.constant 0.000000e+00 : f32
    %broadcast_in_dim3A_20 = vector.broadcast %broadcast_in_dim3A : f32 to vector<256x8xf32>
    %concatenate3A = tpu.concatenate %mul3A_11, %broadcast_in_dim3A_20 in 1 : vector<256x200xf32>, vector<256x8xf32> -> vector<256x208xf32>
    %swap3A = arith.constant 0 : index
    %swap3A_21 = arith.constant 0 : index
    %swap3A_22 = vector.load %arg6[%swap3A, %swap3A_21] : memref<514x208xf32, #tpu.memory_space<vmem>>, vector<256x208xf32>
    tpu.vector_store %arg6[%swap3A, %swap3A_21], %concatenate3A {strides = array<i32>} : memref<514x208xf32, #tpu.memory_space<vmem>>, vector<256x208xf32>,
    %concatenate3A_23 = tpu.concatenate %mul3A_19, %broadcast_in_dim3A_20 in 1 : vector<256x200xf32>, vector<256x8xf32> -> vector<256x208xf32>
    %swap3A_24 = arith.constant 256 : index
    %swap3A_25 = arith.constant 0 : index
    %swap3A_26 = vector.load %arg6[%swap3A_24, %swap3A_25] : memref<514x208xf32, #tpu.memory_space<vmem>>, vector<256x208xf32>
    tpu.vector_store %arg6[%swap3A_24, %swap3A_25], %concatenate3A_23 {strides = array<i32>} : memref<514x208xf32, #tpu.memory_space<vmem>>, vector<256x208xf32>,
    %get3A_27 = arith.constant 0 : index
    %get3A_28 = arith.constant 0 : index
    %get3A_29 = vector.load %arg4[%get3A_27, %get3A_28] : memref<1x200xf32, #tpu.memory_space<vmem>>, vector<1x200xf32>
    %mul3A_30 = arith.constant 2.000000e+00 : f32
    %mul3A_31 = vector.broadcast %mul3A_30 : f32 to vector<1x200xf32>
    %mul3A_32 = arith.mulf %mul3A_31, %get3A_29 : vector<1x200xf32>
    %broadcast_in_dim3A_33 = arith.constant 0.000000e+00 : f32
    %broadcast_in_dim3A_34 = vector.broadcast %broadcast_in_dim3A_33 : f32 to vector<1x8xf32>
    %concatenate3A_35 = tpu.concatenate %mul3A_32, %broadcast_in_dim3A_34 in 1 : vector<1x200xf32>, vector<1x8xf32> -> vector<1x208xf32>
    %swap3A_36 = arith.constant 512 : index
    %swap3A_37 = arith.constant 0 : index
    %swap3A_38 = vector.load %arg6[%swap3A_36, %swap3A_37] : memref<514x208xf32, #tpu.memory_space<vmem>>, vector<1x208xf32>
    tpu.vector_store %arg6[%swap3A_36, %swap3A_37], %concatenate3A_35 {strides = array<i32>} : memref<514x208xf32, #tpu.memory_space<vmem>>, vector<1x208xf32>,
    %get3A_39 = arith.constant 0 : index
    %get3A_40 = memref.load %arg5[%get3A_39] : memref<1xf32, #tpu.memory_space<smem>>
    %reduce_sum3A = vector.shape_cast %get3A_29 : vector<1x200xf32> to vector<1x1x200xf32>
    %reduce_sum3A_41 = arith.constant dense<0.000000e+00> : vector<1xf32>
    %reduce_sum3A_42 = vector.multi_reduction <add>, %reduce_sum3A, %reduce_sum3A_41 [1, 2] : vector<1x1x200xf32> to vector<1xf32>
    %reduce_sum3A_43 = vector.shape_cast %reduce_sum3A_42 : vector<1xf32> to vector<1x1x1xf32>
    %reduce_sum3A_44 = vector.extract %reduce_sum3A_43[0, 0, 0] : f32 from vector<1x1x1xf32>
    %add3A_45 = arith.addf %get3A_40, %reduce_sum3A_44 : f32
    %broadcast_in_dim3A_46 = vector.broadcast %add3A_45 : f32 to vector<1x208xf32>
    %swap3A_47 = arith.constant 513 : index
    %swap3A_48 = arith.constant 0 : index
    %swap3A_49 = vector.load %arg6[%swap3A_47, %swap3A_48] : memref<514x208xf32, #tpu.memory_space<vmem>>, vector<1x208xf32>
    tpu.vector_store %arg6[%swap3A_47, %swap3A_48], %broadcast_in_dim3A_46 {strides = array<i32>} : memref<514x208xf32, #tpu.memory_space<vmem>>, vector<1x208xf32>,
    return
  }
}

</mosaic_0001>

<sc_bundles>
// kernel: kernel.4.cloned.1.call-start
scs
__scs_entry_jumppad:
0x0: {  	(pc) =	sbr.rel $0x88, $3  }
0x1: {  	(tag) =	ssettag $0x0;
	lr =	simm.s32 $0x1  }
0x2: {  	[smem:$0x3F9B] =	sst lr;
	_ =	strace $0xD0000000  }
0x3: {  	_ = 	snop  }
0x4: {  	_ = 	snop  }
0x5: {  	_ = 	snop  }
0x6: {  	_ = 	snop  }
0x7: {  	_ = 	snop  }
__scs_overlays_trampoline_lowered:
0x8: {  	[smem:$0x3FAA] =	sst s0  }
0x9: {  	[smem:$0x3FAB] =	sst s1  }
0xa: {  	[smem:$0x3FAC] =	sst s2  }
0xb: {  	[smem:$0x3FAD] =	sst s3  }
0xc: {  	[smem:$0x3FAE] =	sst s4  }
0xd: {  	[smem:$0x3FAF] =	sst s5  }
0xe: {  	[smem:$0x3FB0] =	sst s6  }
0xf: {  	[smem:$0x3FB1] =	sst s7  }
0x10: {  	[smem:$0x3FB2] =	sst s8  }
0x11: {  	[smem:$0x3FB3] =	sst s9;
	s0 =	simm.s32 @!p0 $0x0  }
0x12: {  	s1 =	sld [smem:$0x3F99];
	s0 =	simm.s32 @p0 $0x1  }
0x13: {  	[smem:$0x3FB4] =	sst s0;
	s0 =	simm.s32 @!p1 $0x0  }
0x14: {  	s2 =	sld [smem:$0x3F98];
	s0 =	simm.s32 @p1 $0x1  }
0x15: {  	[smem:$0x3FB5] =	sst s0;
	s0 =	simm.s32 @!p2 $0x0  }
0x16: {  	s3 =	sld [smem:$0x3FDB];
	s0 =	simm.s32 @p2 $0x1  }
0x17: {  	s4 =	simm.s32 $0x1BF5;
	[smem:$0x3FB7] =	sst s0  }
0x18: {  	s0 =	sld [smem:$0x3F9A];
	_ =	swait.ge [sflag:s4], $0x0  }
0x19: {  	s7 =	sld [smem:$0x3F9B]  }
0x1a: {  	s8 =	sadd.s32 $0xFFFFE003, lr  }
0x1b: {  	s9 =	sadd.s32 $0xFFFFFEF7, lr;
	s5 =	simm.s32 $0xFFFFFFFF;
	p2 =	slt.u32 s8, $0xFFFFF086  }
0x1c: {  	p1 =	slt.u32 s9, $0xF7A;
	s5 =	simm.s32 @!p2 $0x0  }
0x1d: {  	s5 =	simm.s32 @p1 $0x1;
	p0 =	seq.s32 s7, s2  }
0x1e: {  	s7 =	smul.u32 @!p0 $0xF7A, s2;
	p2 =	seq.s32 @!p0 s5, $0x0  }
0x1f: {  	s9 =	smul.u32 $0xF7A, s1;
	s8 =	simm.s32 @!p0 $0x1BF5;
	p2 =	por !p2, p0  }
0x20: {  	[sflag:s8] =	ssyncset.s32 @!p0 $0xFFFFF086;
	s6 =	sadd.s32 @!p0 s3, s7;
	s7 =	simm.s32 @!p0 $0x108  }
0x21: {  	s3 =	sadd.s32 s3, s9;
	s6 =	sadd.s32 @!p0 $0x88, s6;
	s7 =	simm.s32 @p2 $0x1082  }
0x22: {  	[simem:s7], [sflag:s8] =	dma.local @!p0 [hbm:s6], $0xF7A  }
0x23: {  	s9 =	sor.u32 $0xD0000000, s2;
	s6 =	simm.s32 $0x108;
	_ =	swait.ge @!p0 [sflag:s8], $0x0  }
0x24: {  	s3 =	sadd.s32 $0x88, s3;
	s6 =	simm.s32 @!p1 $0x1082;
	[sflag:s4] =	ssyncset.s32 $0xFFFFF086  }
0x25: {  	[simem:s6], [sflag:s4] =	dma.local [hbm:s3], $0xF7A  }
0x26: {  	[smem:$0x3F9B] =	sst s1;
	(tag) =	ssettag s2;
	_ =	strace s9  }
0x27: {  	s1 =	sld [smem:$0x3FAB]  }
0x28: {  	s2 =	sld [smem:$0x3FAC]  }
0x29: {  	s4 =	sld [smem:$0x3FAE]  }
0x2a: {  	p0 =	seq.s32 s5, $0x0;
	s5 =	sld [smem:$0x3FAF]  }
0x2b: {  	s6 =	sld [smem:$0x3FB0]  }
0x2c: {  	s7 =	sld [smem:$0x3FB1]  }
0x2d: {  	s3 =	simm.s32 $0x108;
	s8 =	sld [smem:$0x3FB2]  }
0x2e: {  	s3 =	simm.s32 @!p0 $0x1082;
	s9 =	sld [smem:$0x3FB3]  }
0x2f: {  	lr =	sadd.s32 s0, s3;
	s0 =	sld [smem:$0x3FAA]  }
0x30: {  	s3 =	sld [smem:$0x3FAD]  }
0x31: {  	[smem:$0x3FB6] =	sst s10  }
0x32: {  	s10 =	sld [smem:$0x3FB4];
	_ =	sdelay $0x3  }
0x33: {  	p0 =	seq.s32 s10, $0x1;
	s10 =	sld [smem:$0x3FB6];
	_ =	sdelay $0x3  }
0x34: {  	[smem:$0x3FB6] =	sst s10  }
0x35: {  	s10 =	sld [smem:$0x3FB5];
	_ =	sdelay $0x3  }
0x36: {  	p1 =	seq.s32 s10, $0x1;
	s10 =	sld [smem:$0x3FB6];
	_ =	sdelay $0x3  }
0x37: {  	[smem:$0x3FB6] =	sst s10  }
0x38: {  	s10 =	sld [smem:$0x3FB7]  }
0x39: {  	_ = 	snop;
	(pc) =	sbr.ind lr, $3  }
0x3a: {  	_ = 	snop  }
0x3b: {  	_ = 	snop  }
0x3c: {  	p2 =	seq.s32 s10, $0x1;
	s10 =	sld [smem:$0x3FB6]  }
0x3d: {  	_ =	shalt  }
0x3e: {  	_ =	shalt  }
0x3f: {  	_ =	shalt  }
0x40: {  	_ =	shalt  }
0x41: {  	_ =	shalt  }
0x42: {  	_ =	shalt  }
0x43: {  	_ =	shalt  }
0x44: {  	_ =	shalt  }
0x45: {  	_ =	shalt  }
0x46: {  	_ =	shalt  }
0x47: {  	_ =	shalt  }
0x48: {  	_ =	shalt  }
0x49: {  	_ =	shalt  }
0x4a: {  	_ =	shalt  }
0x4b: {  	_ =	shalt  }
0x4c: {  	_ =	shalt  }
0x4d: {  	_ =	shalt  }
0x4e: {  	_ =	shalt  }
0x4f: {  	_ =	shalt  }
0x50: {  	_ =	shalt  }
0x51: {  	_ =	shalt  }
0x52: {  	_ =	shalt  }
0x53: {  	_ =	shalt  }
0x54: {  	_ =	shalt  }
0x55: {  	_ =	shalt  }
0x56: {  	_ =	shalt  }
0x57: {  	_ =	shalt  }
0x58: {  	_ =	shalt  }
0x59: {  	_ =	shalt  }
0x5a: {  	_ =	shalt  }
0x5b: {  	_ =	shalt  }
0x5c: {  	_ =	shalt  }
0x5d: {  	_ =	shalt  }
0x5e: {  	_ =	shalt  }
0x5f: {  	_ =	shalt  }
0x60: {  	_ =	shalt  }
0x61: {  	_ =	shalt  }
0x62: {  	_ =	shalt  }
0x63: {  	_ =	shalt  }
0x64: {  	_ =	shalt  }
0x65: {  	_ =	shalt  }
0x66: {  	_ =	shalt  }
0x67: {  	_ =	shalt  }
0x68: {  	_ =	shalt  }
0x69: {  	_ =	shalt  }
0x6a: {  	_ =	shalt  }
0x6b: {  	_ =	shalt  }
0x6c: {  	_ =	shalt  }
0x6d: {  	_ =	shalt  }
0x6e: {  	_ =	shalt  }
0x6f: {  	_ =	shalt  }
0x70: {  	_ =	shalt  }
0x71: {  	_ =	shalt  }
0x72: {  	_ =	shalt  }
0x73: {  	_ =	shalt  }
0x74: {  	_ =	shalt  }
0x75: {  	_ =	shalt  }
0x76: {  	_ =	shalt  }
0x77: {  	_ =	shalt  }
0x78: {  	_ =	shalt  }
0x79: {  	_ =	shalt  }
0x7a: {  	_ =	shalt  }
0x7b: {  	_ =	shalt  }
0x7c: {  	_ =	shalt  }
0x7d: {  	_ =	shalt  }
0x7e: {  	_ =	shalt  }
0x7f: {  	_ =	shalt  }
0x80: {  	_ =	shalt  }
0x81: {  	_ =	shalt  }
0x82: {  	_ =	shalt  }
0x83: {  	_ =	shalt  }
0x84: {  	_ =	shalt  }
0x85: {  	_ =	shalt  }
0x86: {  	_ =	shalt  }
0x87: {  	_ =	shalt  }
.Lfunc_end0:
.L_simem_size_0:
called_computation_lowered:
.L_overlay_start_0:
0x88: {  	s2 =	sld [smem:$0x3FD9]  }
0x89: {  	s3 =	sld [smem:$0x3FFE];
	_ =	sdelay $0x1  }
0x8a: {  	s1 =	srdreg.scid  }
0x8b: {  	s0 =	sand.u32 $0x1, s1  }
0x8c: {  	s17 =	sshll.u32 s0, $0xA;
	s2 =	sadd.s32 s3, s2  }
0x8d: {  	s2 =	sadd.s32 s2, s17  }
0x8e: {  	[smem:$0x3FC2] =	sst s2  }
0x8f: {  	_ = 	snop  }
0x90: {  	s2 =	sld [smem:$0x3FD0];
	(tm) =	ssettm $0x1  }
0x91: {  	s18 =	sld [smem:$0x3FFB];
	_ =	sdelay $0x3  }
0x92: {  	_ =	strace s18  }
0x93: {  	s3 =	sld [smem:$0x3FFC];
	_ =	sdelay $0x3  }
0x94: {  	_ =	strace s3  }
0x95: {  	s3 =	sld [smem:$0x3FFD];
	_ =	sdelay $0x3  }
0x96: {  	_ =	strace s3  }
0x97: {  	_ =	strace $0x8FFFFFFF  }
0x98: {  	s19 =	sld [smem:$0x3FDB];
	_ =	sdelay $0x1  }
0x99: {  	s4 =	simm.s32 $_scs_section_size  }
0x9a: {  	s5 =	simm.s32 $_size__tile_overlayer_lowered;
	s6 =	simm.s32 $_tile_overlayer_lowered  }
0x9b: {  	s22 =	simm.s32 $0x1BFF;
	s21 =	sshll.u32 s6, $0x1;
	s3 =	sadd.s32 s4, s19  }
0x9c: {  	s7 =	simm.s32 $0x0;
	s20 =	sshll.u32 s5, $0x1;
	s5 =	sadd.s32 s21, s3  }
0x9d: {  	[timem:s7], [sflag:s22] =	dma.local [hbm:s5], s20  }
0x9e: {  	_ =	swait.ge [sflag:s22], s20  }
0x9f: {  	s4 =	ssub.s32 $0x0, s20;
	[sflag:s22] =	ssyncset.done $0x0  }
0xa0: {  	[sflag:s22] =	ssyncadd.s32 s4;
	_ =	sdelay $0x1  }
0xa1: {  	s23 =	simm.s32 $0x1B8B  }
0xa2: {  	_ =	swait.ge [sflag:s23], $0x1  }
0xa3: {  	[sflag:s23] =	ssyncset.done $0x0  }
0xa4: {  	s25 =	simm.s32 $0x1B8E;
	s24 =	sld [smem:$0x3FFE];
	[sflag:s23] =	ssyncadd.s32 $0xFFFFFFFF  }
0xa5: {  	s26 =	simm.s32 $execute0_lowered;
	[smem:$0x3FD2] =	sst s25  }
0xa6: {  	s5 =	sshll.u32 s26, $0x1;
	_ =	strace $0x80000046;
	[dreg:$0x1] =	wrdreg $0xFFFFFFFF  }
0xa7: {  	s28 =	simm.s32 $_size_execute0_lowered;
	s3 =	sadd.s32 s3, s5;
	[dreg:$0x0] =	wrdreg $0x0  }
0xa8: {  	s5 =	sshll.u32 s28, $0x1;
	[dreg:$0x2] =	wrdreg s3  }
0xa9: {  	[dreg:$0x3] =	wrdreg s5  }
0xaa: {  	[dreg:$0x4] =	wrdreg $0xC0  }
0xab: {  	_ =	task [dreg:s7], $0x5FFFF  }
0xac: {  	[dreg:$0x1] =	wrdreg $0xFFFFFFFF  }
0xad: {  	[dreg:$0x0] =	wrdreg $0x60  }
0xae: {  	[dreg:$0x2] =	wrdreg s24  }
0xaf: {  	[dreg:$0x3] =	wrdreg s2  }
0xb0: {  	[dreg:$0x4] =	wrdreg $0x9  }
0xb1: {  	_ =	task.clear_ibuf [dreg:s7], $0x5FFFF;
	_ =	strace $0x90000046  }
0xb2: {  	s29 =	simm.s32 $0x9;
	_ =	strace $0x80000048  }
0xb3: {  	_ =	swait.ge [sflag:s29], $0x1  }
0xb4: {  	[sflag:s29] =	ssyncadd.s32 $0xFFFFFFFF  }
0xb5: {  	_ =	strace $0x90000048  }
0xb6: {  	_ =	sfence  }
0xb7: {  	s30 =	sld [smem:$0x0];
	_ =	sdelay $0x2  }
0xb8: {  	s31 =	sshll.u32 s1, $0xD;
	s1 =	sshrl.u32 s1, $0x2  }
0xb9: {  	s3 =	sand.u32 $0x4000, s31;
	s1 =	sadd.s32 s1, s30  }
0xba: {  	s0 =	sor.u32 s3, s0;
	s1 =	sshll.u32 s1, $0x11  }
0xbb: {  	s0 =	sor.u32 s1, s0  }
0xbc: {  	s0 =	sadd.s32 $0x8F2B, s0  }
0xbd: {  	[sflag:s0] =	ssyncadd.remote.s32 $0x1  }
0xbe: {  	_ =	sfence.sel $0xFFFF  }
0xbf: {  	[dreg:$0x0] =	wrdreg $0xFFFFFFFF;
	(pc) =	sbr.abs _section_cstart, $3  }
0xc0: {  	[dreg:$0x1] =	wrdreg $0xFFFFFFFF  }
0xc1: {  	_ =	task.clear_ibuf [dreg:s7], $0x2FFFF;
	_ =	strace $0x9FFFFFFF  }
0xc2: {  	(tm) =	ssettm $0x7FFFFFFF  }
0xc3: {  	_ =	shalt  }
tec
execute0_lowered:
.L_overlay_start_1:
0x0: {  	(tag) =	ssettag $0x1  }
0x1: {  	s0 =	rddreg [dreg:$0x0]  }
0x2: {  	s7 =	rddreg [dreg:$0x1]  }
0x3: {  	s2 =	srdreg.scid;
	s1 =	stileid.u32;
	s10 =	simm.s32 $0x200  }
0x4: {  	s11 =	simm.s32 $0x1A400;
	s12 =	simm.s32 $0x80;
	s13 =	simm.s32 $0x400  }
0x5: {  	s14 =	simm.s32 $0x6C00;
	s15 =	simm.s32 $0xD400;
	s16 =	simm.s32 $0x13C00  }
0x6: {  	s17 =	simm.s32 $0x1;
	s18 =	simm.s32 $0x2;
	s19 =	simm.s32 $0x1A5A0  }
0x7: {  	s20 =	simm.s32 $0x3;
	s21 =	simm.s32 $0x4;
	s22 =	simm.s32 $0x0  }
0x8: {  	s3 =	sand.u32 $0x1, s2;
	s2 =	simm.s32 $0x0;
	s4 =	sshll.u32 s1, $0x7  }
0x9: {  	s5 =	sshll.u32 s3, $0x6;
	[smem:$0x7FF] =	sst s2;
	s31 =	ssub.s32 $0x2, s3  }
0xa: {  	s3 =	sadd.s32 $0x1000, s0;
	s8 =	sor.u32 s5, s4;
	s6 =	sshrl.u32 s31, $0x1  }
0xb: {  	_ =	strace $0x80000047;
	s5 =	sadd.s32 s8, s0;
	s9 =	ssub.s32 s31, s6  }
0xc: {  	s6 =	sadd.s32 $0x4400, s0;
	s7 =	sadd.s32 s7, s8;
	s4 =	sadd.s32 $0x4E00, s5  }
0xd: {  	vm0 =	vcmask $0x3F3C;
	s5 =	sadd.s32 $0x4600, s5;
	s8 =	smax.u32 s9, $0x1;
	s9 =	simm.s32 $0x5  }
.LBB2_1:
0xe: {  	[tilespmem:s2], [sflag:$0x5] =	stream.linear.gather [hbm4b:s4+s2], $0x200, $0x38;
	[tilespmem:$0x1A7A0] =	vst v63  }
0xf: {  	_ =	swait.ge [sflag:s9], $0x200  }
0x10: {  	[sflag:s9] =	ssyncset.done $0x0  }
0x11: {  	[sflag:s9] =	ssyncadd.s32 $0xFFFFFE00  }
0x12: {  	[tilespmem:s10], [sflag:$0x5] =	stream.linear.gather [hbm4b:s5+s2], $0x200, $0x38;
	[tilespmem:$0x1A7A0] =	vst v63  }
0x13: {  	_ =	swait.ge [sflag:s9], $0x200  }
0x14: {  	[sflag:s9] =	ssyncset.done $0x0  }
0x15: {  	[sflag:s9] =	ssyncadd.s32 $0xFFFFFE00  }
0x16: {  	[tilespmem:s11], [sflag:$0x5] =	stream.linear.gather [hbm4b:s6+s2], $0x1A0, $0x38;
	[tilespmem:$0x1A7A0] =	vst v63  }
0x17: {  	_ =	swait.ge [sflag:s9], $0x1A0  }
0x18: {  	[sflag:s9] =	ssyncset.done $0x0  }
0x19: {  	[sflag:s9] =	ssyncadd.s32 $0xFFFFFE60  }
0x1a: {  	v1 =	vld [tilespmem:$0x1A400]  }
0x1b: {  	v2 =	vld [tilespmem:$0x1A410]  }
0x1c: {  	v3 =	vld [tilespmem:$0x1A420]  }
0x1d: {  	v4 =	vld [tilespmem:$0x1A430]  }
0x1e: {  	v5 =	vld [tilespmem:$0x1A440]  }
0x1f: {  	v6 =	vld [tilespmem:$0x1A450]  }
0x20: {  	v7 =	vld [tilespmem:$0x1A460]  }
0x21: {  	v8 =	vld [tilespmem:$0x1A470]  }
0x22: {  	v9 =	vld [tilespmem:$0x1A480]  }
0x23: {  	v10 =	vld [tilespmem:$0x1A490]  }
0x24: {  	v11 =	vld [tilespmem:$0x1A4A0]  }
0x25: {  	v12 =	vld [tilespmem:$0x1A4B0]  }
0x26: {  	v13 =	vld [tilespmem:$0x1A4C0]  }
0x27: {  	v0 =	vld [tilespmem:$0x1A4D0];
	[tilespmem:s13], [sflag:$0x1] =	stream.indirect.gather [hbm4b:s3+s12], $0xD0, s2, s12, $0xb8  }
0x28: {  	p1 =	por $0x1, $0x1;
	s24 =	simm.s32 $0x0  }
0x29: {  	[tilespmem:s14], [sflag:$0x2] =	stream.indirect.gather [hbm4b:s3+s12], $0xD0, s10, s12, $0xb8;
	[tilespmem:$0x1A7A0] =	vst v63  }
.LBB2_3:
0x2a: {  	s23 =	sor.u32 $0x80, s24  }
0x2b: {  	[tilespmem:s15], [sflag:$0x3] =	stream.indirect.gather [hbm4b:s3+s12], $0xD0, s23, s12, $0xb8;
	[tilespmem:$0x1A7A0] =	vst v63  }
0x2c: {  	s0 =	sadd.s32 $0x280, s24  }
0x2d: {  	[tilespmem:s16], [sflag:$0x4] =	stream.indirect.gather [hbm4b:s3+s12], $0xD0, s0, s12, $0xb8;
	[tilespmem:$0x1A7A0] =	vst v63  }
0x2e: {  	_ =	swait.ge [sflag:s17], $0x6800  }
0x2f: {  	[sflag:s17] =	ssyncset.done $0x0  }
0x30: {  	[sflag:s17] =	ssyncadd.s32 $0xFFFF9800  }
0x31: {  	_ =	swait.ge [sflag:s18], $0x6800  }
0x32: {  	[sflag:s18] =	ssyncset.done $0x0  }
0x33: {  	s26 =	simm.s32 $0x5A0;
	[sflag:s18] =	ssyncadd.s32 $0xFFFF9800  }
0x34: {  	s25 =	simm.s32 $0x6DA0;
	v14 =	vld [tilespmem:s26+$0x180]  }
0x35: {  	v15 =	vld [tilespmem:s25+$0x180]  }
0x36: {  	v16 =	vld [tilespmem:s26+$0x190]  }
0x37: {  	v17 =	vld [tilespmem:s25+$0x190]  }
0x38: {  	v18 =	vld [tilespmem:s26+$0x160]  }
0x39: {  	v19 =	vld [tilespmem:s25+$0x160]  }
0x3a: {  	v20 =	vld [tilespmem:s26+$0x140]  }
0x3b: {  	v21 =	vld [tilespmem:s25+$0x140]  }
0x3c: {  	v22 =	vld [tilespmem:s26+$0x120]  }
0x3d: {  	v23 =	vld [tilespmem:s25+$0x120]  }
0x3e: {  	v24 =	vld [tilespmem:s26+$0x100]  }
0x3f: {  	v25 =	vld [tilespmem:s25+$0x100]  }
0x40: {  	v26 =	vld [tilespmem:s26+$0xE0]  }
0x41: {  	v27 =	vld [tilespmem:s25+$0xE0]  }
0x42: {  	v28 =	vld [tilespmem:s26+$0xD0]  }
0x43: {  	v29 =	vld [tilespmem:s25+$0xD0]  }
0x44: {  	v30 =	vld [tilespmem:s26+$0xF0]  }
0x45: {  	v31 =	vld [tilespmem:s25+$0xF0]  }
0x46: {  	v32 =	vld [tilespmem:s26+$0x110]  }
0x47: {  	v33 =	vld [tilespmem:s25+$0x110]  }
0x48: {  	v63 =	vld [tilespmem:s26+$0xFFFFFEA0]  }
0x49: {  	v35 =	vld [tilespmem:s26+$0xFFFFFF70]  }
0x4a: {  	v42 =	vld [tilespmem:s25+$0xFFFFFF70]  }
0x4b: {  	v36 =	vld [tilespmem:s26+$0x30];
	v14 =	vadd.f32 v15, v14  }
0x4c: {  	v15 =	vld [tilespmem:s26+$0x130];
	v16 =	vadd.f32 v17, v16  }
0x4d: {  	v17 =	vld [tilespmem:s25+$0x130];
	v28 =	vadd.f32 v29, v28;
	v14 =	vmul.f32 $1.442695020e+00, v14  }
0x4e: {  	v29 =	vld [tilespmem:s26+$0x150];
	v26 =	vadd.f32 v27, v26;
	v30 =	vadd.f32 v31, v30;
	v16 =	vmul.f32 $1.442695020e+00, v16  }
0x4f: {  	v27 =	vld [tilespmem:s25+$0x150];
	v24 =	vadd.f32 v25, v24;
	v28 =	vmul.f32 $1.442695020e+00, v28;
	(erf) = vpow2.f32 v14  }
0x50: {  	v43 =	vld [tilespmem:s26+$0x40];
	v22 =	vadd.f32 v23, v22;
	v26 =	vmul.f32 $1.442695020e+00, v26;
	(erf) = vpow2.f32 v16  }
0x51: {  	v44 =	vld [tilespmem:s25+$0x40];
	v25 =	vmul.f32 $1.442695020e+00, v30;
	v30 =	vadd.f32 v33, v32;
	(erf) = vpow2.f32 v28  }
0x52: {  	v37 =	vld [tilespmem:s25+$0xFFFFFEB0];
	v20 =	vadd.f32 v21, v20;
	v24 =	vmul.f32 $1.442695020e+00, v24;
	(erf) = vpow2.f32 v26  }
0x53: {  	v14 =	vld [tilespmem:s26+$0x170];
	v15 =	vadd.f32 v17, v15;
	v26 =	vmul.f32 $1.442695020e+00, v30;
	(erf) = vpow2.f32 v25  }
0x54: {  	v22 =	vmul.f32 $1.442695020e+00, v22;
	v16 =	vld [tilespmem:s25+$0x170];
	(erf) = vpow2.f32 v24;
	v24 =	vadd.f32 v27, v29  }
0x55: {  	v45 =	vld [tilespmem:s25+$0xFFFFFEC0];
	v18 =	vadd.f32 v19, v18;
	v15 =	vmul.f32 $1.442695020e+00, v15;
	(erf) = vpow2.f32 v26  }
0x56: {  	v23 =	vld [tilespmem:s26+$0xFFFFFF30];
	(erf) = vpow2.f32 v22;
	v22 =	vmul.f32 $1.442695020e+00, v24  }
0x57: {  	v20 =	vmul.f32 $1.442695020e+00, v20;
	v17 =	vld [tilespmem:s25+$0xFFFFFF30]  }
0x58: {  	v46 =	vld [tilespmem:s26+$0xFFFFFEE0];
	(erf) = vpow2.f32 v15  }
0x59: {  	v47 =	vld [tilespmem:s25+$0xFFFFFFB0];
	v14 =	vadd.f32 v16, v14;
	v16 =	vmul.f32 $1.442695020e+00, v18;
	(erf) = vpow2.f32 v20;
	v18 =	vpop (erf)  }
0x5a: {  	v21 =	vld [tilespmem:s26+$0x0];
	(erf) = vpow2.f32 v22;
	v22 =	vpop (erf)  }
0x5b: {  	v25 =	vld [tilespmem:s25+$0x0];
	v26 =	vpop (erf)  }
0x5c: {  	v49 =	vld [tilespmem:s26+$0x70];
	v17 =	vadd.f32 v17, v23;
	v14 =	vmul.f32 $1.442695020e+00, v14;
	v26 =	vadd.f32 $1.000000000e+00, v26;
	v27 =	vpop (erf)  }
0x5d: {  	v19 =	vld [tilespmem:s26+$0xFFFFFE60];
	v18 =	vadd.f32 $1.000000000e+00, v18;
	(erf) = vpow2.f32 v16;
	v23 =	vadd.f32 $1.000000000e+00, v27  }
0x5e: {  	v28 =	vld [tilespmem:s25+$0xFFFFFE60];
	(erf) = vpow2.f32 v14  }
0x5f: {  	v30 =	vld [tilespmem:s25+$0x10];
	(erf) = vrcp.f32 v18;
	v27 =	vpop (erf)  }
0x60: {  	v15 =	vld [tilespmem:s26+$0xFFFFFE70];
	v21 =	vadd.f32 v25, v21;
	v25 =	vadd.f32 $1.000000000e+00, v27;
	(erf) = vrcp.f32 v26;
	v26 =	vpop (erf)  }
0x61: {  	v20 =	vld [tilespmem:s25+$0xFFFFFE70];
	(erf) = vrcp.f32 v23;
	v26 =	vadd.f32 $1.000000000e+00, v26;
	v23 =	vpop (erf)  }
0x62: {  	v29 =	vld [tilespmem:s26+$0x10];
	v23 =	vadd.f32 $1.000000000e+00, v23  }
0x63: {  	v24 =	vld [tilespmem:s26+$0xFFFFFE80]  }
0x64: {  	v19 =	vadd.f32 v28, v19;
	v28 =	vld [tilespmem:s25+$0xFFFFFF50];
	(erf) = vrcp.f32 v25;
	v25 =	vpop (erf)  }
0x65: {  	v16 =	vld [tilespmem:s25+$0xFFFFFE80];
	(erf) = vrcp.f32 v26;
	v26 =	vpop (erf)  }
0x66: {  	v14 =	vld [tilespmem:s26+$0xFFFFFF40];
	v15 =	vadd.f32 v20, v15;
	(erf) = vrcp.f32 v23;
	v23 =	vpop (erf)  }
0x67: {  	v18 =	vld [tilespmem:s25+$0xFFFFFF40];
	v25 =	vadd.f32 $1.000000000e+00, v25;
	v20 =	vadd.f32 $1.000000000e+00, v23;
	v23 =	vpop (erf)  }
0x68: {  	v17 =	vmul.f32 $1.442695020e+00, v17;
	v27 =	vld [tilespmem:s26+$0xFFFFFF50];
	v26 =	vadd.f32 $1.000000000e+00, v26;
	v23 =	vadd.f32 $1.000000000e+00, v23  }
0x69: {  	v50 =	vld [tilespmem:s25+$0x70];
	v19 =	vmul.f32 $1.442695020e+00, v19;
	(erf) = vrcp.f32 v25  }
0x6a: {  	v51 =	vld [tilespmem:s25+$0x80];
	v29 =	vadd.f32 v30, v29;
	v16 =	vadd.f32 v16, v24;
	(erf) = vrcp.f32 v26;
	v24 =	vpop (erf)  }
0x6b: {  	v31 =	vld [tilespmem:s26+$0x20];
	v21 =	vmul.f32 $1.442695020e+00, v21;
	(erf) = vrcp.f32 v20;
	v20 =	vpop (erf)  }
0x6c: {  	v22 =	vadd.f32 $1.000000000e+00, v22;
	v29 =	vmul.f32 $1.442695020e+00, v29;
	v25 =	vld [tilespmem:s25+$0x20];
	(erf) = vrcp.f32 v23;
	v23 =	vpop (erf)  }
0x6d: {  	v52 =	vld [tilespmem:s26+$0xFFFFFEF0];
	v15 =	vmul.f32 $1.442695020e+00, v15;
	v14 =	vadd.f32 v18, v14;
	v27 =	vadd.f32 v28, v27;
	v40 =	vpop (erf)  }
0x6e: {  	v16 =	vmul.f32 $1.442695020e+00, v16;
	v26 =	vld [tilespmem:s26+$0xFFFFFE90];
	v18 =	vadd.f32 $1.000000000e+00, v24;
	v28 =	vmul.f32 v40, v1;
	v41 =	vpop (erf)  }
0x6f: {  	v14 =	vmul.f32 $1.442695020e+00, v14;
	v27 =	vmul.f32 $1.442695020e+00, v27;
	v24 =	vld [tilespmem:s25+$0xFFFFFE90];
	v20 =	vadd.f32 $1.000000000e+00, v20;
	v30 =	vpop (erf)  }
0x70: {  	(erf) = vrcp.f32 v18;
	v18 =	vld [tilespmem:s25+$0xFFFFFEA0];
	v28 =	vadd.f32 $0.0e+00, v28;
	v30 =	vmul.f32 v30, v3  }
0x71: {  	v53 =	vld [tilespmem:s25+$0xFFFFFEF0];
	v25 =	vadd.f32 v25, v31;
	(erf) = vrcp.f32 v20;
	v33 =	vmul.f32 v41, v2  }
0x72: {  	v23 =	vmul.f32 v23, v12;
	v20 =	vld [tilespmem:s26+$0xFFFFFF60];
	(erf) = vrcp.f32 v22;
	v34 =	vpop (erf);
	v28 =	vadd.f32 v30, v28  }
0x73: {  	v22 =	vld [tilespmem:s25+$0xFFFFFF60];
	(erf) = vpow2.f32 v19;
	v31 =	vmul.f32 v34, v4;
	v19 =	vpop (erf);
	v33 =	vadd.f32 $0.0e+00, v33  }
0x74: {  	v38 =	vld [tilespmem:s26+$0xFFFFFF00];
	v24 =	vadd.f32 v24, v26;
	(erf) = vpow2.f32 v17;
	v19 =	vmul.f32 v19, v5;
	v30 =	vpop (erf)  }
0x75: {  	v55 =	vld [tilespmem:s25+$0xFFFFFF00];
	v18 =	vadd.f32 v18, v63;
	(erf) = vpow2.f32 v21;
	v31 =	vadd.f32 v31, v33;
	v17 =	vpop (erf)  }
0x76: {  	v39 =	vld [tilespmem:s26+$0xFFFFFFC0];
	(erf) = vpow2.f32 v15;
	v19 =	vadd.f32 v19, v28;
	v26 =	vmul.f32 v30, v6;
	v28 =	vpop (erf)  }
0x77: {  	v34 =	vadd.f32 v42, v35;
	v30 =	vld [tilespmem:s25+$0x30];
	v17 =	vmul.f32 v17, v7;
	v28 =	vmul.f32 v28, v8  }
0x78: {  	v20 =	vadd.f32 v22, v20;
	v18 =	vmul.f32 $1.442695020e+00, v18;
	v21 =	vpop (erf);
	v26 =	vadd.f32 v26, v31;
	v31 =	vld [tilespmem:s26+$0xFFFFFEB0]  }
0x79: {  	v17 =	vadd.f32 v17, v19;
	v19 =	vmul.f32 v21, v9;
	v21 =	vpop (erf);
	(erf) = vpow2.f32 v16;
	v16 =	vld [tilespmem:s25+$0xFFFFFF80]  }
0x7a: {  	v21 =	vmul.f32 v21, v10;
	v22 =	vpop (erf);
	v26 =	vadd.f32 v28, v26;
	(erf) = vpow2.f32 v14;
	v14 =	vld [tilespmem:s26+$0xFFFFFF90]  }
0x7b: {  	v20 =	vmul.f32 $1.442695020e+00, v20;
	v17 =	vadd.f32 v19, v17;
	v19 =	vmul.f32 v22, v11;
	v22 =	vld [tilespmem:s26+$0xFFFFFEC0];
	v28 =	vpop (erf)  }
0x7c: {  	v21 =	vadd.f32 v21, v26;
	(erf) = vpow2.f32 v27;
	v26 =	vmul.f32 v28, v13;
	v28 =	vld [tilespmem:s26+$0xFFFFFF80]  }
0x7d: {  	v15 =	vadd.f32 v19, v17;
	v17 =	vmul.f32 $1.442695020e+00, v25;
	(erf) = vpow2.f32 v29;
	v29 =	vld [tilespmem:s26+$0x60]  }
0x7e: {  	v19 =	vadd.f32 v30, v36;
	v30 =	vld [tilespmem:s25+$0x60];
	v21 =	vadd.f32 v23, v21;
	v23 =	vmul.f32 $1.442695020e+00, v24  }
0x7f: {  	v27 =	vmul.f32 $1.442695020e+00, v34;
	v25 =	vadd.f32 v44, v43;
	v24 =	vld [tilespmem:s25+$0xFFFFFF90];
	(erf) = vpow2.f32 v17  }
0x80: {  	v15 =	vadd.f32 v26, v15;
	v26 =	vld [tilespmem:s26+$0x50];
	v19 =	vmul.f32 $1.442695020e+00, v19;
	(erf) = vpow2.f32 v23  }
0x81: {  	v17 =	vld [tilespmem:s25+$0x50];
	v25 =	vmul.f32 $1.442695020e+00, v25;
	v22 =	vadd.f32 v45, v22;
	(erf) = vpow2.f32 v18  }
0x82: {  	v15 =	vadd.f32 v15, v21;
	v21 =	vadd.f32 v37, v31;
	v31 =	vld [tilespmem:s26+$0xFFFFFED0];
	v23 =	vpop (erf);
	(erf) = vpow2.f32 v20  }
0x83: {  	v16 =	vadd.f32 v16, v28;
	v28 =	vld [tilespmem:s25+$0xFFFFFED0];
	v22 =	vmul.f32 $1.442695020e+00, v22;
	v29 =	vadd.f32 v30, v29;
	v18 =	vpop (erf)  }
0x84: {  	v21 =	vmul.f32 $1.442695020e+00, v21;
	v14 =	vadd.f32 v24, v14;
	v24 =	vld [tilespmem:s25+$0xFFFFFEE0];
	v20 =	vpop (erf);
	(erf) = vpow2.f32 v27  }
0x85: {  	v56 =	vld [tilespmem:s25+$0xFFFFFFC0];
	v16 =	vmul.f32 $1.442695020e+00, v16;
	v27 =	vpop (erf);
	(erf) = vpow2.f32 v19  }
0x86: {  	v57 =	vld [tilespmem:s26+$0xFFFFFFD0];
	v29 =	vmul.f32 $1.442695020e+00, v29;
	v19 =	vpop (erf);
	(erf) = vpow2.f32 v25  }
0x87: {  	v30 =	vld [tilespmem:s25+$0xFFFFFFA0];
	v17 =	vadd.f32 v17, v26;
	v14 =	vmul.f32 $1.442695020e+00, v14;
	v26 =	vpop (erf);
	(erf) = vpow2.f32 v21  }
0x88: {  	v25 =	vadd.f32 $1.000000000e+00, v27;
	v27 =	vld [tilespmem:s26+$0xFFFFFFA0];
	v28 =	vadd.f32 v28, v31;
	v21 =	vpop (erf);
	(erf) = vpow2.f32 v22  }
0x89: {  	v17 =	vmul.f32 $1.442695020e+00, v17;
	v31 =	vld [tilespmem:s26+$0xFFFFFFB0];
	v24 =	vadd.f32 v24, v46;
	v22 =	vpop (erf);
	(erf) = vpow2.f32 v16  }
0x8a: {  	v59 =	vld [tilespmem:s26+$0x90];
	v16 =	vadd.f32 $1.000000000e+00, v20;
	v28 =	vmul.f32 $1.442695020e+00, v28;
	v20 =	vpop (erf);
	(erf) = vpow2.f32 v14  }
0x8b: {  	v32 =	vadd.f32 v50, v49;
	v40 =	vld [tilespmem:s25+$0xFFFFFFD0];
	v23 =	vadd.f32 $1.000000000e+00, v23;
	v48 =	vpop (erf);
	(erf) = vpow2.f32 v17  }
0x8c: {  	v41 =	vld [tilespmem:s25+$0x90];
	v24 =	vmul.f32 $1.442695020e+00, v24;
	v17 =	vadd.f32 $1.000000000e+00, v19;
	v19 =	vpop (erf);
	(erf) = vpow2.f32 v29  }
0x8d: {  	v63 =	vld [tilespmem:s25+$0xFFFFFF10];
	v18 =	vadd.f32 $1.000000000e+00, v18;
	v27 =	vadd.f32 v30, v27;
	v29 =	vpop (erf);
	(erf) = vpow2.f32 v28  }
0x8e: {  	v32 =	vmul.f32 $1.442695020e+00, v32;
	v30 =	vld [tilespmem:s26+$0x80];
	v31 =	vadd.f32 v47, v31;
	v28 =	vpop (erf);
	(erf) = vrcp.f32 v23  }
0x8f: {  	v35 =	vadd.f32 v55, v38;
	v43 =	vld [tilespmem:s26+$0xFFFFFF10];
	v27 =	vmul.f32 $1.442695020e+00, v27;
	v23 =	vpop (erf);
	(erf) = vpow2.f32 v24  }
0x90: {  	v49 =	vld [tilespmem:s25+$0xFFFFFF20];
	v33 =	vadd.f32 v53, v52;
	v31 =	vmul.f32 $1.442695020e+00, v31;
	v24 =	vpop (erf);
	(erf) = vrcp.f32 v18  }
0x91: {  	v35 =	vmul.f32 $1.442695020e+00, v35;
	v36 =	vadd.f32 v56, v39;
	v44 =	vld [tilespmem:s26+$0xFFFFFF20];
	v18 =	vpop (erf);
	(erf) = vpow2.f32 v27  }
0x92: {  	v61 =	vld [tilespmem:s26+$0xA0];
	v38 =	vadd.f32 v41, v59;
	v33 =	vmul.f32 $1.442695020e+00, v33;
	v54 =	vpop (erf);
	(erf) = vrcp.f32 v16  }
0x93: {  	v42 =	vld [tilespmem:s25+$0xA0];
	v36 =	vmul.f32 $1.442695020e+00, v36;
	v30 =	vadd.f32 v51, v30;
	v16 =	vpop (erf);
	(erf) = vpow2.f32 v31  }
0x94: {  	v37 =	vadd.f32 v40, v57;
	v40 =	vadd.f32 v63, v43;
	v31 =	vpop (erf);
	(erf) = vrcp.f32 v25  }
0x95: {  	v26 =	vadd.f32 $1.000000000e+00, v26;
	v30 =	vmul.f32 $1.442695020e+00, v30;
	v25 =	vpop (erf);
	(erf) = vpow2.f32 v32  }
0x96: {  	v41 =	vadd.f32 v49, v44;
	v37 =	vmul.f32 $1.442695020e+00, v37;
	v58 =	vpop (erf);
	(erf) = vrcp.f32 v17  }
0x97: {  	s28 =	sadd.s32 $0x0, s24;
	v40 =	vmul.f32 $1.442695020e+00, v40;
	v21 =	vadd.f32 $1.000000000e+00, v21;
	v17 =	vpop (erf);
	(erf) = vpow2.f32 v30  }
0x98: {  	s1 =	sadd.s32 $0x3, s28;
	v50 =	vadd.f32 v42, v61;
	v41 =	vmul.f32 $1.442695020e+00, v41;
	v60 =	vpop (erf);
	(erf) = vrcp.f32 v26  }
0x99: {  	v14 =	vmov s1;
	v22 =	vadd.f32 $1.000000000e+00, v22;
	v26 =	vpop (erf);
	(erf) = vpow2.f32 v33  }
0x9a: {  	v20 =	vadd.f32 $1.000000000e+00, v20;
	v19 =	vadd.f32 $1.000000000e+00, v19;
	v62 =	vpop (erf);
	(erf) = vrcp.f32 v21  }
0x9b: {  	v29 =	vadd.f32 $1.000000000e+00, v29;
	v28 =	vadd.f32 $1.000000000e+00, v28;
	v21 =	vpop (erf);
	(erf) = vpow2.f32 v35  }
0x9c: {  	v23 =	vadd.f32 $1.000000000e+00, v23;
	v35 =	vadd.f32 $1.000000000e+00, v25;
	v25 =	vpop (erf);
	(erf) = vrcp.f32 v22  }
0x9d: {  	v59 =	vld [tilespmem:s26+$0xC0];
	v27 =	vadd.f32 $1.000000000e+00, v48;
	v24 =	vadd.f32 $1.000000000e+00, v24;
	v22 =	vpop (erf);
	(erf) = vpow2.f32 v36  }
0x9e: {  	v61 =	vld [tilespmem:s25+$0xC0];
	(xrf2) =	vadd.scan.msk.f32 $0xffff, v15;
	v18 =	vadd.f32 $1.000000000e+00, v18;
	v16 =	vadd.f32 $1.000000000e+00, v16;
	v48 =	vpop (erf);
	(erf) = vrcp.f32 v20  }
0x9f: {  	v51 =	vld [tilespmem:s26+$0xFFFFFFE0];
	v31 =	vadd.f32 $1.000000000e+00, v31;
	v30 =	vadd.f32 $1.000000000e+00, v54;
	v15 =	vpop (erf);
	(erf) = vpow2.f32 v37  }
0xa0: {  	v32 =	vadd.f32 $1.000000000e+00, v58;
	v20 =	vmul.f32 $1.442695020e+00, v38;
	v52 =	vpop (erf);
	(erf) = vrcp.f32 v27;
	v27 =	vld [tilespmem:s25+$0xFFFFFFE0]  }
0xa1: {  	v17 =	vadd.f32 $1.000000000e+00, v17;
	v34 =	vmul.f32 v60, v1;
	v33 =	vmul.f32 v62, v1;
	v53 =	vpop (erf)  }
0xa2: {  	(erf) = vpow2.f32 v20;
	v20 =	vadd.f32 $1.000000000e+00, v21;
	v21 =	vmul.f32 v25, v1;
	v25 =	vld [tilespmem:s26+$0xFFFFFFF0];
	v54 =	vpop (erf)  }
0xa3: {  	v26 =	vadd.f32 $1.000000000e+00, v26;
	v38 =	vmul.f32 $1.442695020e+00, v50;
	(erf) = vrcp.f32 v19;
	v19 =	vld [tilespmem:s25+$0xFFFFFFF0];
	v45 =	vpop (erf)  }
0xa4: {  	v34 =	vadd.f32 $0.0e+00, v34;
	v36 =	vmul.f32 v48, v2;
	v37 =	vadd.f32 v61, v59;
	v56 =	vpop (erf)  }
0xa5: {  	v55 =	vld [tilespmem:s26+$0xB0];
	v39 =	vmul.f32 v52, v3;
	(erf) = vpow2.f32 v38;
	v46 =	vpop (erf);
	v27 =	vadd.f32 v27, v51  }
0xa6: {  	v57 =	vld [tilespmem:s25+$0xB0];
	v22 =	vadd.f32 $1.000000000e+00, v22;
	v37 =	vmul.f32 $1.442695020e+00, v37;
	(erf) = vrcp.f32 v29;
	v58 =	vpop (erf)  }
0xa7: {  	v15 =	vadd.f32 $1.000000000e+00, v15;
	(erf) = vpow2.f32 v40;
	v60 =	vpop (erf);
	v27 =	vmul.f32 $1.442695020e+00, v27  }
0xa8: {  	v36 =	vadd.f32 $0.0e+00, v36;
	(erf) = vrcp.f32 v28;
	v19 =	vadd.f32 v19, v25;
	v25, _, _ =	vpop (xrf2)  }
0xa9: {  	v21 =	vadd.f32 $0.0e+00, v21;
	v43 =	vmul.f32 v54, v2;
	(erf) = vpow2.f32 v41;
	v47 =	vpop (erf)  }
0xaa: {  	v48 =	vadd.f32 v39, v34;
	v29 =	vadd.f32 $0.0e+00, v33;
	(erf) = vrcp.f32 v23;
	v62 =	vpop (erf)  }
0xab: {  	v33 =	vadd.f32 v57, v55;
	v19 =	vmul.f32 $1.442695020e+00, v19;
	(erf) = vpow2.f32 v27;
	v27 =	vpop (erf)  }
0xac: {  	v44 =	vmul.f32 v56, v3;
	v52 =	vadd.f32 $0.0e+00, v43;
	(erf) = vrcp.f32 v24;
	v24 =	vpop (erf)  }
0xad: {  	v40 =	vmov s28;
	v33 =	vmul.f32 $1.442695020e+00, v33;
	v63 =	vpop (erf);
	(erf) = vpow2.f32 v19  }
0xae: {  	v28 =	vadd.f32 $1.000000000e+00, v53;
	v29 =	vadd.f32 v44, v29;
	(erf) = vrcp.f32 v18;
	v18 =	vpop (erf)  }
0xaf: {  	v23 =	vadd.f32 $1.000000000e+00, v45;
	v45 =	vadd.f32 $1.000000000e+00, v46;
	v46 =	vpop (erf);
	(erf) = vpow2.f32 v33  }
0xb0: {  	v42 =	vadd.f32 $1.000000000e+00, v60;
	v49 =	vmul.f32 v47, v3;
	(erf) = vrcp.f32 v30;
	v30 =	vpop (erf)  }
0xb1: {  	v38 =	vadd.f32 $1.000000000e+00, v62;
	v27 =	vmul.f32 v27, v4;
	v50 =	vpop (erf);
	(erf) = vpow2.f32 v37  }
0xb2: {  	v21 =	vadd.f32 v49, v21;
	v19 =	vmul.f32 v58, v2;
	v51 =	vpop (erf);
	(erf) = vrcp.f32 v16  }
0xb3: {  	s30 =	sadd.s32 $0x1, s28;
	v24 =	vadd.f32 $1.000000000e+00, v24;
	v54 =	vmul.f32 v63, v5;
	(erf) = vrcp.f32 v31;
	v31 =	vpop (erf)  }
0xb4: {  	v27 =	vadd.f32 v27, v36;
	v63 =	vmov s30;
	v53 =	vpop (erf);
	(erf) = vrcp.f32 v35  }
0xb5: {  	v18 =	vadd.f32 $1.000000000e+00, v18;
	v19 =	vadd.f32 $0.0e+00, v19;
	v55 =	vpop (erf);
	(erf) = vrcp.f32 v32  }
0xb6: {  	v56 =	vmul.f32 v46, v4;
	v30 =	vadd.f32 $1.000000000e+00, v30;
	(erf) = vrcp.f32 v17;
	v17 =	vpop (erf)  }
0xb7: {  	v57 =	vmul.f32 v50, v5;
	v58 =	vadd.f32 $1.000000000e+00, v17;
	v17 =	vpop (erf);
	(erf) = vrcp.f32 v26  }
0xb8: {  	v16 =	vadd.f32 $1.000000000e+00, v51;
	v31 =	vmul.f32 v31, v4;
	(erf) = vrcp.f32 v20;
	v20 =	vpop (erf)  }
0xb9: {  	v29 =	vadd.f32 v57, v29;
	v60 =	vadd.f32 $1.000000000e+00, v20;
	v20 =	vpop (erf);
	(erf) = vrcp.f32 v22  }
0xba: {  	v37 =	vadd.f32 $1.000000000e+00, v53;
	v59 =	vmul.f32 v55, v5;
	(erf) = vrcp.f32 v15;
	v15 =	vpop (erf)  }
0xbb: {  	v19 =	vadd.f32 v31, v19;
	v62 =	vadd.f32 $1.000000000e+00, v15;
	v15 =	vpop (erf);
	(erf) = vrcp.f32 v28  }
0xbc: {  	v61 =	vadd.f32 v59, v21;
	v17 =	vmul.f32 v17, v6;
	(erf) = vrcp.f32 v23;
	v21 =	vpop (erf)  }
0xbd: {  	v26 =	vadd.f32 v54, v48;
	v20 =	vmul.f32 v20, v7;
	(erf) = vrcp.f32 v45;
	v23 =	vpop (erf)  }
0xbe: {  	v22 =	vadd.f32 v56, v52;
	v15 =	vmul.f32 v15, v6;
	(erf) = vrcp.f32 v42;
	v28 =	vpop (erf)  }
0xbf: {  	s26 =	simm.s32 $0x70E0;
	v27 =	vadd.f32 v17, v27;
	v21 =	vmul.f32 v21, v7;
	v31 =	vpop (erf);
	(erf) = vrcp.f32 v38  }
0xc0: {  	v39 =	vld [tilespmem:s26+$0xD0];
	v22 =	vadd.f32 v15, v22;
	v15 =	vmul.f32 v23, v6;
	v45 =	vpop (erf);
	(erf) = vrcp.f32 v24  }
0xc1: {  	s25 =	simm.s32 $0x8E0;
	v36 =	vld [tilespmem:s26+$0xE0];
	v24 =	vadd.f32 v21, v29;
	v29 =	vpop (erf);
	(erf) = vrcp.f32 v18;
	v18 =	vmul.f32 v31, v8  }
0xc2: {  	v17 =	vld [tilespmem:s25+$0x180];
	v31 =	vadd.f32 v15, v19;
	(erf) = vrcp.f32 v30;
	v19 =	vpop (erf);
	v29 =	vmul.f32 v29, v8  }
0xc3: {  	v26 =	vadd.f32 v20, v26;
	v20 =	vld [tilespmem:s26+$0x180];
	v28 =	vmul.f32 v28, v7;
	(erf) = vrcp.f32 v16;
	v46 =	vpop (erf)  }
0xc4: {  	s31 =	sadd.s32 $0x2, s28;
	v23 =	vld [tilespmem:s26+$0x190];
	(erf) = vrcp.f32 v37;
	v47 =	vpop (erf);
	v22 =	vadd.f32 v29, v22;
	v29 =	vmul.f32 v46, v8  }
0xc5: {  	v59 =	vmov s31;
	v38 =	vld [tilespmem:s25+$0xD0];
	v30 =	vmul.f32 v45, v9;
	v48 =	vpop (erf);
	(erf) = vrcp.f32 v58  }
0xc6: {  	[tilespmem:v14+s19+$0x0] =	vst.idx.msk vm0, v25;
	v25 =	vand.u32 $0xFFFFFFFE, v59;
	v21 =	vld [tilespmem:s25+$0x190];
	v28 =	vadd.f32 v28, v61;
	v49 =	vpop (erf);
	(erf) = vrcp.f32 v60  }
0xc7: {  	v15 =	vld [tilespmem:s25+$0x160];
	v30 =	vadd.f32 v30, v26;
	v26 =	vmul.f32 v19, v9;
	v51 =	vpop (erf);
	(erf) = vrcp.f32 v62  }
0xc8: {  	v27 =	vadd.f32 v18, v27;
	v16 =	vld [tilespmem:s26+$0x160];
	v34 =	vmul.f32 v47, v9;
	v53 =	vadd.f32 v29, v31;
	v29 =	vpop (erf)  }
0xc9: {  	v18 =	vld [tilespmem:s25+$0x140];
	v50 =	vadd.f32 v26, v24;
	v52 =	vmul.f32 v48, v10;
	v32 =	vmul.f32 v49, v11;
	v55 =	vpop (erf)  }
0xca: {  	v19 =	vld [tilespmem:s26+$0x140];
	v54 =	vadd.f32 v34, v28;
	v31 =	vmul.f32 v51, v10;
	v29 =	vmul.f32 v29, v11;
	v57 =	vpop (erf)  }
0xcb: {  	v24 =	vld [tilespmem:s25+$0x120];
	v33 =	vadd.f32 v52, v27;
	v56 =	vadd.f32 v32, v30;
	v27 =	vmul.f32 v55, v10;
	v58 =	vpop (erf)  }
0xcc: {  	v26 =	vld [tilespmem:s26+$0x120];
	v31 =	vadd.f32 v31, v22;
	v29 =	vadd.f32 v29, v50;
	v32 =	vmul.f32 v58, v12;
	v60 =	vpop (erf)  }
0xcd: {  	v28 =	vld [tilespmem:s25+$0x100];
	v22 =	vmul.f32 v57, v11;
	v27 =	vadd.f32 v27, v53;
	v61 =	vmul.f32 v60, v13;
	v62 =	vpop (erf)  }
0xce: {  	v34 =	vld [tilespmem:s25+$0xE0];
	v33 =	vadd.f32 v32, v33;
	v35 =	vmul.f32 v62, v12;
	v32 =	vand.u32 $0xFFFFFFFD, v63;
	v63 =	vpop (erf)  }
0xcf: {  	p0 =	por p1, p1;
	s29 =	simm.s32 $0x8;
	s28 =	simm.s32 $0x4;
	v30 =	vld [tilespmem:s26+$0x100];
	v22 =	vadd.f32 v22, v54;
	v37 =	vadd.f32 v61, v56;
	v14 =	vmul.f32 v63, v13;
	v41 =	vpop (erf)  }
.LBB2_4:
0xd0: {  	p1 =	slt.u32 s29, $0x7C;
	v42 =	vld [tilespmem:s25+$0xF0];
	v40 =	vand.u32 $0xFFFFFFFC, v40;
	v31 =	vadd.f32 v35, v31;
	v35 =	vmul.f32 v41, v12;
	v41 =	vpop (erf)  }
0xd1: {  	v43 =	vld [tilespmem:s26+$0xF0];
	v33 =	vadd.f32 v37, v33;
	v29 =	vadd.f32 v14, v29;
	v14 =	vmul.f32 v41, v13  }
0xd2: {  	v20 =	vadd.f32 v20, v17;
	v17 =	vbroadcast v32, $0x0;
	v37 =	vld [tilespmem:s25+$0x110];
	v27 =	vadd.f32 v35, v27  }
0xd3: {  	v23 =	vadd.f32 v23, v21;
	v32 =	vld [tilespmem:s26+$0x110];
	v22 =	vadd.f32 v14, v22;
	v14 =	vbroadcast v25, $0x0;
	(xrf2) =	vadd.scan.msk.f32 $0xffff, v33  }
0xd4: {  	v35 =	vmul.f32 $1.442695020e+00, v20;
	v21 =	vadd.f32 v29, v31;
	v25 =	vadd.f32 v39, v38;
	v33 =	vld [tilespmem:s25+$0x130]  }
0xd5: {  	v23 =	vmul.f32 $1.442695020e+00, v23;
	v29 =	vadd.f32 v36, v34;
	v31 =	vld [tilespmem:s26+$0x130];
	v20 =	vadd.f32 v22, v27  }
0xd6: {  	v22 =	vmul.f32 $1.442695020e+00, v25;
	v25 =	vadd.f32 v43, v42;
	v27 =	vld [tilespmem:s25+$0x150];
	(erf) = vpow2.f32 v35  }
0xd7: {  	v28 =	vadd.f32 v30, v28;
	v29 =	vmul.f32 $1.442695020e+00, v29;
	v30 =	vld [tilespmem:s26+$0x150];
	(erf) = vpow2.f32 v23  }
0xd8: {  	v23 =	vmul.f32 $1.442695020e+00, v25;
	v25 =	vadd.f32 v32, v37;
	v32 =	vld [tilespmem:s25+$0x170];
	(erf) = vpow2.f32 v22  }
0xd9: {  	v24 =	vadd.f32 v26, v24;
	v22 =	vmul.f32 $1.442695020e+00, v28;
	v26 =	vld [tilespmem:s26+$0x170];
	(erf) = vpow2.f32 v29  }
0xda: {  	v28 =	vld [tilespmem:s26+$0xFFFFFE60];
	v25 =	vmul.f32 $1.442695020e+00, v25;
	v29 =	vadd.f32 v31, v33;
	(erf) = vpow2.f32 v23  }
0xdb: {  	v18 =	vadd.f32 v19, v18;
	v24 =	vmul.f32 $1.442695020e+00, v24;
	v23 =	vld [tilespmem:s25+$0xFFFFFF30];
	(erf) = vpow2.f32 v22  }
0xdc: {  	v19 =	vld [tilespmem:s26+$0xFFFFFF30];
	v22 =	vmul.f32 $1.442695020e+00, v29;
	v27 =	vadd.f32 v30, v27;
	(erf) = vpow2.f32 v25  }
0xdd: {  	v15 =	vadd.f32 v16, v15;
	v29 =	vmul.f32 $1.442695020e+00, v18;
	v25 =	vld [tilespmem:s25+$0x0];
	(erf) = vpow2.f32 v24;
	v16, _, _ =	vpop (xrf2)  }
0xde: {  	v24 =	vld [tilespmem:s26+$0x0];
	v30 =	vmul.f32 $1.442695020e+00, v27;
	v26 =	vadd.f32 v26, v32;
	(erf) = vpow2.f32 v22  }
0xdf: {  	v15 =	vmul.f32 $1.442695020e+00, v15;
	v22 =	vld [tilespmem:s25+$0xFFFFFE60];
	(erf) = vpow2.f32 v29;
	v18 =	vpop (erf)  }
0xe0: {  	v29 =	vld [tilespmem:s25+$0xFFFFFE70];
	v26 =	vmul.f32 $1.442695020e+00, v26;
	(erf) = vpow2.f32 v30;
	v27 =	vpop (erf)  }
0xe1: {  	v18 =	vadd.f32 $1.000000000e+00, v18;
	v30 =	vld [tilespmem:s26+$0xFFFFFE70];
	v19 =	vadd.f32 v19, v23;
	v23 =	vpop (erf);
	(erf) = vpow2.f32 v15  }
0xe2: {  	v15 =	vld [tilespmem:s25+$0xFFFFFE80];
	v33 =	vadd.f32 $1.000000000e+00, v23;
	v31 =	vpop (erf);
	(erf) = vpow2.f32 v26;
	v26 =	vbroadcast v40, $0x0  }
0xe3: {  	v32 =	vld [tilespmem:s26+$0xFFFFFE80];
	v24 =	vadd.f32 v24, v25;
	v34 =	vadd.f32 $1.000000000e+00, v31;
	v31 =	vpop (erf);
	(erf) = vrcp.f32 v18  }
0xe4: {  	v18 =	vadd.f32 v28, v22;
	v22 =	vld [tilespmem:s25+$0xFFFFFF40];
	v35 =	vadd.f32 $1.000000000e+00, v31;
	(erf) = vrcp.f32 v33;
	v23 =	vpop (erf)  }
0xe5: {  	v19 =	vmul.f32 $1.442695020e+00, v19;
	v31 =	vld [tilespmem:s26+$0xFFFFFF40];
	v36 =	vadd.f32 $1.000000000e+00, v23;
	(erf) = vrcp.f32 v34;
	v25 =	vpop (erf)  }
0xe6: {  	v18 =	vmul.f32 $1.442695020e+00, v18;
	v33 =	vld [tilespmem:s25+$0xFFFFFF50];
	v37 =	vadd.f32 $1.000000000e+00, v25;
	(erf) = vrcp.f32 v35;
	v28 =	vpop (erf)  }
0xe7: {  	v24 =	vmul.f32 $1.442695020e+00, v24;
	v34 =	vld [tilespmem:s26+$0xFFFFFF50];
	v28 =	vadd.f32 $1.000000000e+00, v28;
	(erf) = vrcp.f32 v36;
	v23 =	vpop (erf)  }
0xe8: {  	v29 =	vadd.f32 v30, v29;
	v30 =	vld [tilespmem:s25+$0x10];
	v35 =	vadd.f32 $1.000000000e+00, v23;
	(erf) = vrcp.f32 v37;
	v25 =	vpop (erf);
	[tilespmem:v26+s19+$0x0] =	vst.idx.msk vm0, v16  }
0xe9: {  	v15 =	vadd.f32 v32, v15;
	v16 =	vld [tilespmem:s26+$0x10];
	v32 =	vadd.f32 $1.000000000e+00, v25;
	(erf) = vrcp.f32 v28;
	v26 =	vpop (erf)  }
0xea: {  	v22 =	vadd.f32 v31, v22;
	v28 =	vld [tilespmem:s25+$0x20];
	v36 =	vadd.f32 $1.000000000e+00, v26;
	(erf) = vrcp.f32 v35;
	v23 =	vpop (erf)  }
0xeb: {  	v29 =	vmul.f32 $1.442695020e+00, v29;
	v31 =	vld [tilespmem:s26+$0x20];
	v23 =	vadd.f32 $1.000000000e+00, v23;
	(erf) = vrcp.f32 v32;
	v25 =	vpop (erf)  }
0xec: {  	v32 =	vld [tilespmem:s25+$0xFFFFFE90];
	v33 =	vadd.f32 v34, v33;
	v25 =	vadd.f32 $1.000000000e+00, v25;
	(erf) = vrcp.f32 v36;
	v26 =	vpop (erf)  }
0xed: {  	v27 =	vadd.f32 $1.000000000e+00, v27;
	v15 =	vmul.f32 $1.442695020e+00, v15;
	v34 =	vld [tilespmem:s26+$0xFFFFFE90];
	v35 =	vpop (erf);
	(erf) = vrcp.f32 v23  }
0xee: {  	v23 =	vld [tilespmem:s25+$0xFFFFFEA0];
	v16 =	vadd.f32 v16, v30;
	v30 =	vmul.f32 v35, v1;
	v35 =	vpop (erf);
	(erf) = vrcp.f32 v25  }
0xef: {  	v22 =	vmul.f32 $1.442695020e+00, v22;
	v25 =	vld [tilespmem:s26+$0xFFFFFEA0];
	v36 =	vpop (erf);
	(erf) = vrcp.f32 v27;
	(xrf2) =	vadd.scan.msk.f32 $0xffff, v21  }
0xf0: {  	v21 =	vld [tilespmem:s25+$0xFFFFFF60];
	v27 =	vadd.f32 $0.0e+00, v30;
	v30 =	vmul.f32 v35, v2;
	v38 =	vmul.f32 v36, v3;
	v36 =	vpop (erf)  }
0xf1: {  	v28 =	vadd.f32 v31, v28;
	v37 =	vld [tilespmem:s26+$0xFFFFFF60];
	v31 =	vmul.f32 v36, v4;
	(erf) = vpow2.f32 v18;
	v18 =	vpop (erf)  }
0xf2: {  	v36 =	vld [tilespmem:s25+$0xFFFFFF70];
	v30 =	vadd.f32 $0.0e+00, v30;
	v38 =	vadd.f32 v38, v27;
	v18 =	vmul.f32 v18, v5;
	v35 =	vpop (erf)  }
0xf3: {  	v32 =	vadd.f32 v34, v32;
	v34 =	vld [tilespmem:s26+$0xFFFFFF70];
	v35 =	vmul.f32 v35, v6;
	(erf) = vpow2.f32 v19;
	v19 =	vpop (erf);
	(xrf2) =	vadd.scan.msk.f32 $0xffff, v20  }
0xf4: {  	v20 =	vld [tilespmem:s25+$0x30];
	v30 =	vadd.f32 v31, v30;
	v18 =	vadd.f32 v18, v38;
	v19 =	vmul.f32 v19, v7;
	v27 =	vpop (erf)  }
0xf5: {  	v23 =	vadd.f32 v25, v23;
	v25 =	vld [tilespmem:s26+$0x30];
	v27 =	vmul.f32 v27, v8;
	(erf) = vpow2.f32 v24;
	v24 =	vpop (erf)  }
0xf6: {  	v31 =	vld [tilespmem:s25+$0x40];
	v39 =	vadd.f32 v35, v30;
	v18 =	vadd.f32 v19, v18;
	v19 =	vmul.f32 v24, v9;
	v24 =	vpop (erf)  }
0xf7: {  	v33 =	vmul.f32 $1.442695020e+00, v33;
	v21 =	vadd.f32 v37, v21;
	v35 =	vld [tilespmem:s26+$0x40];
	v24 =	vmul.f32 v24, v10;
	v37 =	vpop (erf)  }
0xf8: {  	v38 =	vld [tilespmem:s25+$0xFFFFFEB0];
	v40 =	vadd.f32 v27, v39;
	v18 =	vadd.f32 v19, v18;
	v19 =	vmul.f32 v37, v11;
	v30 =	vpop (erf)  }
0xf9: {  	v26 =	vmul.f32 v26, v12;
	v16 =	vmul.f32 $1.442695020e+00, v16;
	v34 =	vadd.f32 v34, v36;
	v37 =	vld [tilespmem:s26+$0xFFFFFEB0];
	v36, _, _ =	vpop (xrf2)  }
0xfa: {  	v39 =	vld [tilespmem:s25+$0xFFFFFEC0];
	v24 =	vadd.f32 v24, v40;
	v18 =	vadd.f32 v19, v18;
	v19 =	vmul.f32 v30, v13;
	v27 =	vpop (erf)  }
0xfb: {  	v28 =	vmul.f32 $1.442695020e+00, v28;
	v20 =	vadd.f32 v25, v20;
	v30 =	vld [tilespmem:s26+$0xFFFFFEC0];
	(erf) = vpow2.f32 v29;
	[tilespmem:v17+s19+$0x0] =	vst.idx.msk vm0, v36  }
0xfc: {  	v17 =	vld [tilespmem:s25+$0xFFFFFF80];
	v36 =	vadd.f32 v26, v24;
	v18 =	vadd.f32 v19, v18;
	(erf) = vpow2.f32 v15;
	v15 =	vpop (erf)  }
0xfd: {  	v19 =	vmul.f32 $1.442695020e+00, v32;
	v26 =	vadd.f32 v35, v31;
	v25 =	vld [tilespmem:s26+$0xFFFFFF80];
	(erf) = vpow2.f32 v22;
	v22, _, _ =	vpop (xrf2)  }
0xfe: {  	v23 =	vmul.f32 $1.442695020e+00, v23;
	v29 =	vld [tilespmem:s25+$0xFFFFFF90];
	v18 =	vadd.f32 v18, v36;
	(erf) = vpow2.f32 v33;
	v24 =	vpop (erf);
	[tilespmem:v14+s19+$0x0] =	vst.idx.msk vm0, v22  }
0xff: {  	v21 =	vmul.f32 $1.442695020e+00, v21;
	v14 =	vadd.f32 v37, v38;
	v22 =	vld [tilespmem:s26+$0xFFFFFF90];
	(erf) = vpow2.f32 v16  }
0x100: {  	v16 =	vadd.f32 v30, v39;
	v30 =	vmul.f32 $1.442695020e+00, v34;
	v31 =	vld [tilespmem:s25+$0x50];
	(erf) = vpow2.f32 v28;
	(xrf2) =	vadd.scan.msk.f32 $0xffff, v18  }
0x101: {  	v20 =	vmul.f32 $1.442695020e+00, v20;
	v26 =	vmul.f32 $1.442695020e+00, v26;
	v18 =	vadd.f32 $1.000000000e+00, v27;
	v27 =	vld [tilespmem:s26+$0x50]  }
0x102: {  	v14 =	vmul.f32 $1.442695020e+00, v14;
	v17 =	vadd.f32 v25, v17;
	v25 =	vld [tilespmem:s25+$0x60];
	(erf) = vpow2.f32 v19  }
0x103: {  	v15 =	vadd.f32 $1.000000000e+00, v15;
	v16 =	vmul.f32 $1.442695020e+00, v16;
	v19 =	vld [tilespmem:s26+$0x60];
	(erf) = vpow2.f32 v23  }
0x104: {  	s30 =	sadd.s32 s24, s28;
	s28 =	smov.u32 s29;
	v23 =	vld [tilespmem:s25+$0xFFFFFED0];
	v17 =	vmul.f32 $1.442695020e+00, v17;
	v22 =	vadd.f32 v22, v29;
	v28 =	vpop (erf);
	(erf) = vpow2.f32 v21  }
0x105: {  	s0 =	sadd.s32 $0x1, s30;
	s31 =	sadd.s32 $0x2, s30;
	s1 =	sadd.s32 $0x3, s30;
	v32 =	vadd.f32 $1.000000000e+00, v24;
	v29 =	vadd.f32 $1.000000000e+00, v28;
	v21 =	vld [tilespmem:s26+$0xFFFFFED0];
	v24 =	vpop (erf);
	(erf) = vpow2.f32 v30  }
0x106: {  	v30 =	vmov s1;
	v28 =	vld [tilespmem:s25+$0xFFFFFEE0];
	v27 =	vadd.f32 v27, v31;
	v31 =	vpop (erf);
	(erf) = vpow2.f32 v20  }
0x107: {  	v33 =	vadd.f32 $1.000000000e+00, v24;
	v22 =	vmul.f32 $1.442695020e+00, v22;
	v20 =	vld [tilespmem:s26+$0xFFFFFEE0];
	v24 =	vpop (erf);
	(erf) = vpow2.f32 v26  }
0x108: {  	v26 =	vld [tilespmem:s25+$0xFFFFFFA0];
	v27 =	vmul.f32 $1.442695020e+00, v27;
	v19 =	vadd.f32 v19, v25;
	(erf) = vpow2.f32 v14;
	v14 =	vpop (erf)  }
0x109: {  	v25 =	vadd.f32 $1.000000000e+00, v31;
	v31 =	vadd.f32 $1.000000000e+00, v24;
	v24 =	vld [tilespmem:s26+$0xFFFFFFA0];
	(erf) = vpow2.f32 v16;
	v16 =	vpop (erf)  }
0x10a: {  	v23 =	vadd.f32 v21, v23;
	v34 =	vld [tilespmem:s25+$0xFFFFFFB0];
	v19 =	vmul.f32 $1.442695020e+00, v19;
	(erf) = vpow2.f32 v17;
	v17, _, _ =	vpop (xrf2)  }
0x10b: {  	v36 =	vadd.f32 $1.000000000e+00, v14;
	v37 =	vadd.f32 $1.000000000e+00, v16;
	v35 =	vld [tilespmem:s26+$0xFFFFFFB0];
	[tilespmem:v30+s19+$0x0] =	vst.idx.msk vm0, v17;
	v14 =	vpop (erf);
	(erf) = vpow2.f32 v22  }
0x10c: {  	v23 =	vmul.f32 $1.442695020e+00, v23;
	v17 =	vadd.f32 v20, v28;
	v20 =	vld [tilespmem:s25+$0x70];
	v21 =	vpop (erf);
	(erf) = vpow2.f32 v27  }
0x10d: {  	v30 =	vadd.f32 $1.000000000e+00, v14;
	v28 =	vadd.f32 $1.000000000e+00, v21;
	v14 =	vld [tilespmem:s26+$0x70];
	v21 =	vpop (erf);
	(erf) = vpow2.f32 v19  }
0x10e: {  	v38 =	vmul.f32 $1.442695020e+00, v17;
	v19 =	vadd.f32 v24, v26;
	v22 =	vld [tilespmem:s25+$0x80];
	(erf) = vpow2.f32 v23;
	v16 =	vpop (erf)  }
0x10f: {  	v26 =	vadd.f32 $1.000000000e+00, v21;
	v23 =	vadd.f32 $1.000000000e+00, v16;
	v27 =	vld [tilespmem:s26+$0x80];
	(erf) = vrcp.f32 v18;
	v16 =	vpop (erf)  }
0x110: {  	v18 =	vld [tilespmem:s25+$0xFFFFFEF0];
	v19 =	vmul.f32 $1.442695020e+00, v19;
	v34 =	vadd.f32 v35, v34;
	(erf) = vpow2.f32 v38;
	v17 =	vpop (erf)  }
0x111: {  	v24 =	vadd.f32 $1.000000000e+00, v16;
	v35 =	vld [tilespmem:s26+$0xFFFFFEF0];
	v21 =	vadd.f32 $1.000000000e+00, v17;
	v16 =	vpop (erf);
	(erf) = vrcp.f32 v15  }
0x112: {  	v38 =	vld [tilespmem:s25+$0xFFFFFF00];
	v40 =	vmul.f32 $1.442695020e+00, v34;
	v39 =	vadd.f32 v14, v20;
	v17 =	vpop (erf);
	(erf) = vpow2.f32 v19  }
0x113: {  	v20 =	vadd.f32 $1.000000000e+00, v16;
	v16 =	vadd.f32 $1.000000000e+00, v17;
	v19 =	vld [tilespmem:s26+$0xFFFFFF00];
	v17 =	vpop (erf);
	(erf) = vrcp.f32 v32  }
0x114: {  	v32 =	vld [tilespmem:s25+$0xFFFFFFC0];
	v34 =	vmul.f32 $1.442695020e+00, v39;
	v22 =	vadd.f32 v27, v22;
	v14 =	vpop (erf);
	(erf) = vpow2.f32 v40  }
0x115: {  	v17 =	vadd.f32 $1.000000000e+00, v17;
	v14 =	vadd.f32 $1.000000000e+00, v14;
	v27 =	vld [tilespmem:s26+$0xFFFFFFC0];
	(erf) = vrcp.f32 v29;
	v15 =	vpop (erf)  }
0x116: {  	v29 =	vadd.f32 v35, v18;
	v35 =	vld [tilespmem:s25+$0xFFFFFFD0];
	v41 =	vmul.f32 $1.442695020e+00, v22;
	v39 =	vpop (erf);
	(erf) = vpow2.f32 v34  }
0x117: {  	v18 =	vadd.f32 $1.000000000e+00, v15;
	v34 =	vld [tilespmem:s26+$0xFFFFFFD0];
	v15 =	vadd.f32 $1.000000000e+00, v39;
	(erf) = vrcp.f32 v33;
	v33 =	vpop (erf)  }
0x118: {  	v42 =	vmul.f32 $1.442695020e+00, v29;
	v38 =	vadd.f32 v19, v38;
	v39 =	vld [tilespmem:s25+$0x90];
	v19 =	vpop (erf);
	(erf) = vpow2.f32 v41  }
0x119: {  	v40 =	vmul.f32 v19, v1;
	v19 =	vadd.f32 $1.000000000e+00, v33;
	v33 =	vld [tilespmem:s26+$0x90];
	v22 =	vpop (erf);
	(erf) = vrcp.f32 v25  }
0x11a: {  	v25 =	vmul.f32 $1.442695020e+00, v38;
	v27 =	vadd.f32 v27, v32;
	v32 =	vld [tilespmem:s25+$0xA0];
	(erf) = vpow2.f32 v42;
	v29 =	vpop (erf)  }
0x11b: {  	v22 =	vadd.f32 $1.000000000e+00, v22;
	v29 =	vmul.f32 v29, v1;
	v38 =	vld [tilespmem:s26+$0xA0];
	(erf) = vrcp.f32 v31;
	v31 =	vpop (erf)  }
0x11c: {  	v41 =	vld [tilespmem:s25+$0xFFFFFF10];
	v27 =	vmul.f32 $1.442695020e+00, v27;
	v34 =	vadd.f32 v34, v35;
	(erf) = vpow2.f32 v25;
	v35 =	vpop (erf)  }
0x11d: {  	v25 =	vadd.f32 $1.000000000e+00, v31;
	v42 =	vld [tilespmem:s26+$0xFFFFFF10];
	v31 =	vmul.f32 v35, v1;
	v35 =	vpop (erf);
	(erf) = vrcp.f32 v36  }
0x11e: {  	v36 =	vld [tilespmem:s25+$0xFFFFFF20];
	v34 =	vmul.f32 $1.442695020e+00, v34;
	v33 =	vadd.f32 v33, v39;
	v39 =	vpop (erf);
	(erf) = vpow2.f32 v27  }
0x11f: {  	v40 =	vadd.f32 $0.0e+00, v40;
	v27 =	vadd.f32 $1.000000000e+00, v35;
	v43 =	vld [tilespmem:s26+$0xFFFFFF20];
	(erf) = vrcp.f32 v37;
	v35 =	vpop (erf)  }
0x120: {  	v37 =	vld [tilespmem:s25+$0xFFFFFFE0];
	v33 =	vmul.f32 $1.442695020e+00, v33;
	v32 =	vadd.f32 v38, v32;
	v38 =	vpop (erf);
	(erf) = vpow2.f32 v34  }
0x121: {  	v29 =	vadd.f32 $0.0e+00, v29;
	v35 =	vadd.f32 $1.000000000e+00, v35;
	v34 =	vld [tilespmem:s26+$0xFFFFFFE0];
	(erf) = vrcp.f32 v30;
	v30 =	vpop (erf)  }
0x122: {  	v41 =	vadd.f32 v42, v41;
	v42 =	vld [tilespmem:s25+$0xFFFFFFF0];
	v32 =	vmul.f32 $1.442695020e+00, v32;
	v44 =	vpop (erf);
	(erf) = vpow2.f32 v33  }
0x123: {  	v31 =	vadd.f32 $0.0e+00, v31;
	v30 =	vadd.f32 $1.000000000e+00, v30;
	v33 =	vld [tilespmem:s26+$0xFFFFFFF0];
	(erf) = vrcp.f32 v28;
	v28 =	vpop (erf)  }
0x124: {  	v41 =	vmul.f32 $1.442695020e+00, v41;
	v36 =	vadd.f32 v43, v36;
	v43 =	vld [tilespmem:s25+$0xB0];
	v45 =	vpop (erf);
	(erf) = vpow2.f32 v32  }
0x125: {  	v32 =	vmul.f32 v39, v2;
	v28 =	vadd.f32 $1.000000000e+00, v28;
	v39 =	vld [tilespmem:s26+$0xB0];
	v46 =	vpop (erf);
	(erf) = vrcp.f32 v26  }
0x126: {  	v47 =	vmul.f32 $1.442695020e+00, v36;
	v34 =	vadd.f32 v34, v37;
	v36 =	vld [tilespmem:s25+$0xC0];
	(erf) = vpow2.f32 v41;
	v37 =	vpop (erf)  }
0x127: {  	v38 =	vmul.f32 v38, v3;
	v41 =	vadd.f32 $1.000000000e+00, v46;
	v46 =	vld [tilespmem:s26+$0xC0];
	(erf) = vrcp.f32 v23;
	v23 =	vpop (erf)  }
0x128: {  	v34 =	vmul.f32 $1.442695020e+00, v34;
	v33 =	vadd.f32 v33, v42;
	(erf) = vpow2.f32 v47;
	v26 =	vpop (erf)  }
0x129: {  	v42 =	vmul.f32 v44, v2;
	v23 =	vadd.f32 $1.000000000e+00, v23;
	v44 =	vpop (erf);
	(erf) = vrcp.f32 v24  }
0x12a: {  	v24 =	vmul.f32 $1.442695020e+00, v33;
	v33 =	vadd.f32 v39, v43;
	v39 =	vpop (erf);
	(erf) = vpow2.f32 v34  }
0x12b: {  	v34 =	vmul.f32 v45, v3;
	v43 =	vadd.f32 $1.000000000e+00, v44;
	(erf) = vrcp.f32 v21;
	v21 =	vpop (erf)  }
0x12c: {  	v33 =	vmul.f32 $1.442695020e+00, v33;
	v45 =	vadd.f32 v46, v36;
	v44 =	vpop (erf);
	(erf) = vpow2.f32 v24  }
0x12d: {  	v24 =	vmul.f32 v37, v2;
	v21 =	vadd.f32 $1.000000000e+00, v21;
	(erf) = vrcp.f32 v20;
	v20 =	vpop (erf)  }
0x12e: {  	v37 =	vadd.f32 $1.000000000e+00, v20;
	v20 =	vmul.f32 $1.442695020e+00, v45;
	v36 =	vpop (erf);
	(erf) = vpow2.f32 v33  }
0x12f: {  	v26 =	vmul.f32 v26, v3;
	v33 =	vadd.f32 v38, v40;
	(erf) = vrcp.f32 v16;
	v16 =	vpop (erf)  }
0x130: {  	v29 =	vadd.f32 v34, v29;
	v16 =	vadd.f32 $1.000000000e+00, v16;
	v34 =	vpop (erf);
	(erf) = vpow2.f32 v20  }
0x131: {  	v26 =	vadd.f32 v26, v31;
	v20 =	vadd.f32 $0.0e+00, v32;
	v31 =	vpop (erf);
	(erf) = vrcp.f32 v17  }
0x132: {  	v17 =	vadd.f32 $0.0e+00, v42;
	v31 =	vadd.f32 $1.000000000e+00, v31;
	(erf) = vrcp.f32 v14;
	v14 =	vpop (erf)  }
0x133: {  	v24 =	vadd.f32 $0.0e+00, v24;
	v32 =	vmul.f32 v39, v4;
	v38 =	vpop (erf);
	(erf) = vrcp.f32 v18  }
0x134: {  	v18 =	vmul.f32 v44, v5;
	v38 =	vadd.f32 $1.000000000e+00, v38;
	v39 =	vpop (erf);
	(erf) = vrcp.f32 v15  }
0x135: {  	v15 =	vadd.f32 v32, v20;
	v20 =	vmul.f32 v36, v4;
	(erf) = vrcp.f32 v19;
	v19 =	vpop (erf)  }
0x136: {  	v32 =	vmul.f32 v34, v5;
	v19 =	vadd.f32 $1.000000000e+00, v19;
	v34 =	vpop (erf);
	(erf) = vrcp.f32 v22  }
0x137: {  	v14 =	vmul.f32 v14, v4;
	v18 =	vadd.f32 v18, v33;
	(erf) = vrcp.f32 v25;
	v22 =	vpop (erf)  }
0x138: {  	v25 =	vmul.f32 v39, v5;
	v22 =	vadd.f32 $1.000000000e+00, v22;
	v33 =	vpop (erf);
	(erf) = vrcp.f32 v27  }
0x139: {  	v20 =	vadd.f32 v20, v17;
	v27 =	vadd.f32 v32, v29;
	(erf) = vrcp.f32 v35;
	v17 =	vpop (erf)  }
0x13a: {  	v25 =	vadd.f32 v25, v26;
	v26 =	vadd.f32 $1.000000000e+00, v17;
	v17 =	vpop (erf);
	(erf) = vrcp.f32 v30  }
0x13b: {  	v14 =	vadd.f32 v14, v24;
	v29 =	vmul.f32 v34, v6;
	(erf) = vrcp.f32 v28;
	v24 =	vpop (erf)  }
0x13c: {  	v32 =	vmov s0;
	v33 =	vmul.f32 v33, v7;
	(erf) = vrcp.f32 v41;
	v30 =	vpop (erf)  }
0x13d: {  	v29 =	vadd.f32 v29, v15;
	v15 =	vmul.f32 v17, v6;
	(erf) = vrcp.f32 v23;
	v23 =	vpop (erf)  }
0x13e: {  	s25 =	sadd.s32 $0x340, s25;
	v18 =	vadd.f32 v33, v18;
	v24 =	vmul.f32 v24, v7;
	v28 =	vpop (erf);
	(erf) = vrcp.f32 v43  }
0x13f: {  	s26 =	sadd.s32 $0x340, s26;
	v33 =	vadd.f32 v15, v20;
	v15 =	vmul.f32 v30, v6;
	v17 =	vld [tilespmem:s25+$0x180];
	v30 =	vpop (erf);
	(erf) = vrcp.f32 v21  }
0x140: {  	v24 =	vadd.f32 v24, v27;
	v36 =	vmul.f32 v23, v7;
	v20 =	vld [tilespmem:s26+$0x180];
	v34 =	vpop (erf);
	(erf) = vrcp.f32 v37  }
0x141: {  	v28 =	vmul.f32 v28, v8;
	v14 =	vadd.f32 v15, v14;
	v21 =	vld [tilespmem:s25+$0x190];
	(erf) = vrcp.f32 v16;
	v35 =	vpop (erf)  }
0x142: {  	v30 =	vmul.f32 v30, v9;
	v25 =	vadd.f32 v36, v25;
	v23 =	vld [tilespmem:s26+$0x190];
	(erf) = vrcp.f32 v31;
	v27 =	vpop (erf)  }
0x143: {  	v29 =	vadd.f32 v28, v29;
	v36 =	vmul.f32 v34, v8;
	v15 =	vld [tilespmem:s25+$0x160];
	(erf) = vrcp.f32 v38;
	v31 =	vpop (erf)  }
0x144: {  	v30 =	vadd.f32 v30, v18;
	v37 =	vmul.f32 v35, v9;
	v16 =	vld [tilespmem:s26+$0x160];
	v35 =	vpop (erf);
	(erf) = vrcp.f32 v19  }
0x145: {  	v33 =	vadd.f32 v36, v33;
	v38 =	vmul.f32 v27, v8;
	v18 =	vld [tilespmem:s25+$0x140];
	v28 =	vpop (erf);
	(erf) = vrcp.f32 v22  }
0x146: {  	v22 =	vadd.f32 v37, v24;
	v37 =	vmul.f32 v31, v9;
	v19 =	vld [tilespmem:s26+$0x140];
	v34 =	vpop (erf);
	(erf) = vrcp.f32 v26  }
0x147: {  	v35 =	vmul.f32 v35, v10;
	v14 =	vadd.f32 v38, v14;
	v36 =	vmul.f32 v28, v11;
	v24 =	vld [tilespmem:s25+$0x120];
	v27 =	vpop (erf)  }
0x148: {  	v34 =	vmul.f32 v34, v10;
	v25 =	vadd.f32 v37, v25;
	v26 =	vld [tilespmem:s26+$0x120];
	v39 =	vmul.f32 v27, v11;
	v31 =	vpop (erf)  }
0x149: {  	v35 =	vadd.f32 v35, v29;
	v37 =	vadd.f32 v36, v30;
	v28 =	vld [tilespmem:s25+$0x100];
	v36 =	vmul.f32 v31, v10;
	v38 =	vpop (erf)  }
.Ltmp0:
0x14a: {  	v31 =	vadd.f32 v34, v33;
	v30 =	vld [tilespmem:s26+$0x100];
	v29 =	vadd.f32 v39, v22;
	v22 =	vmul.f32 v38, v11;
	v27 =	vpop (erf);
	(pc) =	sbr.rel @p1 .LBB2_4-.Ltmp0, $4  }
0x14b: {  	v41 =	vmov s31;
	v34 =	vld [tilespmem:s25+$0xE0];
	v33 =	vmul.f32 v27, v12;
	v27 =	vadd.f32 v36, v14;
	v14 =	vpop (erf)  }
0x14c: {  	v40 =	vmov s30;
	v36 =	vld [tilespmem:s26+$0xE0];
	v14 =	vmul.f32 v14, v13;
	v22 =	vadd.f32 v22, v25;
	v25 =	vpop (erf)  }
0x14d: {  	v32 =	vand.u32 $0xFFFFFFFD, v32;
	v38 =	vld [tilespmem:s25+$0xD0];
	v33 =	vadd.f32 v33, v35;
	v35 =	vmul.f32 v25, v12;
	v25 =	vpop (erf)  }
0x14e: {  	s29 =	sadd.s32 $0x4, s29;
	v39 =	vld [tilespmem:s26+$0xD0];
	v37 =	vadd.f32 v14, v37;
	v14 =	vmul.f32 v25, v13;
	v25 =	vand.u32 $0xFFFFFFFE, v41;
	v41 =	vpop (erf)  }
0x14f: {  	v42 =	vld [tilespmem:s25+$0xF0]  }
0x150: {  	v43 =	vld [tilespmem:s26+$0xF0]  }
0x151: {  	v44 =	vld [tilespmem:s25+$0x110]  }
0x152: {  	v17 =	vadd.f32 v20, v17;
	v20 =	vld [tilespmem:s26+$0x110]  }
0x153: {  	v21 =	vadd.f32 v23, v21;
	v59 =	vld [tilespmem:s25+$0x130]  }
0x154: {  	v63 =	vld [tilespmem:s25+$0x150];
	v28 =	vadd.f32 v30, v28;
	v24 =	vadd.f32 v26, v24  }
0x155: {  	v30 =	vld [tilespmem:s26+$0x150];
	v17 =	vmul.f32 $1.442695020e+00, v17;
	v21 =	vmul.f32 $1.442695020e+00, v21;
	v38 =	vadd.f32 v39, v38  }
0x156: {  	v61 =	vld [tilespmem:s26+$0x130];
	v34 =	vadd.f32 v36, v34;
	v28 =	vmul.f32 $1.442695020e+00, v28;
	v24 =	vmul.f32 $1.442695020e+00, v24  }
0x157: {  	(erf) = vpow2.f32 v17;
	v62 =	vadd.f32 v43, v42;
	v38 =	vmul.f32 $1.442695020e+00, v38  }
0x158: {  	v18 =	vadd.f32 v19, v18;
	v17 =	vmul.f32 $1.442695020e+00, v34;
	(erf) = vpow2.f32 v21  }
0x159: {  	v45 =	vld [tilespmem:s25+$0x170];
	v20 =	vadd.f32 v20, v44;
	v21 =	vmul.f32 $1.442695020e+00, v62;
	(erf) = vpow2.f32 v38  }
0x15a: {  	v26 =	vld [tilespmem:s26+$0x170];
	v18 =	vmul.f32 $1.442695020e+00, v18;
	v30 =	vadd.f32 v30, v63;
	(erf) = vpow2.f32 v17  }
0x15b: {  	v19 =	vld [tilespmem:s26+$0xFFFFFF30];
	v36 =	vadd.f32 v61, v59;
	v20 =	vmul.f32 $1.442695020e+00, v20;
	(erf) = vpow2.f32 v21  }
0x15c: {  	v46 =	vld [tilespmem:s25+$0xFFFFFE70];
	v30 =	vmul.f32 $1.442695020e+00, v30;
	(erf) = vpow2.f32 v28  }
0x15d: {  	v47 =	vld [tilespmem:s26+$0xFFFFFE70];
	v28 =	vmul.f32 $1.442695020e+00, v36;
	(erf) = vpow2.f32 v20  }
0x15e: {  	v23 =	vand.u32 $0xFFFFFFFC, v40;
	v21 =	vld [tilespmem:s25+$0xFFFFFF30];
	(erf) = vpow2.f32 v24  }
0x15f: {  	v60 =	vmul.f32 v41, v12;
	v15 =	vadd.f32 v16, v15;
	v16 =	vpop (erf);
	(erf) = vpow2.f32 v28  }
0x160: {  	v49 =	vld [tilespmem:s25+$0xFFFFFE80];
	v33 =	vadd.f32 v37, v33;
	v48 =	vmul.f32 v16, v13;
	(erf) = vpow2.f32 v18;
	v18 =	vpop (erf)  }
0x161: {  	v40 =	vld [tilespmem:s25+$0x20];
	v29 =	vadd.f32 v14, v29;
	v26 =	vadd.f32 v26, v45;
	(erf) = vpow2.f32 v30;
	v30 =	vpop (erf)  }
0x162: {  	v41 =	vld [tilespmem:s26+$0x20];
	v15 =	vmul.f32 $1.442695020e+00, v15;
	v22 =	vadd.f32 v48, v22;
	v34 =	vadd.f32 v47, v46;
	v14 =	vpop (erf)  }
0x163: {  	v26 =	vmul.f32 $1.442695020e+00, v26;
	v20 =	vld [tilespmem:s25+$0x0];
	v28 =	vadd.f32 v35, v31;
	v19 =	vadd.f32 v19, v21;
	v16 =	vpop (erf)  }
0x164: {  	v24 =	vld [tilespmem:s26+$0x0];
	v18 =	vadd.f32 $1.000000000e+00, v18;
	(erf) = vpow2.f32 v15;
	v16 =	vadd.f32 $1.000000000e+00, v16  }
0x165: {  	v34 =	vmul.f32 $1.442695020e+00, v34;
	v17 =	vld [tilespmem:s26+$0xFFFFFE60];
	v15 =	vadd.f32 $1.000000000e+00, v14;
	(erf) = vpow2.f32 v26  }
0x166: {  	v31 =	vld [tilespmem:s25+$0xFFFFFE60];
	v28 =	vadd.f32 v29, v28;
	v19 =	vmul.f32 $1.442695020e+00, v19;
	v50 =	vpop (erf);
	(erf) = vrcp.f32 v18  }
0x167: {  	v42 =	vld [tilespmem:s25+$0xFFFFFE90];
	v14 =	vbroadcast v32, $0x0;
	v32 =	vadd.f32 $1.000000000e+00, v50;
	(erf) = vrcp.f32 v15;
	v51 =	vpop (erf)  }
0x168: {  	v63 =	vld [tilespmem:s26+$0xFFFFFEA0];
	v30 =	vadd.f32 $1.000000000e+00, v30;
	v38 =	vadd.f32 $1.000000000e+00, v51;
	(erf) = vrcp.f32 v16;
	v16 =	vpop (erf)  }
0x169: {  	v26 =	vld [tilespmem:s26+$0xFFFFFE80];
	v20 =	vadd.f32 v24, v20;
	(erf) = vrcp.f32 v32;
	v52 =	vadd.f32 $1.000000000e+00, v16;
	v53 =	vpop (erf)  }
0x16a: {  	v24 =	vld [tilespmem:s25+$0x10];
	v18 =	vadd.f32 v60, v27;
	(erf) = vrcp.f32 v38;
	v32 =	vadd.f32 $1.000000000e+00, v53;
	v54 =	vpop (erf)  }
0x16b: {  	v27 =	vld [tilespmem:s25+$0xFFFFFF40];
	v17 =	vadd.f32 v17, v31;
	v38 =	vadd.f32 $1.000000000e+00, v54;
	(erf) = vrcp.f32 v52;
	v55 =	vpop (erf)  }
0x16c: {  	v31 =	vld [tilespmem:s26+$0x10];
	v15 =	vbroadcast v25, $0x0;
	v39 =	vadd.f32 $1.000000000e+00, v55;
	(erf) = vrcp.f32 v32;
	v56 =	vpop (erf)  }
0x16d: {  	v25 =	vld [tilespmem:s26+$0xFFFFFF40];
	v20 =	vmul.f32 $1.442695020e+00, v20;
	v32 =	vadd.f32 $1.000000000e+00, v56;
	(erf) = vrcp.f32 v38;
	v57 =	vpop (erf)  }
0x16e: {  	v46 =	vld [tilespmem:s25+$0xFFFFFF70];
	v17 =	vmul.f32 $1.442695020e+00, v17;
	v38 =	vadd.f32 $1.000000000e+00, v57;
	(erf) = vrcp.f32 v39;
	v58 =	vpop (erf)  }
0x16f: {  	v36 =	vld [tilespmem:s25+$0xFFFFFEA0];
	v18 =	vadd.f32 v22, v18;
	v39 =	vadd.f32 $1.000000000e+00, v58;
	(erf) = vrcp.f32 v32;
	v59 =	vpop (erf)  }
0x170: {  	(xrf2) =	vadd.scan.msk.f32 $0xffff, v33;
	v35 =	vld [tilespmem:s26+$0xFFFFFE90];
	v26 =	vadd.f32 v26, v49;
	v16 =	vbroadcast v23, $0x0;
	v60 =	vpop (erf);
	(erf) = vrcp.f32 v38  }
0x171: {  	v21 =	vld [tilespmem:s25+$0xFFFFFF50];
	(xrf2) =	vadd.scan.msk.f32 $0xffff, v28;
	v24 =	vadd.f32 v31, v24;
	v61 =	vmul.f32 v60, v1;
	v62 =	vpop (erf);
	(erf) = vrcp.f32 v39  }
0x172: {  	(xrf2) =	vadd.scan.msk.f32 $0xffff, v18;
	v18 =	vld [tilespmem:s25+$0xFFFFFEB0];
	v25 =	vadd.f32 v25, v27;
	v26 =	vmul.f32 $1.442695020e+00, v26;
	v47 =	vpop (erf);
	v43 =	vmul.f32 v62, v2  }
0x173: {  	v31 =	vld [tilespmem:s26+$0xFFFFFEB0];
	(erf) = vrcp.f32 v30;
	v38 =	vadd.f32 $0.0e+00, v61;
	v39 =	vmul.f32 v47, v3;
	v48 =	vpop (erf)  }
0x174: {  	v29 =	vld [tilespmem:s26+$0xFFFFFF70];
	v24 =	vmul.f32 $1.442695020e+00, v24;
	v44 =	vmul.f32 v48, v4;
	v45 =	vpop (erf);
	v43 =	vadd.f32 $0.0e+00, v43  }
0x175: {  	v23 =	vld [tilespmem:s26+$0xFFFFFF50];
	v25 =	vmul.f32 $1.442695020e+00, v25;
	v38 =	vadd.f32 v39, v38;
	v49 =	vmul.f32 v45, v5;
	v50 =	vpop (erf)  }
0x176: {  	v27 =	vld [tilespmem:s26+$0xFFFFFF60];
	v32 =	vmul.f32 v59, v12;
	v45 =	vmul.f32 v50, v6;
	v47 =	vpop (erf);
	v51 =	vadd.f32 v44, v43  }
0x177: {  	v52 =	vld [tilespmem:s25+$0x30];
	(erf) = vpow2.f32 v17;
	v38 =	vadd.f32 v49, v38;
	v53 =	vmul.f32 v47, v7;
	v54 =	vpop (erf)  }
0x178: {  	v55 =	vld [tilespmem:s25+$0x40];
	v18 =	vadd.f32 v31, v18;
	(erf) = vpow2.f32 v19;
	v22 =	vmul.f32 v54, v8;
	v28 =	vpop (erf)  }
0x179: {  	v31 =	vld [tilespmem:s26+$0x60];
	v33 =	vadd.f32 v45, v51;
	v38 =	vadd.f32 v53, v38;
	v28 =	vmul.f32 v28, v9;
	v56 =	vpop (erf)  }
0x17a: {  	v21 =	vadd.f32 v23, v21;
	v59 =	vld [tilespmem:s25+$0xFFFFFEC0];
	(erf) = vpow2.f32 v20;
	v23 =	vmul.f32 v56, v10;
	v57 =	vpop (erf)  }
0x17b: {  	v60 =	vld [tilespmem:s26+$0xFFFFFEC0];
	v22 =	vadd.f32 v22, v33;
	v28 =	vadd.f32 v28, v38;
	v58 =	vmul.f32 v57, v11  }
0x17c: {  	v21 =	vmul.f32 $1.442695020e+00, v21;
	v30 =	vld [tilespmem:s25+$0xFFFFFF60];
	(erf) = vpow2.f32 v34;
	v20 =	vpop (erf)  }
0x17d: {  	v62 =	vld [tilespmem:s25+$0xFFFFFF90];
	v22 =	vadd.f32 v23, v22;
	v20 =	vmul.f32 v20, v13;
	v23 =	vadd.f32 v58, v28  }
0x17e: {  	v18 =	vmul.f32 $1.442695020e+00, v18;
	v61 =	vld [tilespmem:s25+$0xFFFFFF80];
	(erf) = vpow2.f32 v26;
	v28 =	vadd.f32 v41, v40  }
0x17f: {  	v17 =	vld [tilespmem:s26+$0x30];
	(erf) = vpow2.f32 v25;
	v22 =	vadd.f32 v32, v22;
	v20 =	vadd.f32 v20, v23  }
0x180: {  	v19 =	vld [tilespmem:s26+$0x40];
	(erf) = vpow2.f32 v21;
	v21 =	vadd.f32 v63, v36;
	v23 =	vadd.f32 v35, v42  }
0x181: {  	v47 =	vld [tilespmem:s26+$0xFFFFFED0];
	v25, _, _ =	vpop (xrf2);
	(erf) = vpow2.f32 v24;
	v28 =	vmul.f32 $1.442695020e+00, v28;
	v20 =	vadd.f32 v20, v22  }
0x182: {  	v26 =	vld [tilespmem:s26+$0xFFFFFF80];
	v24 =	vadd.f32 v29, v46;
	v29 =	vpop (erf);
	v22 =	vadd.f32 v27, v30;
	v23 =	vmul.f32 $1.442695020e+00, v23  }
0x183: {  	v45 =	vld [tilespmem:s25+$0x60];
	v21 =	vmul.f32 $1.442695020e+00, v21;
	v27, _, _ =	vpop (xrf2);
	(erf) = vpow2.f32 v28;
	(xrf2) =	vadd.scan.msk.f32 $0xffff, v20  }
0x184: {  	v17 =	vadd.f32 v17, v52;
	v30 =	vld [tilespmem:s26+$0xFFFFFF90];
	v44, _, _ =	vpop (xrf2);
	v22 =	vmul.f32 $1.442695020e+00, v22;
	(erf) = vpow2.f32 v23  }
0x185: {  	v63 =	vld [tilespmem:s25+$0x50];
	v19 =	vadd.f32 v19, v55;
	v24 =	vmul.f32 $1.442695020e+00, v24;
	(erf) = vpow2.f32 v21;
	v20 =	vpop (erf)  }
0x186: {  	s24 =	sadd.s32 s24, s28;
	v17 =	vmul.f32 $1.442695020e+00, v17;
	v28 =	vld [tilespmem:s26+$0x50];
	(erf) = vpow2.f32 v22;
	v22 =	vadd.f32 v60, v59;
	v23 =	vpop (erf)  }
0x187: {  	s0 =	sadd.s32 $0x3, s24;
	v19 =	vmul.f32 $1.442695020e+00, v19;
	v21 =	vld [tilespmem:s25+$0xFFFFFED0];
	v46 =	vpop (erf);
	(erf) = vpow2.f32 v24;
	v24 =	vadd.f32 v26, v61  }
0x188: {  	v49 =	vmov s0;
	[tilespmem:v16+s19+$0x0] =	vst.idx.msk vm0, v25;
	v26 =	vld [tilespmem:s25+$0xFFFFFEE0];
	v48 =	vpop (erf);
	(erf) = vpow2.f32 v17;
	v17 =	vmul.f32 $1.442695020e+00, v22  }
0x189: {  	[tilespmem:v15+s19+$0x0] =	vst.idx.msk vm0, v44;
	v15 =	vadd.f32 v31, v45;
	v22 =	vadd.f32 v30, v62;
	v30 =	vld [tilespmem:s26+$0xFFFFFEE0];
	v50 =	vpop (erf);
	v16 =	vmul.f32 $1.442695020e+00, v24  }
0x18a: {  	(erf) = vpow2.f32 v19;
	v51 =	vpop (erf)  }
0x18b: {  	[tilespmem:v14+s19+$0x0] =	vst.idx.msk vm0, v27;
	v15 =	vmul.f32 $1.442695020e+00, v15;
	v14 =	vadd.f32 v28, v63;
	v19 =	vld [tilespmem:s25+$0xFFFFFFA0];
	(erf) = vpow2.f32 v18;
	v18 =	vpop (erf)  }
0x18c: {  	v24 =	vld [tilespmem:s26+$0xFFFFFFA0];
	v21 =	vadd.f32 v47, v21;
	v22 =	vmul.f32 $1.442695020e+00, v22;
	(erf) = vpow2.f32 v17;
	v17 =	vpop (erf)  }
0x18d: {  	v25 =	vld [tilespmem:s25+$0xFFFFFFB0];
	v14 =	vmul.f32 $1.442695020e+00, v14;
	(erf) = vpow2.f32 v16;
	v16, _, _ =	vpop (xrf2)  }
0x18e: {  	v27 =	vld [tilespmem:s26+$0xFFFFFFB0];
	v21 =	vmul.f32 $1.442695020e+00, v21;
	v26 =	vadd.f32 v30, v26;
	[tilespmem:v49+s19+$0x0] =	vst.idx.msk vm0, v16;
	v16 =	vpop (erf);
	(erf) = vpow2.f32 v22  }
0x18f: {  	v22 =	vadd.f32 $1.000000000e+00, v29;
	v28 =	vld [tilespmem:s25+$0x70];
	(erf) = vpow2.f32 v14  }
0x190: {  	v29 =	vpop (erf);
	v30 =	vld [tilespmem:s26+$0x70];
	(erf) = vpow2.f32 v15;
	v15 =	vmul.f32 $1.442695020e+00, v26  }
0x191: {  	v19 =	vadd.f32 v24, v19;
	v24 =	vld [tilespmem:s25+$0x80];
	v31 =	vpop (erf)  }
0x192: {  	v52 =	vld [tilespmem:s26+$0x80];
	(erf) = vpow2.f32 v21;
	v21 =	vpop (erf)  }
0x193: {  	v23 =	vadd.f32 $1.000000000e+00, v23;
	v14 =	vadd.f32 $1.000000000e+00, v20;
	v53 =	vld [tilespmem:s25+$0xFFFFFEF0];
	(erf) = vrcp.f32 v22;
	v22 =	vpop (erf)  }
0x194: {  	v25 =	vadd.f32 v27, v25;
	v54 =	vld [tilespmem:s26+$0xFFFFFEF0];
	v19 =	vmul.f32 $1.442695020e+00, v19;
	(erf) = vpow2.f32 v15;
	v15 =	vpop (erf)  }
0x195: {  	v27 =	vadd.f32 $1.000000000e+00, v50;
	v32 =	vadd.f32 $1.000000000e+00, v51;
	(erf) = vrcp.f32 v14;
	v14 =	vld [tilespmem:s25+$0xFFFFFF00];
	v55 =	vpop (erf)  }
0x196: {  	v20 =	vadd.f32 $1.000000000e+00, v46;
	v28 =	vadd.f32 v30, v28;
	v30 =	vpop (erf);
	(erf) = vpow2.f32 v19;
	v19 =	vld [tilespmem:s26+$0xFFFFFF00]  }
0x197: {  	v25 =	vmul.f32 $1.442695020e+00, v25;
	v18 =	vadd.f32 $1.000000000e+00, v18;
	v17 =	vadd.f32 $1.000000000e+00, v17;
	v49 =	vld [tilespmem:s26+$0xFFFFFF10]  }
0x198: {  	v16 =	vadd.f32 $1.000000000e+00, v16;
	v26 =	vadd.f32 $1.000000000e+00, v48;
	v48 =	vld [tilespmem:s25+$0xFFFFFF10];
	v56 =	vpop (erf);
	(erf) = vrcp.f32 v23  }
0x199: {  	v24 =	vadd.f32 v52, v24;
	v28 =	vmul.f32 $1.442695020e+00, v28;
	v23 =	vld [tilespmem:s25+$0xFFFFFFC0];
	v57 =	vpop (erf);
	(erf) = vpow2.f32 v25  }
0x19a: {  	v34 =	vadd.f32 v54, v53;
	v25 =	vadd.f32 $1.000000000e+00, v29;
	v29 =	vld [tilespmem:s26+$0xFFFFFFC0];
	(erf) = vrcp.f32 v20;
	v20 =	vpop (erf)  }
0x19b: {  	v58 =	vld [tilespmem:s25+$0xFFFFFFD0];
	v24 =	vmul.f32 $1.442695020e+00, v24;
	v59 =	vpop (erf);
	(erf) = vpow2.f32 v28;
	v14 =	vadd.f32 v19, v14  }
0x19c: {  	v34 =	vmul.f32 $1.442695020e+00, v34;
	v28 =	vadd.f32 $1.000000000e+00, v31;
	v31 =	vld [tilespmem:s26+$0xFFFFFFD0];
	(erf) = vrcp.f32 v26;
	v26 =	vpop (erf)  }
0x19d: {  	v21 =	vadd.f32 $1.000000000e+00, v21;
	v19 =	vld [tilespmem:s25+$0x90];
	v60 =	vpop (erf);
	(erf) = vpow2.f32 v24;
	v14 =	vmul.f32 $1.442695020e+00, v14  }
0x19e: {  	v22 =	vadd.f32 $1.000000000e+00, v22;
	v37 =	vadd.f32 v49, v48;
	v24 =	vld [tilespmem:s26+$0x90];
	v61 =	vpop (erf);
	(erf) = vrcp.f32 v27  }
0x19f: {  	v62 =	vld [tilespmem:s26+$0xA0];
	v15 =	vadd.f32 $1.000000000e+00, v15;
	v23 =	vadd.f32 v29, v23;
	(erf) = vpow2.f32 v34;
	v29 =	vpop (erf)  }
0x1a0: {  	v30 =	vadd.f32 $1.000000000e+00, v30;
	v37 =	vmul.f32 $1.442695020e+00, v37;
	v27 =	vld [tilespmem:s25+$0xA0];
	(erf) = vrcp.f32 v32;
	v63 =	vpop (erf)  }
0x1a1: {  	v51 =	vld [tilespmem:s26+$0xFFFFFF20];
	v23 =	vmul.f32 $1.442695020e+00, v23;
	v31 =	vadd.f32 v31, v58;
	(erf) = vpow2.f32 v14;
	v14 =	vpop (erf)  }
0x1a2: {  	v35 =	vadd.f32 $1.000000000e+00, v56;
	v33 =	vadd.f32 $1.000000000e+00, v57;
	v50 =	vpop (erf);
	(erf) = vrcp.f32 v18;
	v18 =	vld [tilespmem:s25+$0xFFFFFF20]  }
0x1a3: {  	v31 =	vmul.f32 $1.442695020e+00, v31;
	v19 =	vadd.f32 v24, v19;
	v24 =	vpop (erf);
	(erf) = vpow2.f32 v23  }
0x1a4: {  	v20 =	vadd.f32 $1.000000000e+00, v20;
	v26 =	vadd.f32 $1.000000000e+00, v26;
	(erf) = vrcp.f32 v17;
	v17 =	vpop (erf)  }
0x1a5: {  	v52 =	vld [tilespmem:s25+$0xFFFFFFE0];
	v27 =	vadd.f32 v62, v27;
	v19 =	vmul.f32 $1.442695020e+00, v19;
	v53 =	vpop (erf);
	(erf) = vpow2.f32 v31  }
0x1a6: {  	v54 =	vld [tilespmem:s26+$0xFFFFFFE0];
	v34 =	vadd.f32 $1.000000000e+00, v55;
	v29 =	vmul.f32 v29, v1;
	(erf) = vrcp.f32 v16;
	v16 =	vpop (erf)  }
0x1a7: {  	v57 =	vld [tilespmem:s26+$0xFFFFFFF0];
	v27 =	vmul.f32 $1.442695020e+00, v27;
	v56 =	vpop (erf);
	(erf) = vpow2.f32 v19;
	v18 =	vadd.f32 v51, v18  }
0x1a8: {  	v55 =	vld [tilespmem:s25+$0xFFFFFFF0];
	v29 =	vadd.f32 $0.0e+00, v29;
	v14 =	vmul.f32 v14, v1;
	(erf) = vrcp.f32 v25;
	v25 =	vpop (erf)  }
0x1a9: {  	v58 =	vld [tilespmem:s25+$0xB0];
	v23 =	vadd.f32 $1.000000000e+00, v59;
	v59 =	vpop (erf);
	(erf) = vpow2.f32 v27;
	v18 =	vmul.f32 $1.442695020e+00, v18  }
0x1aa: {  	v31 =	vmul.f32 v60, v1;
	v60 =	vld [tilespmem:s26+$0xB0];
	v19 =	vadd.f32 $1.000000000e+00, v61;
	v61 =	vpop (erf);
	(erf) = vrcp.f32 v28  }
0x1ab: {  	v48 =	vld [tilespmem:s26+$0xC0];
	v27 =	vadd.f32 $1.000000000e+00, v63;
	v28 =	vadd.f32 v54, v52;
	(erf) = vpow2.f32 v37;
	v63 =	vpop (erf)  }
0x1ac: {  	v62 =	vld [tilespmem:s25+$0xC0];
	v42 =	vadd.f32 $1.000000000e+00, v50;
	v24 =	vmul.f32 v24, v2;
	(erf) = vrcp.f32 v21;
	v21 =	vpop (erf)  }
0x1ad: {  	v40 =	vadd.f32 v57, v55;
	v28 =	vmul.f32 $1.442695020e+00, v28;
	(erf) = vpow2.f32 v18;
	v18 =	vpop (erf)  }
0x1ae: {  	v14 =	vadd.f32 $0.0e+00, v14;
	v55 =	vmul.f32 v56, v2;
	v49 =	vpop (erf);
	(erf) = vrcp.f32 v22  }
0x1af: {  	v32 =	vadd.f32 v60, v58;
	v22 =	vmul.f32 $1.442695020e+00, v40;
	v50 =	vpop (erf);
	(erf) = vpow2.f32 v28  }
0x1b0: {  	v17 =	vadd.f32 $1.000000000e+00, v17;
	v56 =	vmul.f32 v59, v3;
	(erf) = vrcp.f32 v15;
	v15 =	vpop (erf)  }
0x1b1: {  	v51 =	vadd.f32 v48, v62;
	v28 =	vmul.f32 $1.442695020e+00, v32;
	v52 =	vpop (erf);
	(erf) = vpow2.f32 v22  }
0x1b2: {  	v31 =	vadd.f32 $0.0e+00, v31;
	v22 =	vmul.f32 v53, v3;
	(erf) = vrcp.f32 v34;
	v53 =	vpop (erf)  }
0x1b3: {  	v16 =	vadd.f32 $1.000000000e+00, v16;
	v32 =	vmul.f32 $1.442695020e+00, v51;
	v54 =	vpop (erf);
	(erf) = vpow2.f32 v28  }
0x1b4: {  	v25 =	vadd.f32 $1.000000000e+00, v25;
	v37 =	vmul.f32 v63, v2;
	(erf) = vrcp.f32 v30;
	v30 =	vpop (erf)  }
0x1b5: {  	v29 =	vadd.f32 v56, v29;
	v18 =	vmul.f32 v18, v3;
	v57 =	vpop (erf);
	(erf) = vpow2.f32 v32  }
0x1b6: {  	v21 =	vadd.f32 $1.000000000e+00, v21;
	v37 =	vadd.f32 $0.0e+00, v37;
	v59 =	vpop (erf);
	(erf) = vrcp.f32 v35  }
0x1b7: {  	v58 =	vadd.f32 $1.000000000e+00, v49;
	v14 =	vadd.f32 v18, v14;
	(erf) = vrcp.f32 v33;
	v60 =	vpop (erf)  }
0x1b8: {  	v15 =	vadd.f32 $1.000000000e+00, v15;
	v22 =	vadd.f32 v22, v31;
	v31 =	vpop (erf);
	(erf) = vrcp.f32 v20  }
0x1b9: {  	v62 =	vmul.f32 v52, v5;
	v20 =	vadd.f32 $1.000000000e+00, v30;
	v30 =	vpop (erf);
	(erf) = vrcp.f32 v23  }
0x1ba: {  	v28 =	vadd.f32 $1.000000000e+00, v61;
	v34 =	vadd.f32 $1.000000000e+00, v53;
	(erf) = vrcp.f32 v26;
	v18 =	vpop (erf)  }
0x1bb: {  	v44 =	vmul.f32 v57, v5;
	v23 =	vadd.f32 $0.0e+00, v24;
	v61 =	vpop (erf);
	(erf) = vrcp.f32 v19  }
0x1bc: {  	v24 =	vadd.f32 $1.000000000e+00, v59;
	v30 =	vmul.f32 v30, v5;
	(erf) = vrcp.f32 v27;
	v27 =	vpop (erf)  }
0x1bd: {  	v31 =	vadd.f32 $1.000000000e+00, v31;
	v19 =	vmul.f32 v50, v4;
	v63 =	vpop (erf);
	(erf) = vrcp.f32 v42  }
0x1be: {  	v26 =	vadd.f32 $0.0e+00, v55;
	v18 =	vadd.f32 $1.000000000e+00, v18;
	(erf) = vrcp.f32 v17;
	v17 =	vpop (erf)  }
0x1bf: {  	v14 =	vadd.f32 v30, v14;
	v19 =	vadd.f32 v19, v23;
	v45 =	vpop (erf);
	(erf) = vrcp.f32 v16  }
0x1c0: {  	v23 =	vmul.f32 v54, v4;
	v27 =	vadd.f32 $1.000000000e+00, v27;
	(erf) = vrcp.f32 v25;
	v25 =	vpop (erf)  }
0x1c1: {  	v46 =	vmul.f32 v63, v7;
	v16 =	vadd.f32 v62, v22;
	(erf) = vrcp.f32 v28;
	v28 =	vpop (erf)  }
0x1c2: {  	v22 =	vmul.f32 v60, v4;
	v23 =	vadd.f32 v23, v26;
	(erf) = vrcp.f32 v21;
	v21 =	vpop (erf)  }
0x1c3: {  	v26 =	vadd.f32 v44, v29;
	v29 =	vmul.f32 v61, v6;
	v30 =	vpop (erf);
	(erf) = vrcp.f32 v58  }
0x1c4: {  	v17 =	vadd.f32 $1.000000000e+00, v17;
	v25 =	vmul.f32 v25, v7;
	v47 =	vpop (erf);
	(erf) = vrcp.f32 v15  }
0x1c5: {  	v19 =	vadd.f32 v29, v19;
	v28 =	vmul.f32 v28, v6;
	v48 =	vpop (erf);
	(erf) = vrcp.f32 v34  }
0x1c6: {  	v15 =	vadd.f32 v22, v37;
	v22 =	vmul.f32 v45, v6;
	(erf) = vrcp.f32 v20;
	v20 =	vpop (erf)  }
0x1c7: {  	v16 =	vadd.f32 v46, v16;
	v21 =	vmul.f32 v21, v7;
	(erf) = vrcp.f32 v24;
	v24 =	vpop (erf)  }
0x1c8: {  	v25 =	vadd.f32 v25, v26;
	v22 =	vadd.f32 v22, v23;
	(erf) = vrcp.f32 v31;
	v23 =	vpop (erf)  }
0x1c9: {  	v14 =	vadd.f32 v21, v14;
	v29 =	vpop (erf);
	(erf) = vrcp.f32 v18;
	v18 =	vmul.f32 v47, v9  }
0x1ca: {  	v15 =	vadd.f32 v28, v15;
	v21 =	vmul.f32 v48, v8;
	v28 =	vpop (erf);
	(erf) = vrcp.f32 v27  }
0x1cb: {  	v26 =	vmul.f32 v30, v8;
	v27 =	vpop (erf);
	(erf) = vrcp.f32 v17;
	v16 =	vadd.f32 v18, v16  }
0x1cc: {  	v18 =	vmul.f32 v20, v9;
	v20 =	vadd.f32 v21, v22;
	v22 =	vmul.f32 v23, v9  }
0x1cd: {  	v17 =	vadd.f32 v26, v19;
	v21 =	vmul.f32 v24, v8;
	v24 =	vmul.f32 v29, v10;
	v19 =	vpop (erf)  }
0x1ce: {  	v23 =	vpop (erf)  }
0x1cf: {  	v18 =	vadd.f32 v18, v25;
	v25 =	vmul.f32 v28, v11;
	v26 =	vpop (erf)  }
0x1d0: {  	v15 =	vadd.f32 v21, v15;
	v14 =	vadd.f32 v22, v14;
	v19 =	vmul.f32 v19, v11;
	v22 =	vpop (erf)  }
0x1d1: {  	v21 =	vmul.f32 v27, v10;
	v17 =	vadd.f32 v24, v17;
	v23 =	vmul.f32 v23, v10;
	v24 =	vpop (erf)  }
0x1d2: {  	v18 =	vadd.f32 v19, v18;
	v19 =	vmul.f32 v22, v12;
	v22 =	vmul.f32 v24, v13  }
0x1d3: {  	v16 =	vadd.f32 v25, v16;
	v20 =	vadd.f32 v21, v20;
	v21 =	vmul.f32 v26, v11;
	v25 =	vpop (erf)  }
0x1d4: {  	v24 =	vpop (erf)  }
0x1d5: {  	v15 =	vadd.f32 v23, v15;
	v14 =	vadd.f32 v21, v14;
	v21 =	vmul.f32 v25, v12;
	v23 =	vpop (erf)  }
0x1d6: {  	v17 =	vadd.f32 v19, v17;
	v16 =	vadd.f32 v22, v16;
	v19 =	vmul.f32 v24, v13;
	v22 =	vpop (erf)  }
0x1d7: {  	v20 =	vadd.f32 v21, v20;
	v21 =	vmul.f32 v23, v12;
	v22 =	vmul.f32 v22, v13  }
0x1d8: {  	v16 =	vadd.f32 v16, v17;
	v17 =	vadd.f32 v19, v18  }
0x1d9: {  	v15 =	vadd.f32 v21, v15;
	v14 =	vadd.f32 v22, v14  }
0x1da: {  	v17 =	vadd.f32 v17, v20  }
0x1db: {  	(xrf2) =	vadd.scan.msk.f32 $0xffff, v16;
	v14 =	vadd.f32 v14, v15  }
0x1dc: {  	(xrf2) =	vadd.scan.msk.f32 $0xffff, v17  }
0x1dd: {  	(xrf2) =	vadd.scan.msk.f32 $0xffff, v14  }
0x1de: {  	s31 =	sadd.s32 $0x1, s24;
	v14 =	vmov s24  }
0x1df: {  	s1 =	sadd.s32 $0x2, s24;
	v15 =	vmov s31;
	v14 =	vand.u32 $0xFFFFFFFC, v14  }
0x1e0: {  	v16 =	vmov s1;
	v15 =	vand.u32 $0xFFFFFFFD, v15;
	v14 =	vbroadcast v14, $0x0  }
0x1e1: {  	v16 =	vand.u32 $0xFFFFFFFE, v16;
	v15 =	vbroadcast v15, $0x0  }
0x1e2: {  	v16 =	vbroadcast v16, $0x0;
	_ =	sdelay $0x2  }
0x1e3: {  	v17, _, _ =	vpop (xrf2)  }
0x1e4: {  	[tilespmem:v14+s19+$0x0] =	vst.idx.msk vm0, v17;
	v14, _, _ =	vpop (xrf2)  }
0x1e5: {  	[tilespmem:v15+s19+$0x0] =	vst.idx.msk vm0, v14;
	v14, _, _ =	vpop (xrf2)  }
0x1e6: {  	s0 =	simm.s32 @p0 $0x80;
	s1 =	simm.s32 @p0 $0x100;
	s24 =	simm.s32 @p0 $0x400;
	[tilespmem:v16+s19+$0x0] =	vst.idx.msk vm0, v14  }
0x1e7: {  	[tilespmem:s24], [sflag:$0x1] =	stream.indirect.gather @p0 [hbm4b:s3+s0], $0xD0, s1, s0, $0xb8;
	[tilespmem:$0x1A7A0] =	vst v63  }
0x1e8: {  	s1 =	simm.s32 @p0 $0x300;
	s24 =	simm.s32 @p0 $0x6C00  }
0x1e9: {  	[tilespmem:s24], [sflag:$0x2] =	stream.indirect.gather @p0 [hbm4b:s3+s0], $0xD0, s1, s0, $0xb8;
	[tilespmem:$0x1A7A0] =	vst v63  }
0x1ea: {  	_ =	swait.ge [sflag:s20], $0x6800  }
0x1eb: {  	[sflag:s20] =	ssyncset.done $0x0  }
0x1ec: {  	[sflag:s20] =	ssyncadd.s32 $0xFFFF9800  }
0x1ed: {  	_ =	swait.ge [sflag:s21], $0x6800  }
0x1ee: {  	[sflag:s21] =	ssyncset.done $0x0  }
0x1ef: {  	s24 =	simm.s32 $0xD5A0;
	[sflag:s21] =	ssyncadd.s32 $0xFFFF9800  }
0x1f0: {  	s26 =	simm.s32 $0x13DA0;
	v14 =	vld [tilespmem:s24+$0x180]  }
0x1f1: {  	v15 =	vld [tilespmem:s26+$0x180]  }
0x1f2: {  	v16 =	vld [tilespmem:s24+$0x190]  }
0x1f3: {  	v17 =	vld [tilespmem:s26+$0x190]  }
0x1f4: {  	v18 =	vld [tilespmem:s24+$0x160]  }
0x1f5: {  	v19 =	vld [tilespmem:s26+$0x160]  }
0x1f6: {  	v20 =	vld [tilespmem:s24+$0x140]  }
0x1f7: {  	v21 =	vld [tilespmem:s26+$0x140]  }
0x1f8: {  	v22 =	vld [tilespmem:s24+$0x120]  }
0x1f9: {  	v23 =	vld [tilespmem:s26+$0x120]  }
0x1fa: {  	v24 =	vld [tilespmem:s24+$0x100]  }
0x1fb: {  	v25 =	vld [tilespmem:s26+$0x100]  }
0x1fc: {  	v26 =	vld [tilespmem:s24+$0xE0]  }
0x1fd: {  	v27 =	vld [tilespmem:s26+$0xE0]  }
0x1fe: {  	v28 =	vld [tilespmem:s24+$0xD0]  }
0x1ff: {  	v29 =	vld [tilespmem:s26+$0xD0]  }
0x200: {  	v30 =	vld [tilespmem:s24+$0xF0]  }
0x201: {  	v31 =	vld [tilespmem:s26+$0xF0]  }
0x202: {  	v49 =	vld [tilespmem:s24+$0x110]  }
0x203: {  	v50 =	vld [tilespmem:s26+$0x110]  }
0x204: {  	v51 =	vld [tilespmem:s24+$0xFFFFFEA0]  }
0x205: {  	v55 =	vld [tilespmem:s24+$0xFFFFFF70]  }
0x206: {  	v56 =	vld [tilespmem:s26+$0xFFFFFF70]  }
0x207: {  	v57 =	vld [tilespmem:s24+$0x30];
	v14 =	vadd.f32 v15, v14  }
0x208: {  	v15 =	vld [tilespmem:s24+$0x130];
	v16 =	vadd.f32 v17, v16  }
0x209: {  	v17 =	vld [tilespmem:s26+$0x130];
	v28 =	vadd.f32 v29, v28;
	v14 =	vmul.f32 $1.442695020e+00, v14  }
0x20a: {  	v29 =	vld [tilespmem:s24+$0x150];
	v26 =	vadd.f32 v27, v26;
	v30 =	vadd.f32 v31, v30;
	v16 =	vmul.f32 $1.442695020e+00, v16  }
0x20b: {  	v27 =	vld [tilespmem:s26+$0x150];
	v24 =	vadd.f32 v25, v24;
	v28 =	vmul.f32 $1.442695020e+00, v28;
	(erf) = vpow2.f32 v14  }
0x20c: {  	v58 =	vld [tilespmem:s24+$0x40];
	v22 =	vadd.f32 v23, v22;
	v26 =	vmul.f32 $1.442695020e+00, v26;
	(erf) = vpow2.f32 v16  }
0x20d: {  	v59 =	vld [tilespmem:s26+$0x40];
	v25 =	vmul.f32 $1.442695020e+00, v30;
	v30 =	vadd.f32 v50, v49;
	(erf) = vpow2.f32 v28  }
0x20e: {  	v60 =	vld [tilespmem:s26+$0xFFFFFEB0];
	v20 =	vadd.f32 v21, v20;
	v24 =	vmul.f32 $1.442695020e+00, v24;
	(erf) = vpow2.f32 v26  }
0x20f: {  	v14 =	vld [tilespmem:s24+$0x170];
	v15 =	vadd.f32 v17, v15;
	v26 =	vmul.f32 $1.442695020e+00, v30;
	(erf) = vpow2.f32 v25  }
0x210: {  	v22 =	vmul.f32 $1.442695020e+00, v22;
	v16 =	vld [tilespmem:s26+$0x170];
	(erf) = vpow2.f32 v24;
	v24 =	vadd.f32 v27, v29  }
0x211: {  	v61 =	vld [tilespmem:s26+$0xFFFFFEC0];
	v18 =	vadd.f32 v19, v18;
	v15 =	vmul.f32 $1.442695020e+00, v15;
	(erf) = vpow2.f32 v26  }
0x212: {  	v23 =	vld [tilespmem:s24+$0xFFFFFF30];
	(erf) = vpow2.f32 v22;
	v22 =	vmul.f32 $1.442695020e+00, v24  }
0x213: {  	v20 =	vmul.f32 $1.442695020e+00, v20;
	v17 =	vld [tilespmem:s26+$0xFFFFFF30]  }
0x214: {  	v62 =	vld [tilespmem:s24+$0xFFFFFEE0];
	(erf) = vpow2.f32 v15  }
0x215: {  	v63 =	vld [tilespmem:s26+$0xFFFFFFB0];
	v14 =	vadd.f32 v16, v14;
	v16 =	vmul.f32 $1.442695020e+00, v18;
	(erf) = vpow2.f32 v20;
	v18 =	vpop (erf)  }
0x216: {  	v21 =	vld [tilespmem:s24+$0x0];
	(erf) = vpow2.f32 v22;
	v22 =	vpop (erf)  }
0x217: {  	v25 =	vld [tilespmem:s26+$0x0];
	v26 =	vpop (erf)  }
0x218: {  	v40 =	vld [tilespmem:s24+$0x70];
	v17 =	vadd.f32 v17, v23;
	v14 =	vmul.f32 $1.442695020e+00, v14;
	v26 =	vadd.f32 $1.000000000e+00, v26;
	v27 =	vpop (erf)  }
0x219: {  	v41 =	vld [tilespmem:s26+$0x70];
	v18 =	vadd.f32 $1.000000000e+00, v18;
	(erf) = vpow2.f32 v16;
	v23 =	vadd.f32 $1.000000000e+00, v27  }
0x21a: {  	v19 =	vld [tilespmem:s24+$0xFFFFFE60];
	(erf) = vpow2.f32 v14  }
0x21b: {  	v28 =	vld [tilespmem:s26+$0xFFFFFE60];
	v27 =	vpop (erf);
	(erf) = vrcp.f32 v18  }
0x21c: {  	v15 =	vld [tilespmem:s24+$0xFFFFFE70];
	v21 =	vadd.f32 v25, v21;
	v25 =	vadd.f32 $1.000000000e+00, v27;
	(erf) = vrcp.f32 v26;
	v26 =	vpop (erf)  }
0x21d: {  	v20 =	vld [tilespmem:s26+$0xFFFFFE70];
	(erf) = vrcp.f32 v23;
	v26 =	vadd.f32 $1.000000000e+00, v26;
	v23 =	vpop (erf)  }
0x21e: {  	v30 =	vld [tilespmem:s26+$0x10];
	v23 =	vadd.f32 $1.000000000e+00, v23  }
0x21f: {  	v29 =	vld [tilespmem:s24+$0x10]  }
0x220: {  	v24 =	vld [tilespmem:s24+$0xFFFFFE80];
	(erf) = vrcp.f32 v25;
	v25 =	vpop (erf)  }
0x221: {  	v16 =	vld [tilespmem:s26+$0xFFFFFE80];
	(erf) = vrcp.f32 v26;
	v26 =	vpop (erf)  }
0x222: {  	v19 =	vadd.f32 v28, v19;
	v28 =	vld [tilespmem:s26+$0xFFFFFF50];
	v15 =	vadd.f32 v20, v15;
	(erf) = vrcp.f32 v23;
	v23 =	vpop (erf)  }
0x223: {  	v14 =	vld [tilespmem:s24+$0xFFFFFF40];
	v25 =	vadd.f32 $1.000000000e+00, v25;
	v20 =	vadd.f32 $1.000000000e+00, v23;
	v23 =	vpop (erf)  }
0x224: {  	v17 =	vmul.f32 $1.442695020e+00, v17;
	v18 =	vld [tilespmem:s26+$0xFFFFFF40];
	v26 =	vadd.f32 $1.000000000e+00, v26;
	v23 =	vadd.f32 $1.000000000e+00, v23  }
0x225: {  	v19 =	vmul.f32 $1.442695020e+00, v19;
	v29 =	vadd.f32 v30, v29;
	v27 =	vld [tilespmem:s24+$0xFFFFFF50];
	(erf) = vrcp.f32 v25  }
0x226: {  	v43 =	vld [tilespmem:s26+$0x80];
	v21 =	vmul.f32 $1.442695020e+00, v21;
	v16 =	vadd.f32 v16, v24;
	(erf) = vrcp.f32 v26;
	v24 =	vpop (erf)  }
0x227: {  	v44 =	vld [tilespmem:s24+$0xFFFFFEF0];
	v29 =	vmul.f32 $1.442695020e+00, v29;
	(erf) = vrcp.f32 v20;
	v20 =	vpop (erf)  }
0x228: {  	v31 =	vld [tilespmem:s24+$0x20];
	v15 =	vmul.f32 $1.442695020e+00, v15;
	(erf) = vrcp.f32 v23;
	v23 =	vpop (erf)  }
0x229: {  	v14 =	vadd.f32 v18, v14;
	v16 =	vmul.f32 $1.442695020e+00, v16;
	v25 =	vld [tilespmem:s26+$0x20];
	v18 =	vadd.f32 $1.000000000e+00, v24;
	v52 =	vpop (erf)  }
0x22a: {  	v27 =	vadd.f32 v28, v27;
	v26 =	vld [tilespmem:s24+$0xFFFFFE90];
	v20 =	vadd.f32 $1.000000000e+00, v20;
	v28 =	vmul.f32 v52, v1;
	v53 =	vpop (erf)  }
0x22b: {  	v22 =	vadd.f32 $1.000000000e+00, v22;
	v14 =	vmul.f32 $1.442695020e+00, v14;
	v24 =	vld [tilespmem:s26+$0xFFFFFE90];
	(erf) = vrcp.f32 v18;
	v30 =	vpop (erf)  }
0x22c: {  	v45 =	vld [tilespmem:s26+$0xFFFFFEF0];
	(erf) = vrcp.f32 v20;
	v28 =	vadd.f32 $0.0e+00, v28;
	v30 =	vmul.f32 v30, v3  }
0x22d: {  	v46 =	vld [tilespmem:s24+$0xFFFFFF00];
	v27 =	vmul.f32 $1.442695020e+00, v27;
	v33 =	vmul.f32 v53, v2  }
0x22e: {  	v25 =	vadd.f32 v25, v31;
	v18 =	vld [tilespmem:s26+$0xFFFFFEA0];
	(erf) = vrcp.f32 v22;
	v54 =	vpop (erf);
	v28 =	vadd.f32 v30, v28  }
0x22f: {  	v20 =	vld [tilespmem:s24+$0xFFFFFF60];
	(erf) = vpow2.f32 v19;
	v31 =	vmul.f32 v54, v4;
	v19 =	vpop (erf);
	v33 =	vadd.f32 $0.0e+00, v33  }
0x230: {  	v23 =	vmul.f32 v23, v12;
	v24 =	vadd.f32 v24, v26;
	v22 =	vld [tilespmem:s26+$0xFFFFFF60];
	v19 =	vmul.f32 v19, v5;
	v30 =	vpop (erf)  }
0x231: {  	v47 =	vld [tilespmem:s26+$0xFFFFFF00];
	(erf) = vpow2.f32 v17;
	v31 =	vadd.f32 v31, v33;
	v26 =	vmul.f32 v30, v6;
	v17 =	vpop (erf)  }
0x232: {  	v48 =	vld [tilespmem:s24+$0xFFFFFFC0];
	(erf) = vpow2.f32 v21;
	v19 =	vadd.f32 v19, v28;
	v17 =	vmul.f32 v17, v7;
	v28 =	vpop (erf)  }
0x233: {  	(erf) = vpow2.f32 v15;
	v15 =	vld [tilespmem:s24+$0xFFFFFF80];
	v28 =	vmul.f32 v28, v8;
	v21 =	vpop (erf);
	v26 =	vadd.f32 v26, v31  }
0x234: {  	v18 =	vadd.f32 v18, v51;
	v30 =	vld [tilespmem:s26+$0x30];
	v17 =	vadd.f32 v17, v19;
	v19 =	vmul.f32 v21, v9;
	v21 =	vpop (erf)  }
0x235: {  	v20 =	vadd.f32 v22, v20;
	v31 =	vld [tilespmem:s24+$0xFFFFFEB0];
	v21 =	vmul.f32 v21, v10;
	v22 =	vpop (erf);
	v26 =	vadd.f32 v28, v26  }
0x236: {  	(erf) = vpow2.f32 v16;
	v16 =	vld [tilespmem:s26+$0xFFFFFF80];
	v17 =	vadd.f32 v19, v17;
	v19 =	vmul.f32 v22, v11  }
0x237: {  	v18 =	vmul.f32 $1.442695020e+00, v18;
	(erf) = vpow2.f32 v14;
	v22 =	vld [tilespmem:s24+$0xFFFFFEC0];
	v28 =	vpop (erf);
	v21 =	vadd.f32 v21, v26  }
0x238: {  	(erf) = vpow2.f32 v27;
	v27 =	vld [tilespmem:s24+$0x50];
	v26 =	vmul.f32 v28, v13;
	v17 =	vadd.f32 v19, v17  }
0x239: {  	v34 =	vadd.f32 v56, v55;
	v19 =	vmul.f32 $1.442695020e+00, v25;
	(erf) = vpow2.f32 v29;
	v29 =	vld [tilespmem:s24+$0x60]  }
0x23a: {  	v21 =	vadd.f32 v23, v21;
	v23 =	vld [tilespmem:s24+$0xFFFFFF90];
	v14 =	vadd.f32 v26, v17;
	v17 =	vmul.f32 $1.442695020e+00, v24  }
0x23b: {  	v20 =	vmul.f32 $1.442695020e+00, v20;
	v25 =	vadd.f32 v30, v57;
	v28 =	vmul.f32 $1.442695020e+00, v34;
	v24 =	vld [tilespmem:s26+$0xFFFFFF90]  }
0x23c: {  	v30 =	vld [tilespmem:s26+$0x60];
	v15 =	vadd.f32 v16, v15;
	v26 =	vadd.f32 v59, v58;
	(erf) = vpow2.f32 v19  }
0x23d: {  	v19 =	vld [tilespmem:s26+$0x50];
	v25 =	vmul.f32 $1.442695020e+00, v25;
	v22 =	vadd.f32 v61, v22;
	(erf) = vpow2.f32 v17  }
0x23e: {  	v55 =	vld [tilespmem:s26+$0x90];
	v15 =	vmul.f32 $1.442695020e+00, v15;
	v14 =	vadd.f32 v14, v21;
	(erf) = vpow2.f32 v18;
	v17 =	vpop (erf)  }
0x23f: {  	v16 =	vld [tilespmem:s26+$0xFFFFFED0];
	v21 =	vadd.f32 v60, v31;
	v26 =	vmul.f32 $1.442695020e+00, v26;
	(erf) = vpow2.f32 v20;
	v18 =	vpop (erf)  }
0x240: {  	v31 =	vld [tilespmem:s24+$0xFFFFFED0];
	v22 =	vmul.f32 $1.442695020e+00, v22;
	v23 =	vadd.f32 v24, v23;
	v20 =	vpop (erf);
	(erf) = vpow2.f32 v28  }
0x241: {  	v21 =	vmul.f32 $1.442695020e+00, v21;
	v28 =	vpop (erf);
	(erf) = vpow2.f32 v25;
	v25 =	vld [tilespmem:s26+$0xFFFFFEE0]  }
0x242: {  	v29 =	vadd.f32 v30, v29;
	v30 =	vld [tilespmem:s26+$0xFFFFFFA0];
	v19 =	vadd.f32 v19, v27;
	v24 =	vpop (erf);
	(erf) = vpow2.f32 v26  }
0x243: {  	v26 =	vadd.f32 $1.000000000e+00, v28;
	v28 =	vld [tilespmem:s24+$0xFFFFFFA0];
	v27 =	vpop (erf);
	(erf) = vpow2.f32 v21;
	v21 =	vmul.f32 $1.442695020e+00, v23  }
0x244: {  	v56 =	vld [tilespmem:s24+$0xA0];
	v17 =	vadd.f32 $1.000000000e+00, v17;
	v29 =	vmul.f32 $1.442695020e+00, v29;
	v23 =	vpop (erf);
	(erf) = vpow2.f32 v22  }
0x245: {  	v50 =	vld [tilespmem:s26+$0xFFFFFFC0];
	v19 =	vmul.f32 $1.442695020e+00, v19;
	v16 =	vadd.f32 v16, v31;
	v22 =	vpop (erf);
	(erf) = vpow2.f32 v15  }
0x246: {  	v31 =	vld [tilespmem:s24+$0xFFFFFFB0];
	v15 =	vadd.f32 $1.000000000e+00, v20;
	v20 =	vpop (erf);
	(erf) = vpow2.f32 v21;
	v25 =	vadd.f32 v25, v62  }
0x247: {  	v53 =	vld [tilespmem:s26+$0xFFFFFFD0];
	v39 =	vmul.f32 $1.442695020e+00, v16;
	v21 =	vpop (erf);
	(erf) = vpow2.f32 v19;
	v19 =	vadd.f32 $1.000000000e+00, v24  }
0x248: {  	v54 =	vld [tilespmem:s24+$0x90];
	v28 =	vadd.f32 v30, v28;
	v24 =	vpop (erf);
	(erf) = vpow2.f32 v29;
	v25 =	vmul.f32 $1.442695020e+00, v25  }
0x249: {  	v32 =	vadd.f32 v41, v40;
	v18 =	vadd.f32 $1.000000000e+00, v18;
	v30 =	vld [tilespmem:s24+$0x80];
	v29 =	vpop (erf);
	(erf) = vpow2.f32 v39  }
0x24a: {  	v35 =	vadd.f32 v47, v46;
	v51 =	vld [tilespmem:s24+$0xFFFFFFD0];
	v28 =	vmul.f32 $1.442695020e+00, v28;
	v42 =	vpop (erf);
	(erf) = vrcp.f32 v17  }
0x24b: {  	v32 =	vmul.f32 $1.442695020e+00, v32;
	v58 =	vld [tilespmem:s26+$0xA0];
	v31 =	vadd.f32 v63, v31;
	v17 =	vpop (erf);
	(erf) = vpow2.f32 v25  }
0x24c: {  	v35 =	vmul.f32 $1.442695020e+00, v35;
	v36 =	vadd.f32 v50, v48;
	v59 =	vld [tilespmem:s24+$0xFFFFFF10];
	v25 =	vpop (erf);
	(erf) = vrcp.f32 v18  }
0x24d: {  	v33 =	vadd.f32 v45, v44;
	v60 =	vld [tilespmem:s26+$0xFFFFFF10];
	v31 =	vmul.f32 $1.442695020e+00, v31;
	v18 =	vpop (erf);
	(erf) = vpow2.f32 v28  }
0x24e: {  	v36 =	vmul.f32 $1.442695020e+00, v36;
	v30 =	vadd.f32 v43, v30;
	v28 =	vpop (erf);
	(erf) = vrcp.f32 v15  }
0x24f: {  	v33 =	vmul.f32 $1.442695020e+00, v33;
	v37 =	vadd.f32 v53, v51;
	v15 =	vpop (erf);
	(erf) = vpow2.f32 v31  }
0x250: {  	v38 =	vadd.f32 v55, v54;
	v30 =	vmul.f32 $1.442695020e+00, v30;
	v49 =	vpop (erf);
	(erf) = vrcp.f32 v26  }
0x251: {  	s28 =	sadd.s32 $0x0, s23;
	v37 =	vmul.f32 $1.442695020e+00, v37;
	v61 =	vld [tilespmem:s24+$0xFFFFFF20];
	v27 =	vadd.f32 $1.000000000e+00, v27;
	v26 =	vpop (erf);
	(erf) = vpow2.f32 v32  }
0x252: {  	s29 =	sadd.s32 $0x3, s28;
	v48 =	vadd.f32 v58, v56;
	v40 =	vadd.f32 v60, v59;
	v63 =	vld [tilespmem:s26+$0xFFFFFF20];
	v52 =	vpop (erf);
	(erf) = vrcp.f32 v19  }
0x253: {  	v16 =	vmov s29;
	v23 =	vadd.f32 $1.000000000e+00, v23;
	v19 =	vpop (erf);
	(erf) = vpow2.f32 v30  }
0x254: {  	v40 =	vmul.f32 $1.442695020e+00, v40;
	v22 =	vadd.f32 $1.000000000e+00, v22;
	v30 =	vpop (erf);
	(erf) = vrcp.f32 v27  }
0x255: {  	v20 =	vadd.f32 $1.000000000e+00, v20;
	v21 =	vadd.f32 $1.000000000e+00, v21;
	v27 =	vpop (erf);
	(erf) = vpow2.f32 v33  }
0x256: {  	v24 =	vadd.f32 $1.000000000e+00, v24;
	v29 =	vadd.f32 $1.000000000e+00, v29;
	v57 =	vpop (erf);
	(erf) = vrcp.f32 v23  }
0x257: {  	v41 =	vadd.f32 v63, v61;
	v17 =	vadd.f32 $1.000000000e+00, v17;
	v23 =	vpop (erf);
	(erf) = vpow2.f32 v35  }
0x258: {  	v25 =	vadd.f32 $1.000000000e+00, v25;
	v35 =	vadd.f32 $1.000000000e+00, v26;
	v26 =	vpop (erf);
	(erf) = vrcp.f32 v22  }
0x259: {  	v59 =	vld [tilespmem:s24+$0xC0];
	v41 =	vmul.f32 $1.442695020e+00, v41;
	v18 =	vadd.f32 $1.000000000e+00, v18;
	v22 =	vpop (erf);
	(erf) = vpow2.f32 v36  }
0x25a: {  	(xrf2) =	vadd.scan.msk.f32 $0xffff, v14;
	v61 =	vld [tilespmem:s26+$0xC0];
	v31 =	vadd.f32 $1.000000000e+00, v42;
	v28 =	vadd.f32 $1.000000000e+00, v28;
	v62 =	vpop (erf);
	(erf) = vrcp.f32 v20  }
0x25b: {  	v15 =	vadd.f32 $1.000000000e+00, v15;
	v33 =	vadd.f32 $1.000000000e+00, v49;
	v49 =	vld [tilespmem:s24+$0xFFFFFFE0];
	v14 =	vpop (erf);
	(erf) = vpow2.f32 v37  }
0x25c: {  	v32 =	vadd.f32 $1.000000000e+00, v52;
	v20 =	vmul.f32 $1.442695020e+00, v38;
	v50 =	vpop (erf);
	(erf) = vrcp.f32 v21;
	v21 =	vld [tilespmem:s26+$0xFFFFFFE0]  }
0x25d: {  	v19 =	vadd.f32 $1.000000000e+00, v19;
	v30 =	vmul.f32 v30, v1;
	v34 =	vmul.f32 v57, v1;
	v51 =	vpop (erf)  }
0x25e: {  	(erf) = vpow2.f32 v20;
	v20 =	vadd.f32 $1.000000000e+00, v23;
	v23 =	vmul.f32 v26, v1;
	v26 =	vld [tilespmem:s24+$0xFFFFFFF0];
	v52 =	vpop (erf)  }
0x25f: {  	v27 =	vadd.f32 $1.000000000e+00, v27;
	v38 =	vmul.f32 $1.442695020e+00, v48;
	(erf) = vrcp.f32 v24;
	v24 =	vld [tilespmem:s26+$0xFFFFFFF0];
	v53 =	vpop (erf)  }
0x260: {  	v30 =	vadd.f32 $0.0e+00, v30;
	v36 =	vmul.f32 v62, v2;
	v37 =	vadd.f32 v61, v59;
	v55 =	vpop (erf)  }
0x261: {  	v54 =	vld [tilespmem:s24+$0xB0];
	v39 =	vmul.f32 v50, v3;
	(erf) = vpow2.f32 v38;
	v57 =	vpop (erf);
	v21 =	vadd.f32 v21, v49  }
0x262: {  	v56 =	vld [tilespmem:s26+$0xB0];
	v22 =	vadd.f32 $1.000000000e+00, v22;
	v37 =	vmul.f32 $1.442695020e+00, v37;
	(erf) = vrcp.f32 v29;
	v58 =	vpop (erf)  }
0x263: {  	v14 =	vadd.f32 $1.000000000e+00, v14;
	(erf) = vpow2.f32 v40;
	v60 =	vpop (erf);
	v21 =	vmul.f32 $1.442695020e+00, v21  }
0x264: {  	v36 =	vadd.f32 $0.0e+00, v36;
	(erf) = vrcp.f32 v31;
	v24 =	vadd.f32 v24, v26;
	v26, _, _ =	vpop (xrf2)  }
0x265: {  	v23 =	vadd.f32 $0.0e+00, v23;
	v43 =	vmul.f32 v52, v2;
	(erf) = vpow2.f32 v41;
	v62 =	vpop (erf)  }
0x266: {  	v30 =	vadd.f32 v39, v30;
	v29 =	vadd.f32 $0.0e+00, v34;
	(erf) = vrcp.f32 v17;
	v63 =	vpop (erf)  }
0x267: {  	v34 =	vadd.f32 v56, v54;
	v24 =	vmul.f32 $1.442695020e+00, v24;
	(erf) = vpow2.f32 v21;
	v21 =	vpop (erf)  }
0x268: {  	v44 =	vmul.f32 v55, v3;
	v52 =	vadd.f32 $0.0e+00, v43;
	(erf) = vrcp.f32 v25;
	v25 =	vpop (erf)  }
0x269: {  	v31 =	vadd.f32 $1.000000000e+00, v51;
	v34 =	vmul.f32 $1.442695020e+00, v34;
	v46 =	vpop (erf);
	(erf) = vpow2.f32 v24  }
0x26a: {  	v45 =	vadd.f32 $1.000000000e+00, v57;
	v29 =	vadd.f32 v44, v29;
	(erf) = vrcp.f32 v18;
	v18 =	vpop (erf)  }
0x26b: {  	v17 =	vadd.f32 $1.000000000e+00, v53;
	v42 =	vadd.f32 $1.000000000e+00, v60;
	v48 =	vpop (erf);
	(erf) = vpow2.f32 v34  }
0x26c: {  	s30 =	sadd.s32 $0x1, s28;
	v49 =	vmul.f32 v62, v3;
	v38 =	vadd.f32 $1.000000000e+00, v63;
	(erf) = vrcp.f32 v28;
	v28 =	vpop (erf)  }
0x26d: {  	v63 =	vmov s30;
	v21 =	vmul.f32 v21, v4;
	v50 =	vpop (erf);
	(erf) = vpow2.f32 v37  }
0x26e: {  	v23 =	vadd.f32 v49, v23;
	v24 =	vmul.f32 v58, v2;
	v51 =	vpop (erf);
	(erf) = vrcp.f32 v15  }
0x26f: {  	v25 =	vadd.f32 $1.000000000e+00, v25;
	v55 =	vmul.f32 v46, v5;
	(erf) = vrcp.f32 v33;
	v53 =	vpop (erf)  }
0x270: {  	v21 =	vadd.f32 v21, v36;
	v18 =	vadd.f32 $1.000000000e+00, v18;
	v54 =	vpop (erf);
	(erf) = vrcp.f32 v35  }
0x271: {  	v24 =	vadd.f32 $0.0e+00, v24;
	v58 =	vmul.f32 v50, v5;
	v56 =	vpop (erf);
	(erf) = vrcp.f32 v32  }
0x272: {  	v57 =	vmul.f32 v48, v4;
	v28 =	vadd.f32 $1.000000000e+00, v28;
	(erf) = vrcp.f32 v19;
	v19 =	vpop (erf)  }
0x273: {  	v15 =	vadd.f32 $1.000000000e+00, v51;
	v29 =	vadd.f32 v58, v29;
	v59 =	vpop (erf);
	(erf) = vrcp.f32 v27  }
0x274: {  	v37 =	vadd.f32 $1.000000000e+00, v54;
	v60 =	vmul.f32 v56, v5;
	(erf) = vrcp.f32 v20;
	v20 =	vpop (erf)  }
0x275: {  	v27 =	vadd.f32 v55, v30;
	v30 =	vmul.f32 v53, v4;
	v61 =	vpop (erf);
	(erf) = vrcp.f32 v22  }
0x276: {  	v19 =	vadd.f32 $1.000000000e+00, v19;
	v62 =	vadd.f32 v60, v23;
	(erf) = vrcp.f32 v14;
	v14 =	vpop (erf)  }
0x277: {  	s31 =	sadd.s32 $0x2, s28;
	v24 =	vadd.f32 v30, v24;
	v30 =	vmul.f32 v61, v7;
	v23 =	vpop (erf);
	(erf) = vrcp.f32 v31  }
0x278: {  	v60 =	vmov s31;
	v20 =	vadd.f32 $1.000000000e+00, v20;
	(erf) = vrcp.f32 v17;
	v17 =	vpop (erf)  }
0x279: {  	v22 =	vadd.f32 v57, v52;
	v31 =	vmul.f32 v59, v6;
	(erf) = vrcp.f32 v45;
	v45 =	vpop (erf)  }
0x27a: {  	[tilespmem:v16+s19+$0x0] =	vst.idx.msk vm0, v26;
	v16 =	vand.u32 $0xFFFFFFFE, v60;
	v23 =	vmul.f32 v23, v6;
	(erf) = vrcp.f32 v42;
	v46 =	vpop (erf)  }
0x27b: {  	s26 =	simm.s32 $0x140E0;
	v27 =	vadd.f32 v30, v27;
	v17 =	vmul.f32 v17, v7;
	v30 =	vpop (erf);
	(erf) = vrcp.f32 v38  }
0x27c: {  	s25 =	simm.s32 $0xD8E0;
	v39 =	vld [tilespmem:s26+$0xD0];
	v31 =	vadd.f32 v31, v21;
	v33 =	vmul.f32 v45, v6;
	v48 =	vpop (erf);
	(erf) = vrcp.f32 v25  }
0x27d: {  	v21 =	vld [tilespmem:s25+$0x180];
	v25 =	vadd.f32 v17, v29;
	v17 =	vmul.f32 v46, v7;
	v29 =	vpop (erf);
	(erf) = vrcp.f32 v18  }
0x27e: {  	v47 =	vadd.f32 v23, v22;
	v22 =	vld [tilespmem:s26+$0x180];
	v18 =	vmul.f32 v30, v8;
	(erf) = vrcp.f32 v28;
	v28 =	vpop (erf)  }
0x27f: {  	v14 =	vadd.f32 $1.000000000e+00, v14;
	v23 =	vld [tilespmem:s25+$0x190];
	v49 =	vmul.f32 v48, v9;
	(erf) = vrcp.f32 v15;
	v15 =	vpop (erf)  }
0x280: {  	v38 =	vld [tilespmem:s25+$0xD0];
	v30 =	vadd.f32 v33, v24;
	v29 =	vmul.f32 v29, v8;
	(erf) = vrcp.f32 v37;
	v50 =	vpop (erf)  }
0x281: {  	v24 =	vld [tilespmem:s26+$0x190];
	v33 =	vadd.f32 v49, v27;
	v27 =	vmul.f32 v28, v9;
	v28 =	vpop (erf);
	(erf) = vrcp.f32 v19  }
0x282: {  	v32 =	vadd.f32 v17, v62;
	v17 =	vld [tilespmem:s25+$0x160];
	v15 =	vmul.f32 v15, v8;
	v51 =	vpop (erf);
	(erf) = vrcp.f32 v20  }
0x283: {  	v31 =	vadd.f32 v18, v31;
	v18 =	vld [tilespmem:s26+$0x160];
	v29 =	vadd.f32 v29, v47;
	v53 =	vpop (erf);
	(erf) = vrcp.f32 v14  }
0x284: {  	v19 =	vld [tilespmem:s25+$0x140];
	v34 =	vmul.f32 v50, v9;
	v15 =	vadd.f32 v15, v30;
	v14 =	vmul.f32 v28, v10;
	v28 =	vpop (erf)  }
0x285: {  	v52 =	vadd.f32 v27, v25;
	v25 =	vld [tilespmem:s25+$0x120];
	v35 =	vmul.f32 v51, v11;
	v30 =	vmul.f32 v53, v10;
	v55 =	vpop (erf)  }
0x286: {  	v27 =	vld [tilespmem:s26+$0x120];
	v34 =	vadd.f32 v34, v32;
	v54 =	vmul.f32 v28, v11;
	v57 =	vmul.f32 v55, v10;
	v58 =	vpop (erf)  }
0x287: {  	v20 =	vld [tilespmem:s26+$0x140];
	v14 =	vadd.f32 v14, v31;
	v37 =	vadd.f32 v30, v29;
	v30 =	vmul.f32 v58, v11;
	v29 =	vpop (erf)  }
0x288: {  	v32 =	vld [tilespmem:s26+$0x100];
	v56 =	vadd.f32 v35, v33;
	v59 =	vmul.f32 v29, v12;
	v29 =	vadd.f32 v57, v15;
	v15 =	vpop (erf)  }
0x289: {  	v28 =	vld [tilespmem:s25+$0x100];
	v31 =	vadd.f32 v54, v52;
	v61 =	vmul.f32 v15, v13;
	v30 =	vadd.f32 v30, v34;
	v62 =	vpop (erf)  }
0x28a: {  	v33 =	vld [tilespmem:s25+$0xE0];
	v34 =	vadd.f32 v59, v14;
	v40 =	vmul.f32 v62, v12;
	v14 =	vand.u32 $0xFFFFFFFD, v63;
	v63 =	vpop (erf)  }
0x28b: {  	s24 =	simm.s32 $0x4;
	v35 =	vld [tilespmem:s26+$0xE0];
	v15 =	vmov s28;
	s28 =	simm.s32 $0x8;
	v36 =	vadd.f32 v61, v56;
	v26 =	vmul.f32 v63, v13;
	v41 =	vpop (erf)  }
.LBB2_6:
0x28c: {  	p1 =	slt.u32 s28, $0x7C;
	v42 =	vld [tilespmem:s25+$0xF0];
	v43 =	vand.u32 $0xFFFFFFFC, v15;
	v37 =	vadd.f32 v40, v37;
	v40 =	vmul.f32 v41, v12;
	v15 =	vpop (erf)  }
0x28d: {  	v41 =	vld [tilespmem:s26+$0xF0];
	v34 =	vadd.f32 v36, v34;
	v26 =	vadd.f32 v26, v31;
	v31 =	vmul.f32 v15, v13  }
0x28e: {  	v21 =	vadd.f32 v22, v21;
	v15 =	vbroadcast v14, $0x0;
	v36 =	vld [tilespmem:s25+$0x110];
	v22 =	vadd.f32 v40, v29  }
0x28f: {  	v23 =	vadd.f32 v24, v23;
	v14 =	vbroadcast v16, $0x0;
	v29 =	vld [tilespmem:s26+$0x110];
	v24 =	vadd.f32 v31, v30;
	(xrf2) =	vadd.scan.msk.f32 $0xffff, v34  }
0x290: {  	v34 =	vmul.f32 $1.442695020e+00, v21;
	v21 =	vadd.f32 v26, v37;
	v30 =	vadd.f32 v39, v38;
	v31 =	vld [tilespmem:s25+$0x130]  }
0x291: {  	v23 =	vmul.f32 $1.442695020e+00, v23;
	v26 =	vadd.f32 v35, v33;
	v33 =	vld [tilespmem:s26+$0x130];
	v16 =	vadd.f32 v24, v22  }
0x292: {  	v22 =	vmul.f32 $1.442695020e+00, v30;
	v24 =	vadd.f32 v41, v42;
	v30 =	vld [tilespmem:s25+$0x150];
	(erf) = vpow2.f32 v34  }
0x293: {  	v28 =	vadd.f32 v32, v28;
	v26 =	vmul.f32 $1.442695020e+00, v26;
	v32 =	vld [tilespmem:s26+$0x150];
	(erf) = vpow2.f32 v23  }
0x294: {  	v23 =	vmul.f32 $1.442695020e+00, v24;
	v24 =	vadd.f32 v29, v36;
	v29 =	vld [tilespmem:s25+$0x170];
	(erf) = vpow2.f32 v22  }
0x295: {  	v25 =	vadd.f32 v27, v25;
	v22 =	vmul.f32 $1.442695020e+00, v28;
	v27 =	vld [tilespmem:s26+$0x170];
	(erf) = vpow2.f32 v26  }
0x296: {  	v26 =	vld [tilespmem:s26+$0xFFFFFE60];
	v24 =	vmul.f32 $1.442695020e+00, v24;
	v28 =	vadd.f32 v33, v31;
	(erf) = vpow2.f32 v23  }
0x297: {  	v19 =	vadd.f32 v20, v19;
	v25 =	vmul.f32 $1.442695020e+00, v25;
	v23 =	vld [tilespmem:s25+$0xFFFFFF30];
	(erf) = vpow2.f32 v22  }
0x298: {  	v20 =	vld [tilespmem:s26+$0xFFFFFF30];
	v22 =	vmul.f32 $1.442695020e+00, v28;
	v28 =	vadd.f32 v32, v30;
	(erf) = vpow2.f32 v24  }
0x299: {  	v17 =	vadd.f32 v18, v17;
	v30 =	vmul.f32 $1.442695020e+00, v19;
	v24 =	vld [tilespmem:s25+$0x0];
	(erf) = vpow2.f32 v25;
	v18, _, _ =	vpop (xrf2)  }
0x29a: {  	v25 =	vld [tilespmem:s26+$0x0];
	v31 =	vmul.f32 $1.442695020e+00, v28;
	v27 =	vadd.f32 v27, v29;
	(erf) = vpow2.f32 v22  }
0x29b: {  	v17 =	vmul.f32 $1.442695020e+00, v17;
	v22 =	vld [tilespmem:s25+$0xFFFFFE60];
	(erf) = vpow2.f32 v30;
	v19 =	vpop (erf)  }
0x29c: {  	v29 =	vld [tilespmem:s25+$0xFFFFFE70];
	v27 =	vmul.f32 $1.442695020e+00, v27;
	(erf) = vpow2.f32 v31;
	v28 =	vpop (erf)  }
0x29d: {  	v19 =	vadd.f32 $1.000000000e+00, v19;
	v30 =	vld [tilespmem:s26+$0xFFFFFE70];
	v20 =	vadd.f32 v20, v23;
	v23 =	vpop (erf);
	(erf) = vpow2.f32 v17  }
0x29e: {  	v17 =	vld [tilespmem:s25+$0xFFFFFE80];
	v33 =	vadd.f32 $1.000000000e+00, v23;
	v31 =	vpop (erf);
	(erf) = vpow2.f32 v27;
	v27 =	vbroadcast v43, $0x0  }
0x29f: {  	v32 =	vld [tilespmem:s26+$0xFFFFFE80];
	v24 =	vadd.f32 v25, v24;
	v34 =	vadd.f32 $1.000000000e+00, v31;
	v31 =	vpop (erf);
	(erf) = vrcp.f32 v19  }
0x2a0: {  	v19 =	vadd.f32 v26, v22;
	v22 =	vld [tilespmem:s25+$0xFFFFFF40];
	v35 =	vadd.f32 $1.000000000e+00, v31;
	(erf) = vrcp.f32 v33;
	v23 =	vpop (erf)  }
0x2a1: {  	v20 =	vmul.f32 $1.442695020e+00, v20;
	v31 =	vld [tilespmem:s26+$0xFFFFFF40];
	v36 =	vadd.f32 $1.000000000e+00, v23;
	(erf) = vrcp.f32 v34;
	v25 =	vpop (erf)  }
0x2a2: {  	v19 =	vmul.f32 $1.442695020e+00, v19;
	v33 =	vld [tilespmem:s25+$0xFFFFFF50];
	v37 =	vadd.f32 $1.000000000e+00, v25;
	(erf) = vrcp.f32 v35;
	v26 =	vpop (erf)  }
0x2a3: {  	v24 =	vmul.f32 $1.442695020e+00, v24;
	v34 =	vld [tilespmem:s26+$0xFFFFFF50];
	v35 =	vadd.f32 $1.000000000e+00, v26;
	(erf) = vrcp.f32 v36;
	v23 =	vpop (erf)  }
0x2a4: {  	v29 =	vadd.f32 v30, v29;
	v30 =	vld [tilespmem:s25+$0x10];
	v36 =	vadd.f32 $1.000000000e+00, v23;
	(erf) = vrcp.f32 v37;
	v25 =	vpop (erf);
	[tilespmem:v27+s19+$0x0] =	vst.idx.msk vm0, v18  }
0x2a5: {  	v17 =	vadd.f32 v32, v17;
	v18 =	vld [tilespmem:s26+$0x10];
	v32 =	vadd.f32 $1.000000000e+00, v25;
	(erf) = vrcp.f32 v35;
	v26 =	vpop (erf)  }
0x2a6: {  	v22 =	vadd.f32 v31, v22;
	v27 =	vld [tilespmem:s25+$0x20];
	v37 =	vadd.f32 $1.000000000e+00, v26;
	(erf) = vrcp.f32 v36;
	v23 =	vpop (erf)  }
0x2a7: {  	v29 =	vmul.f32 $1.442695020e+00, v29;
	v31 =	vld [tilespmem:s26+$0x20];
	v23 =	vadd.f32 $1.000000000e+00, v23;
	(erf) = vrcp.f32 v32;
	v25 =	vpop (erf)  }
0x2a8: {  	v32 =	vld [tilespmem:s25+$0xFFFFFE90];
	v33 =	vadd.f32 v34, v33;
	v25 =	vadd.f32 $1.000000000e+00, v25;
	(erf) = vrcp.f32 v37;
	v26 =	vpop (erf)  }
0x2a9: {  	v28 =	vadd.f32 $1.000000000e+00, v28;
	v17 =	vmul.f32 $1.442695020e+00, v17;
	v34 =	vld [tilespmem:s26+$0xFFFFFE90];
	v35 =	vpop (erf);
	(erf) = vrcp.f32 v23  }
0x2aa: {  	v23 =	vld [tilespmem:s25+$0xFFFFFEA0];
	v18 =	vadd.f32 v18, v30;
	v30 =	vmul.f32 v35, v1;
	v35 =	vpop (erf);
	(erf) = vrcp.f32 v25  }
0x2ab: {  	v22 =	vmul.f32 $1.442695020e+00, v22;
	v25 =	vld [tilespmem:s26+$0xFFFFFEA0];
	v36 =	vpop (erf);
	(erf) = vrcp.f32 v28;
	(xrf2) =	vadd.scan.msk.f32 $0xffff, v21  }
0x2ac: {  	v21 =	vld [tilespmem:s25+$0xFFFFFF60];
	v28 =	vadd.f32 $0.0e+00, v30;
	v30 =	vmul.f32 v35, v2;
	v38 =	vmul.f32 v36, v3;
	v36 =	vpop (erf)  }
0x2ad: {  	v27 =	vadd.f32 v31, v27;
	v37 =	vld [tilespmem:s26+$0xFFFFFF60];
	v31 =	vmul.f32 v36, v4;
	(erf) = vpow2.f32 v19;
	v19 =	vpop (erf)  }
0x2ae: {  	v36 =	vld [tilespmem:s25+$0xFFFFFF70];
	v30 =	vadd.f32 $0.0e+00, v30;
	v38 =	vadd.f32 v38, v28;
	v19 =	vmul.f32 v19, v5;
	v35 =	vpop (erf)  }
0x2af: {  	v32 =	vadd.f32 v34, v32;
	v34 =	vld [tilespmem:s26+$0xFFFFFF70];
	v35 =	vmul.f32 v35, v6;
	(erf) = vpow2.f32 v20;
	v20 =	vpop (erf);
	(xrf2) =	vadd.scan.msk.f32 $0xffff, v16  }
0x2b0: {  	v16 =	vld [tilespmem:s25+$0x30];
	v30 =	vadd.f32 v31, v30;
	v19 =	vadd.f32 v19, v38;
	v20 =	vmul.f32 v20, v7;
	v28 =	vpop (erf)  }
0x2b1: {  	v23 =	vadd.f32 v25, v23;
	v25 =	vld [tilespmem:s26+$0x30];
	v28 =	vmul.f32 v28, v8;
	(erf) = vpow2.f32 v24;
	v24 =	vpop (erf)  }
0x2b2: {  	v31 =	vld [tilespmem:s25+$0x40];
	v39 =	vadd.f32 v35, v30;
	v19 =	vadd.f32 v20, v19;
	v20 =	vmul.f32 v24, v9;
	v24 =	vpop (erf)  }
0x2b3: {  	v33 =	vmul.f32 $1.442695020e+00, v33;
	v21 =	vadd.f32 v37, v21;
	v35 =	vld [tilespmem:s26+$0x40];
	v24 =	vmul.f32 v24, v10;
	v37 =	vpop (erf)  }
0x2b4: {  	v38 =	vld [tilespmem:s25+$0xFFFFFEB0];
	v40 =	vadd.f32 v28, v39;
	v19 =	vadd.f32 v20, v19;
	v20 =	vmul.f32 v37, v11;
	v30 =	vpop (erf)  }
0x2b5: {  	v26 =	vmul.f32 v26, v12;
	v18 =	vmul.f32 $1.442695020e+00, v18;
	v34 =	vadd.f32 v34, v36;
	v37 =	vld [tilespmem:s26+$0xFFFFFEB0];
	v36, _, _ =	vpop (xrf2)  }
0x2b6: {  	v39 =	vld [tilespmem:s25+$0xFFFFFEC0];
	v24 =	vadd.f32 v24, v40;
	v19 =	vadd.f32 v20, v19;
	v20 =	vmul.f32 v30, v13;
	v28 =	vpop (erf)  }
0x2b7: {  	v27 =	vmul.f32 $1.442695020e+00, v27;
	v16 =	vadd.f32 v25, v16;
	v30 =	vld [tilespmem:s26+$0xFFFFFEC0];
	(erf) = vpow2.f32 v29;
	[tilespmem:v15+s19+$0x0] =	vst.idx.msk vm0, v36  }
0x2b8: {  	v15 =	vld [tilespmem:s25+$0xFFFFFF80];
	v36 =	vadd.f32 v26, v24;
	v19 =	vadd.f32 v20, v19;
	(erf) = vpow2.f32 v17;
	v17 =	vpop (erf)  }
0x2b9: {  	v20 =	vmul.f32 $1.442695020e+00, v32;
	v26 =	vadd.f32 v35, v31;
	v25 =	vld [tilespmem:s26+$0xFFFFFF80];
	(erf) = vpow2.f32 v22;
	v22, _, _ =	vpop (xrf2)  }
0x2ba: {  	v23 =	vmul.f32 $1.442695020e+00, v23;
	v29 =	vld [tilespmem:s25+$0xFFFFFF90];
	v19 =	vadd.f32 v19, v36;
	(erf) = vpow2.f32 v33;
	v24 =	vpop (erf);
	[tilespmem:v14+s19+$0x0] =	vst.idx.msk vm0, v22  }
0x2bb: {  	v21 =	vmul.f32 $1.442695020e+00, v21;
	v14 =	vadd.f32 v37, v38;
	v22 =	vld [tilespmem:s26+$0xFFFFFF90];
	(erf) = vpow2.f32 v18  }
0x2bc: {  	v18 =	vadd.f32 v30, v39;
	v30 =	vmul.f32 $1.442695020e+00, v34;
	v31 =	vld [tilespmem:s25+$0x50];
	(erf) = vpow2.f32 v27;
	(xrf2) =	vadd.scan.msk.f32 $0xffff, v19  }
0x2bd: {  	v16 =	vmul.f32 $1.442695020e+00, v16;
	v26 =	vmul.f32 $1.442695020e+00, v26;
	v19 =	vadd.f32 $1.000000000e+00, v28;
	v27 =	vld [tilespmem:s26+$0x50]  }
0x2be: {  	v14 =	vmul.f32 $1.442695020e+00, v14;
	v15 =	vadd.f32 v25, v15;
	v25 =	vld [tilespmem:s25+$0x60];
	(erf) = vpow2.f32 v20  }
0x2bf: {  	v17 =	vadd.f32 $1.000000000e+00, v17;
	v18 =	vmul.f32 $1.442695020e+00, v18;
	v20 =	vld [tilespmem:s26+$0x60];
	(erf) = vpow2.f32 v23  }
0x2c0: {  	s29 =	sadd.s32 s23, s24;
	s24 =	smov.u32 s28;
	v23 =	vld [tilespmem:s25+$0xFFFFFED0];
	v15 =	vmul.f32 $1.442695020e+00, v15;
	v22 =	vadd.f32 v22, v29;
	v28 =	vpop (erf);
	(erf) = vpow2.f32 v21  }
0x2c1: {  	s0 =	sadd.s32 $0x1, s29;
	s30 =	sadd.s32 $0x2, s29;
	s1 =	sadd.s32 $0x3, s29;
	v32 =	vadd.f32 $1.000000000e+00, v24;
	v29 =	vadd.f32 $1.000000000e+00, v28;
	v21 =	vld [tilespmem:s26+$0xFFFFFED0];
	v24 =	vpop (erf);
	(erf) = vpow2.f32 v30  }
0x2c2: {  	v30 =	vmov s1;
	v28 =	vld [tilespmem:s25+$0xFFFFFEE0];
	v27 =	vadd.f32 v27, v31;
	v31 =	vpop (erf);
	(erf) = vpow2.f32 v16  }
0x2c3: {  	v33 =	vadd.f32 $1.000000000e+00, v24;
	v22 =	vmul.f32 $1.442695020e+00, v22;
	v16 =	vld [tilespmem:s26+$0xFFFFFEE0];
	v24 =	vpop (erf);
	(erf) = vpow2.f32 v26  }
0x2c4: {  	v26 =	vld [tilespmem:s25+$0xFFFFFFA0];
	v27 =	vmul.f32 $1.442695020e+00, v27;
	v20 =	vadd.f32 v20, v25;
	(erf) = vpow2.f32 v14;
	v14 =	vpop (erf)  }
0x2c5: {  	v25 =	vadd.f32 $1.000000000e+00, v31;
	v31 =	vadd.f32 $1.000000000e+00, v24;
	v24 =	vld [tilespmem:s26+$0xFFFFFFA0];
	(erf) = vpow2.f32 v18;
	v18 =	vpop (erf)  }
0x2c6: {  	v23 =	vadd.f32 v21, v23;
	v34 =	vld [tilespmem:s25+$0xFFFFFFB0];
	v20 =	vmul.f32 $1.442695020e+00, v20;
	(erf) = vpow2.f32 v15;
	v15, _, _ =	vpop (xrf2)  }
0x2c7: {  	v36 =	vadd.f32 $1.000000000e+00, v14;
	v37 =	vadd.f32 $1.000000000e+00, v18;
	v35 =	vld [tilespmem:s26+$0xFFFFFFB0];
	[tilespmem:v30+s19+$0x0] =	vst.idx.msk vm0, v15;
	v14 =	vpop (erf);
	(erf) = vpow2.f32 v22  }
0x2c8: {  	v23 =	vmul.f32 $1.442695020e+00, v23;
	v16 =	vadd.f32 v16, v28;
	v18 =	vld [tilespmem:s25+$0x70];
	v21 =	vpop (erf);
	(erf) = vpow2.f32 v27  }
0x2c9: {  	v30 =	vadd.f32 $1.000000000e+00, v14;
	v28 =	vadd.f32 $1.000000000e+00, v21;
	v14 =	vld [tilespmem:s26+$0x70];
	v21 =	vpop (erf);
	(erf) = vpow2.f32 v20  }
0x2ca: {  	v38 =	vmul.f32 $1.442695020e+00, v16;
	v20 =	vadd.f32 v24, v26;
	v22 =	vld [tilespmem:s25+$0x80];
	(erf) = vpow2.f32 v23;
	v15 =	vpop (erf)  }
0x2cb: {  	v26 =	vadd.f32 $1.000000000e+00, v21;
	v23 =	vadd.f32 $1.000000000e+00, v15;
	v15 =	vld [tilespmem:s26+$0x80];
	(erf) = vrcp.f32 v19;
	v19 =	vpop (erf)  }
0x2cc: {  	v27 =	vld [tilespmem:s25+$0xFFFFFEF0];
	v20 =	vmul.f32 $1.442695020e+00, v20;
	v34 =	vadd.f32 v35, v34;
	(erf) = vpow2.f32 v38;
	v16 =	vpop (erf)  }
0x2cd: {  	v24 =	vadd.f32 $1.000000000e+00, v19;
	v35 =	vld [tilespmem:s26+$0xFFFFFEF0];
	v21 =	vadd.f32 $1.000000000e+00, v16;
	v16 =	vpop (erf);
	(erf) = vrcp.f32 v17  }
0x2ce: {  	v19 =	vld [tilespmem:s25+$0xFFFFFF00];
	v17 =	vmul.f32 $1.442695020e+00, v34;
	v39 =	vadd.f32 v14, v18;
	v18 =	vpop (erf);
	(erf) = vpow2.f32 v20  }
0x2cf: {  	v20 =	vadd.f32 $1.000000000e+00, v16;
	v16 =	vadd.f32 $1.000000000e+00, v18;
	v34 =	vld [tilespmem:s26+$0xFFFFFF00];
	v18 =	vpop (erf);
	(erf) = vrcp.f32 v32  }
0x2d0: {  	v32 =	vld [tilespmem:s25+$0xFFFFFFC0];
	v38 =	vmul.f32 $1.442695020e+00, v39;
	v39 =	vadd.f32 v15, v22;
	v14 =	vpop (erf);
	(erf) = vpow2.f32 v17  }
0x2d1: {  	v17 =	vadd.f32 $1.000000000e+00, v18;
	v14 =	vadd.f32 $1.000000000e+00, v14;
	v22 =	vld [tilespmem:s26+$0xFFFFFFC0];
	(erf) = vrcp.f32 v29;
	v18 =	vpop (erf)  }
0x2d2: {  	v27 =	vadd.f32 v35, v27;
	v29 =	vld [tilespmem:s25+$0xFFFFFFD0];
	v35 =	vmul.f32 $1.442695020e+00, v39;
	v15 =	vpop (erf);
	(erf) = vpow2.f32 v38  }
0x2d3: {  	v18 =	vadd.f32 $1.000000000e+00, v18;
	v38 =	vld [tilespmem:s26+$0xFFFFFFD0];
	v15 =	vadd.f32 $1.000000000e+00, v15;
	(erf) = vrcp.f32 v33;
	v33 =	vpop (erf)  }
0x2d4: {  	v41 =	vmul.f32 $1.442695020e+00, v27;
	v34 =	vadd.f32 v34, v19;
	v39 =	vld [tilespmem:s25+$0x90];
	v19 =	vpop (erf);
	(erf) = vpow2.f32 v35  }
0x2d5: {  	v35 =	vmul.f32 v19, v1;
	v19 =	vadd.f32 $1.000000000e+00, v33;
	v33 =	vld [tilespmem:s26+$0x90];
	v40 =	vpop (erf);
	(erf) = vrcp.f32 v25  }
0x2d6: {  	v25 =	vmul.f32 $1.442695020e+00, v34;
	v32 =	vadd.f32 v22, v32;
	v34 =	vld [tilespmem:s25+$0xA0];
	(erf) = vpow2.f32 v41;
	v27 =	vpop (erf)  }
0x2d7: {  	v22 =	vadd.f32 $1.000000000e+00, v40;
	v40 =	vmul.f32 v27, v1;
	v41 =	vld [tilespmem:s26+$0xA0];
	(erf) = vrcp.f32 v31;
	v27 =	vpop (erf)  }
0x2d8: {  	v31 =	vld [tilespmem:s25+$0xFFFFFF10];
	v32 =	vmul.f32 $1.442695020e+00, v32;
	v29 =	vadd.f32 v38, v29;
	(erf) = vpow2.f32 v25;
	v38 =	vpop (erf)  }
0x2d9: {  	v25 =	vadd.f32 $1.000000000e+00, v27;
	v42 =	vld [tilespmem:s26+$0xFFFFFF10];
	v38 =	vmul.f32 v38, v1;
	v27 =	vpop (erf);
	(erf) = vrcp.f32 v36  }
0x2da: {  	v36 =	vld [tilespmem:s25+$0xFFFFFF20];
	v29 =	vmul.f32 $1.442695020e+00, v29;
	v33 =	vadd.f32 v33, v39;
	v39 =	vpop (erf);
	(erf) = vpow2.f32 v32  }
0x2db: {  	v32 =	vadd.f32 $0.0e+00, v35;
	v27 =	vadd.f32 $1.000000000e+00, v27;
	v35 =	vld [tilespmem:s26+$0xFFFFFF20];
	(erf) = vrcp.f32 v37;
	v37 =	vpop (erf)  }
0x2dc: {  	v43 =	vld [tilespmem:s25+$0xFFFFFFE0];
	v33 =	vmul.f32 $1.442695020e+00, v33;
	v34 =	vadd.f32 v41, v34;
	v41 =	vpop (erf);
	(erf) = vpow2.f32 v29  }
0x2dd: {  	v29 =	vadd.f32 $0.0e+00, v40;
	v37 =	vadd.f32 $1.000000000e+00, v37;
	v40 =	vld [tilespmem:s26+$0xFFFFFFE0];
	(erf) = vrcp.f32 v30;
	v30 =	vpop (erf)  }
0x2de: {  	v31 =	vadd.f32 v42, v31;
	v42 =	vld [tilespmem:s25+$0xFFFFFFF0];
	v34 =	vmul.f32 $1.442695020e+00, v34;
	v44 =	vpop (erf);
	(erf) = vpow2.f32 v33  }
0x2df: {  	v38 =	vadd.f32 $0.0e+00, v38;
	v30 =	vadd.f32 $1.000000000e+00, v30;
	v33 =	vld [tilespmem:s26+$0xFFFFFFF0];
	(erf) = vrcp.f32 v28;
	v28 =	vpop (erf)  }
0x2e0: {  	v47 =	vmul.f32 $1.442695020e+00, v31;
	v35 =	vadd.f32 v35, v36;
	v36 =	vld [tilespmem:s25+$0xB0];
	v45 =	vpop (erf);
	(erf) = vpow2.f32 v34  }
0x2e1: {  	v34 =	vmul.f32 v39, v2;
	v28 =	vadd.f32 $1.000000000e+00, v28;
	v39 =	vld [tilespmem:s26+$0xB0];
	v46 =	vpop (erf);
	(erf) = vrcp.f32 v26  }
0x2e2: {  	v48 =	vmul.f32 $1.442695020e+00, v35;
	v35 =	vadd.f32 v40, v43;
	v40 =	vld [tilespmem:s25+$0xC0];
	(erf) = vpow2.f32 v47;
	v31 =	vpop (erf)  }
0x2e3: {  	v41 =	vmul.f32 v41, v3;
	v43 =	vadd.f32 $1.000000000e+00, v46;
	v46 =	vld [tilespmem:s26+$0xC0];
	(erf) = vrcp.f32 v23;
	v23 =	vpop (erf)  }
0x2e4: {  	v35 =	vmul.f32 $1.442695020e+00, v35;
	v33 =	vadd.f32 v33, v42;
	(erf) = vpow2.f32 v48;
	v26 =	vpop (erf)  }
0x2e5: {  	v42 =	vmul.f32 v44, v2;
	v23 =	vadd.f32 $1.000000000e+00, v23;
	v44 =	vpop (erf);
	(erf) = vrcp.f32 v24  }
0x2e6: {  	v24 =	vmul.f32 $1.442695020e+00, v33;
	v33 =	vadd.f32 v39, v36;
	v36 =	vpop (erf);
	(erf) = vpow2.f32 v35  }
0x2e7: {  	v35 =	vmul.f32 v45, v3;
	v39 =	vadd.f32 $1.000000000e+00, v44;
	(erf) = vrcp.f32 v21;
	v21 =	vpop (erf)  }
0x2e8: {  	v33 =	vmul.f32 $1.442695020e+00, v33;
	v45 =	vadd.f32 v46, v40;
	v44 =	vpop (erf);
	(erf) = vpow2.f32 v24  }
0x2e9: {  	v24 =	vmul.f32 v31, v2;
	v31 =	vadd.f32 $1.000000000e+00, v21;
	(erf) = vrcp.f32 v20;
	v20 =	vpop (erf)  }
0x2ea: {  	v20 =	vadd.f32 $1.000000000e+00, v20;
	v21 =	vmul.f32 $1.442695020e+00, v45;
	v40 =	vpop (erf);
	(erf) = vpow2.f32 v33  }
0x2eb: {  	v32 =	vadd.f32 v41, v32;
	v26 =	vmul.f32 v26, v3;
	(erf) = vrcp.f32 v16;
	v16 =	vpop (erf)  }
0x2ec: {  	v29 =	vadd.f32 v35, v29;
	v16 =	vadd.f32 $1.000000000e+00, v16;
	v33 =	vpop (erf);
	(erf) = vpow2.f32 v21  }
0x2ed: {  	v26 =	vadd.f32 v26, v38;
	v21 =	vadd.f32 $0.0e+00, v34;
	v34 =	vpop (erf);
	(erf) = vrcp.f32 v17  }
0x2ee: {  	v17 =	vadd.f32 $1.000000000e+00, v34;
	v34 =	vadd.f32 $0.0e+00, v42;
	(erf) = vrcp.f32 v14;
	v14 =	vpop (erf)  }
0x2ef: {  	v41 =	vmul.f32 v36, v4;
	v24 =	vadd.f32 $0.0e+00, v24;
	v36 =	vpop (erf);
	(erf) = vrcp.f32 v18  }
0x2f0: {  	v18 =	vmul.f32 v44, v5;
	v36 =	vadd.f32 $1.000000000e+00, v36;
	v38 =	vpop (erf);
	(erf) = vrcp.f32 v15  }
0x2f1: {  	v15 =	vadd.f32 v41, v21;
	v21 =	vmul.f32 v40, v4;
	(erf) = vrcp.f32 v19;
	v19 =	vpop (erf)  }
0x2f2: {  	v33 =	vmul.f32 v33, v5;
	v19 =	vadd.f32 $1.000000000e+00, v19;
	v35 =	vpop (erf);
	(erf) = vrcp.f32 v22  }
0x2f3: {  	v14 =	vmul.f32 v14, v4;
	v18 =	vadd.f32 v18, v32;
	(erf) = vrcp.f32 v25;
	v22 =	vpop (erf)  }
0x2f4: {  	v25 =	vmul.f32 v38, v5;
	v32 =	vadd.f32 $1.000000000e+00, v22;
	v22 =	vpop (erf);
	(erf) = vrcp.f32 v27  }
0x2f5: {  	v29 =	vadd.f32 v33, v29;
	v27 =	vadd.f32 v21, v34;
	(erf) = vrcp.f32 v37;
	v21 =	vpop (erf)  }
0x2f6: {  	v25 =	vadd.f32 v25, v26;
	v26 =	vadd.f32 $1.000000000e+00, v21;
	v21 =	vpop (erf);
	(erf) = vrcp.f32 v30  }
0x2f7: {  	v14 =	vadd.f32 v14, v24;
	v30 =	vmul.f32 v35, v6;
	(erf) = vrcp.f32 v28;
	v24 =	vpop (erf)  }
0x2f8: {  	v41 =	vmov s0;
	v22 =	vmul.f32 v22, v7;
	(erf) = vrcp.f32 v43;
	v28 =	vpop (erf)  }
0x2f9: {  	v34 =	vmul.f32 v21, v6;
	v15 =	vadd.f32 v30, v15;
	(erf) = vrcp.f32 v23;
	v23 =	vpop (erf)  }
0x2fa: {  	s25 =	sadd.s32 $0x340, s25;
	v33 =	vadd.f32 v22, v18;
	v18 =	vmul.f32 v24, v7;
	v24 =	vpop (erf);
	(erf) = vrcp.f32 v39  }
0x2fb: {  	s26 =	sadd.s32 $0x340, s26;
	v27 =	vadd.f32 v34, v27;
	v28 =	vmul.f32 v28, v6;
	v21 =	vld [tilespmem:s25+$0x180];
	v30 =	vpop (erf);
	(erf) = vrcp.f32 v31  }
0x2fc: {  	v29 =	vadd.f32 v18, v29;
	v18 =	vmul.f32 v23, v7;
	v22 =	vld [tilespmem:s26+$0x180];
	v31 =	vpop (erf);
	(erf) = vrcp.f32 v20  }
0x2fd: {  	v14 =	vadd.f32 v28, v14;
	v20 =	vmul.f32 v24, v8;
	v23 =	vld [tilespmem:s25+$0x190];
	(erf) = vrcp.f32 v16;
	v16 =	vpop (erf)  }
0x2fe: {  	v34 =	vmul.f32 v30, v9;
	v30 =	vadd.f32 v18, v25;
	v24 =	vld [tilespmem:s26+$0x190];
	(erf) = vrcp.f32 v17;
	v25 =	vpop (erf)  }
0x2ff: {  	v15 =	vadd.f32 v20, v15;
	v20 =	vmul.f32 v31, v8;
	v17 =	vld [tilespmem:s25+$0x160];
	(erf) = vrcp.f32 v36;
	v31 =	vpop (erf)  }
0x300: {  	v33 =	vadd.f32 v34, v33;
	v16 =	vmul.f32 v16, v9;
	v18 =	vld [tilespmem:s26+$0x160];
	v28 =	vpop (erf);
	(erf) = vrcp.f32 v19  }
0x301: {  	v34 =	vadd.f32 v20, v27;
	v27 =	vmul.f32 v25, v8;
	v19 =	vld [tilespmem:s25+$0x140];
	v35 =	vpop (erf);
	(erf) = vrcp.f32 v32  }
0x302: {  	v16 =	vadd.f32 v16, v29;
	v36 =	vmul.f32 v31, v9;
	v20 =	vld [tilespmem:s26+$0x140];
	v31 =	vpop (erf);
	(erf) = vrcp.f32 v26  }
0x303: {  	v26 =	vmul.f32 v28, v10;
	v32 =	vmul.f32 v35, v11;
	v14 =	vadd.f32 v27, v14;
	v25 =	vld [tilespmem:s25+$0x120];
	v28 =	vpop (erf)  }
0x304: {  	v30 =	vadd.f32 v36, v30;
	v31 =	vmul.f32 v31, v10;
	v27 =	vld [tilespmem:s26+$0x120];
	v35 =	vmul.f32 v28, v11;
	v29 =	vpop (erf)  }
0x305: {  	v26 =	vadd.f32 v26, v15;
	v36 =	vadd.f32 v32, v33;
	v28 =	vld [tilespmem:s25+$0x100];
	v15 =	vmul.f32 v29, v10;
	v29 =	vpop (erf)  }
.Ltmp1:
0x306: {  	v37 =	vadd.f32 v31, v34;
	v32 =	vld [tilespmem:s26+$0x100];
	v31 =	vadd.f32 v35, v16;
	v39 =	vmul.f32 v29, v11;
	v29 =	vpop (erf);
	(pc) =	sbr.rel @p1 .LBB2_6-.Ltmp1, $4  }
0x307: {  	v42 =	vmov s30;
	v33 =	vld [tilespmem:s25+$0xE0];
	v34 =	vmul.f32 v29, v12;
	v29 =	vadd.f32 v15, v14;
	v14 =	vpop (erf)  }
0x308: {  	v15 =	vmov s29;
	v35 =	vld [tilespmem:s26+$0xE0];
	v43 =	vmul.f32 v14, v13;
	v30 =	vadd.f32 v39, v30;
	v14 =	vpop (erf)  }
0x309: {  	v38 =	vld [tilespmem:s25+$0xD0];
	v34 =	vadd.f32 v34, v26;
	v40 =	vmul.f32 v14, v12;
	v14 =	vand.u32 $0xFFFFFFFD, v41;
	v16 =	vpop (erf)  }
0x30a: {  	s28 =	sadd.s32 $0x4, s28;
	v39 =	vld [tilespmem:s26+$0xD0];
	v36 =	vadd.f32 v43, v36;
	v26 =	vmul.f32 v16, v13;
	v16 =	vand.u32 $0xFFFFFFFE, v42;
	v41 =	vpop (erf)  }
0x30b: {  	v42 =	vld [tilespmem:s25+$0xF0]  }
0x30c: {  	v43 =	vld [tilespmem:s26+$0xF0]  }
0x30d: {  	v44 =	vld [tilespmem:s25+$0x110]  }
0x30e: {  	v45 =	vld [tilespmem:s26+$0x110]  }
0x30f: {  	v46 =	vld [tilespmem:s25+$0x130]  }
0x310: {  	v47 =	vld [tilespmem:s26+$0x130]  }
0x311: {  	v48 =	vld [tilespmem:s25+$0x150]  }
0x312: {  	v49 =	vld [tilespmem:s26+$0x150]  }
0x313: {  	v50 =	vld [tilespmem:s25+$0x170]  }
0x314: {  	v51 =	vld [tilespmem:s26+$0x170];
	v21 =	vadd.f32 v22, v21  }
0x315: {  	v22 =	vld [tilespmem:s26+$0xFFFFFE60];
	v23 =	vadd.f32 v24, v23;
	v28 =	vadd.f32 v32, v28  }
0x316: {  	v24 =	vld [tilespmem:s25+$0xFFFFFF30];
	v25 =	vadd.f32 v27, v25;
	v19 =	vadd.f32 v20, v19  }
0x317: {  	v61 =	vmul.f32 v41, v12;
	v27 =	vld [tilespmem:s26+$0xFFFFFE70];
	v18 =	vadd.f32 v18, v17;
	v17 =	vadd.f32 v36, v34  }
0x318: {  	v32 =	vld [tilespmem:s25+$0xFFFFFE80];
	v26 =	vadd.f32 v26, v31;
	v21 =	vmul.f32 $1.442695020e+00, v21;
	v23 =	vmul.f32 $1.442695020e+00, v23  }
0x319: {  	v20 =	vld [tilespmem:s26+$0xFFFFFE80];
	v28 =	vmul.f32 $1.442695020e+00, v28;
	v25 =	vmul.f32 $1.442695020e+00, v25;
	v38 =	vadd.f32 v39, v38  }
0x31a: {  	v34 =	vld [tilespmem:s26+$0xFFFFFF50];
	v33 =	vadd.f32 v35, v33;
	v19 =	vmul.f32 $1.442695020e+00, v19;
	v18 =	vmul.f32 $1.442695020e+00, v18  }
0x31b: {  	v31 =	vld [tilespmem:s25+$0x20];
	(erf) = vpow2.f32 v21;
	v62 =	vadd.f32 v43, v42;
	v38 =	vmul.f32 $1.442695020e+00, v38  }
0x31c: {  	v37 =	vadd.f32 v40, v37;
	v35 =	vld [tilespmem:s25+$0x0];
	v33 =	vmul.f32 $1.442695020e+00, v33;
	(erf) = vpow2.f32 v23  }
0x31d: {  	v39 =	vld [tilespmem:s26+$0xFFFFFF30];
	v44 =	vadd.f32 v45, v44;
	v63 =	vmul.f32 $1.442695020e+00, v62;
	(erf) = vpow2.f32 v38  }
0x31e: {  	v29 =	vadd.f32 v61, v29;
	v21 =	vld [tilespmem:s26+$0x0];
	v46 =	vadd.f32 v47, v46;
	(erf) = vpow2.f32 v33  }
0x31f: {  	v23 =	vld [tilespmem:s25+$0xFFFFFE60];
	v48 =	vadd.f32 v49, v48;
	v49 =	vpop (erf);
	v45 =	vmul.f32 $1.442695020e+00, v44;
	(erf) = vpow2.f32 v63  }
0x320: {  	v51 =	vadd.f32 v51, v50;
	v42 =	vmul.f32 v49, v13;
	v44 =	vld [tilespmem:s26+$0x10];
	(erf) = vpow2.f32 v28  }
0x321: {  	v32 =	vadd.f32 v20, v32;
	v47 =	vmul.f32 $1.442695020e+00, v46;
	v38 =	vld [tilespmem:s25+$0xFFFFFE70];
	(erf) = vpow2.f32 v45  }
0x322: {  	v41 =	vmul.f32 $1.442695020e+00, v48;
	v30 =	vadd.f32 v42, v30;
	v42 =	vld [tilespmem:s25+$0xFFFFFF60];
	(erf) = vpow2.f32 v25  }
0x323: {  	v53 =	vmul.f32 $1.442695020e+00, v51;
	v33 =	vld [tilespmem:s25+$0xFFFFFF40];
	v24 =	vadd.f32 v39, v24;
	(erf) = vpow2.f32 v47  }
0x324: {  	v32 =	vmul.f32 $1.442695020e+00, v32;
	v21 =	vadd.f32 v21, v35;
	v39 =	vld [tilespmem:s25+$0xFFFFFEA0];
	v52 =	vpop (erf);
	(erf) = vpow2.f32 v19  }
0x325: {  	v63 =	vld [tilespmem:s26+$0xFFFFFE90];
	v22 =	vadd.f32 v22, v23;
	v24 =	vmul.f32 $1.442695020e+00, v24;
	v54 =	vpop (erf);
	(erf) = vpow2.f32 v41  }
0x326: {  	v28 =	vld [tilespmem:s25+$0xFFFFFF50];
	v21 =	vmul.f32 $1.442695020e+00, v21;
	v19 =	vadd.f32 $1.000000000e+00, v52;
	v55 =	vpop (erf);
	(erf) = vpow2.f32 v18  }
0x327: {  	v45 =	vld [tilespmem:s26+$0x20];
	v27 =	vadd.f32 v27, v38;
	v56 =	vadd.f32 $1.000000000e+00, v55;
	v57 =	vpop (erf);
	(erf) = vpow2.f32 v53  }
0x328: {  	v22 =	vmul.f32 $1.442695020e+00, v22;
	v25 =	vld [tilespmem:s26+$0xFFFFFF40];
	v58 =	vadd.f32 $1.000000000e+00, v57;
	v59 =	vpop (erf);
	(erf) = vrcp.f32 v19  }
0x329: {  	v38 =	vld [tilespmem:s25+$0xFFFFFF70];
	v27 =	vmul.f32 $1.442695020e+00, v27;
	v60 =	vadd.f32 $1.000000000e+00, v59;
	(erf) = vrcp.f32 v56;
	v61 =	vpop (erf)  }
0x32a: {  	v41 =	vld [tilespmem:s25+$0x10];
	v18 =	vadd.f32 v26, v37;
	v26 =	vadd.f32 $1.000000000e+00, v61;
	(erf) = vrcp.f32 v58;
	v62 =	vpop (erf)  }
0x32b: {  	v28 =	vadd.f32 v34, v28;
	v37 =	vld [tilespmem:s25+$0xFFFFFE90];
	v43 =	vadd.f32 $1.000000000e+00, v62;
	(erf) = vrcp.f32 v60;
	v46 =	vpop (erf)  }
0x32c: {  	v31 =	vadd.f32 v45, v31;
	v19 =	vadd.f32 $1.000000000e+00, v46;
	(erf) = vrcp.f32 v26;
	v47 =	vpop (erf);
	v26 =	vld [tilespmem:s26+$0xFFFFFEA0]  }
0x32d: {  	v25 =	vadd.f32 v25, v33;
	v46 =	vld [tilespmem:s26+$0xFFFFFF70];
	v23 =	vadd.f32 $1.000000000e+00, v47;
	(erf) = vrcp.f32 v43;
	v48 =	vpop (erf)  }
0x32e: {  	v33 =	vld [tilespmem:s25+$0x30];
	v28 =	vmul.f32 $1.442695020e+00, v28;
	v35 =	vadd.f32 $1.000000000e+00, v48;
	(erf) = vrcp.f32 v19;
	v49 =	vpop (erf)  }
0x32f: {  	v31 =	vmul.f32 $1.442695020e+00, v31;
	v47 =	vld [tilespmem:s26+$0x30];
	(erf) = vrcp.f32 v23;
	v50 =	vpop (erf);
	v19 =	vadd.f32 $1.000000000e+00, v49  }
0x330: {  	v45 =	vld [tilespmem:s26+$0xFFFFFEC0];
	v25 =	vmul.f32 $1.442695020e+00, v25;
	(erf) = vrcp.f32 v35;
	v51 =	vpop (erf);
	v23 =	vadd.f32 $1.000000000e+00, v50  }
0x331: {  	v56 =	vld [tilespmem:s26+$0x40];
	v20 =	vpop (erf);
	v35 =	vadd.f32 $1.000000000e+00, v51;
	(erf) = vrcp.f32 v19;
	v26 =	vadd.f32 v26, v39  }
0x332: {  	v49 =	vld [tilespmem:s25+$0x40];
	v38 =	vadd.f32 v46, v38;
	v52 =	vpop (erf);
	(erf) = vrcp.f32 v23;
	v20 =	vmul.f32 v20, v12  }
0x333: {  	v36 =	vadd.f32 $1.000000000e+00, v54;
	v43 =	vld [tilespmem:s26+$0xFFFFFF60];
	v53 =	vmul.f32 v52, v1;
	(erf) = vrcp.f32 v35  }
0x334: {  	v50 =	vld [tilespmem:s25+$0xFFFFFEC0];
	v33 =	vadd.f32 v47, v33;
	v54 =	vpop (erf);
	v26 =	vmul.f32 $1.442695020e+00, v26;
	v38 =	vmul.f32 $1.442695020e+00, v38  }
0x335: {  	v41 =	vadd.f32 v44, v41;
	v48 =	vld [tilespmem:s26+$0xFFFFFEB0];
	v55 =	vpop (erf);
	(erf) = vrcp.f32 v36;
	v57 =	vmul.f32 v54, v2  }
0x336: {  	v19 =	vadd.f32 v30, v29;
	v51 =	vld [tilespmem:s25+$0xFFFFFF90];
	v33 =	vmul.f32 $1.442695020e+00, v33;
	v58 =	vpop (erf);
	v29 =	vmul.f32 v55, v3  }
0x337: {  	v52 =	vld [tilespmem:s25+$0xFFFFFF80];
	v30 =	vadd.f32 v56, v49;
	v35 =	vmul.f32 v58, v4;
	v59 =	vpop (erf);
	(erf) = vpow2.f32 v22  }
0x338: {  	v36 =	vld [tilespmem:s25+$0xFFFFFEB0];
	v34 =	vadd.f32 $0.0e+00, v57;
	v57 =	vmul.f32 $1.442695020e+00, v41;
	(erf) = vpow2.f32 v24  }
0x339: {  	v54 =	vld [tilespmem:s26+$0x60];
	v45 =	vadd.f32 v45, v50;
	v30 =	vmul.f32 $1.442695020e+00, v30;
	(erf) = vpow2.f32 v21  }
0x33a: {  	v23 =	vadd.f32 $0.0e+00, v53;
	v55 =	vld [tilespmem:s25+$0xFFFFFED0];
	v22 =	vmul.f32 v59, v5;
	(erf) = vpow2.f32 v27  }
0x33b: {  	v63 =	vadd.f32 v63, v37;
	v58 =	vld [tilespmem:s26+$0xFFFFFF90];
	v60 =	vpop (erf);
	v45 =	vmul.f32 $1.442695020e+00, v45;
	(erf) = vpow2.f32 v32  }
0x33c: {  	v23 =	vadd.f32 v29, v23;
	v44 =	vmul.f32 v60, v6;
	v61 =	vpop (erf);
	v60 =	vld [tilespmem:s26+$0x50];
	(erf) = vpow2.f32 v25  }
0x33d: {  	v59 =	vadd.f32 v43, v42;
	v21 =	vmul.f32 $1.442695020e+00, v63;
	v63 =	vld [tilespmem:s25+$0xFFFFFEE0];
	v62 =	vpop (erf);
	(erf) = vpow2.f32 v28  }
0x33e: {  	v34 =	vadd.f32 v35, v34;
	v24 =	vmul.f32 v61, v7;
	v27 =	vld [tilespmem:s26+$0xFFFFFF80];
	v37 =	vpop (erf);
	(erf) = vpow2.f32 v57  }
0x33f: {  	v61 =	vld [tilespmem:s25+$0x60];
	v39 =	vmul.f32 $1.442695020e+00, v59;
	v36 =	vadd.f32 v48, v36;
	v40 =	vpop (erf);
	(erf) = vpow2.f32 v31  }
0x340: {  	v59 =	vld [tilespmem:s26+$0xFFFFFFA0];
	v22 =	vadd.f32 v22, v23;
	v29 =	vmul.f32 v62, v8;
	v41 =	vpop (erf);
	(erf) = vpow2.f32 v21  }
0x341: {  	v34 =	vadd.f32 v44, v34;
	v36 =	vmul.f32 $1.442695020e+00, v36;
	v28 =	vld [tilespmem:s25+$0x50];
	v21 =	vpop (erf);
	(erf) = vpow2.f32 v26  }
0x342: {  	v62 =	vld [tilespmem:s26+$0xFFFFFED0];
	v25 =	vadd.f32 v58, v51;
	v22 =	vadd.f32 v24, v22;
	v56 =	vpop (erf);
	(erf) = vpow2.f32 v39  }
0x343: {  	v58 =	vld [tilespmem:s25+$0xFFFFFFA0];
	v37 =	vmul.f32 v37, v9;
	v27 =	vadd.f32 v27, v52;
	v46 =	vpop (erf);
	(erf) = vpow2.f32 v38  }
0x344: {  	v57 =	vld [tilespmem:s26+$0xFFFFFEE0];
	v25 =	vmul.f32 $1.442695020e+00, v25;
	v31 =	vadd.f32 v54, v61;
	v53 =	vpop (erf);
	(erf) = vpow2.f32 v33  }
0x345: {  	v29 =	vadd.f32 v29, v34;
	v61 =	vld [tilespmem:s26+$0xFFFFFFB0];
	v27 =	vmul.f32 $1.442695020e+00, v27;
	v32 =	vpop (erf);
	(erf) = vpow2.f32 v30  }
0x346: {  	v54 =	vld [tilespmem:s26+$0x70];
	v31 =	vmul.f32 $1.442695020e+00, v31;
	v28 =	vadd.f32 v60, v28;
	v48 =	vpop (erf);
	(erf) = vpow2.f32 v36  }
0x347: {  	v26 =	vadd.f32 v62, v55;
	v62 =	vld [tilespmem:s25+$0x70];
	v21 =	vmul.f32 v21, v13;
	v36 =	vpop (erf);
	(erf) = vpow2.f32 v45  }
0x348: {  	v22 =	vadd.f32 v37, v22;
	v60 =	vld [tilespmem:s25+$0xFFFFFFB0];
	v28 =	vmul.f32 $1.442695020e+00, v28;
	v45 =	vpop (erf);
	(erf) = vpow2.f32 v27  }
0x349: {  	v55 =	vadd.f32 $1.000000000e+00, v56;
	v56 =	vld [tilespmem:s25+$0x80];
	v26 =	vmul.f32 $1.442695020e+00, v26;
	v23 =	vpop (erf);
	(erf) = vpow2.f32 v25  }
0x34a: {  	v33 =	vadd.f32 v57, v63;
	v57 =	vld [tilespmem:s26+$0x80];
	v52 =	vadd.f32 $1.000000000e+00, v53;
	v39 =	vpop (erf);
	(erf) = vpow2.f32 v28  }
0x34b: {  	v63 =	vld [tilespmem:s26+$0xFFFFFEF0];
	v30 =	vadd.f32 v59, v58;
	v58 =	vadd.f32 $1.000000000e+00, v46;
	v43 =	vpop (erf);
	(erf) = vpow2.f32 v31  }
0x34c: {  	v53 =	vld [tilespmem:s25+$0xFFFFFF00];
	v32 =	vadd.f32 $1.000000000e+00, v32;
	v33 =	vmul.f32 $1.442695020e+00, v33;
	v44 =	vpop (erf);
	(erf) = vpow2.f32 v26  }
0x34d: {  	v59 =	vld [tilespmem:s25+$0xFFFFFEF0];
	v30 =	vmul.f32 $1.442695020e+00, v30;
	v27 =	vadd.f32 v61, v60;
	v35 =	vpop (erf);
	(erf) = vrcp.f32 v55  }
0x34e: {  	v36 =	vadd.f32 $1.000000000e+00, v36;
	v25 =	vadd.f32 v54, v62;
	v54 =	vld [tilespmem:s26+$0xFFFFFF00];
	v46 =	vpop (erf);
	(erf) = vpow2.f32 v33  }
0x34f: {  	v61 =	vadd.f32 $1.000000000e+00, v48;
	v27 =	vmul.f32 $1.442695020e+00, v27;
	v47 =	vpop (erf);
	(erf) = vrcp.f32 v58  }
0x350: {  	v60 =	vld [tilespmem:s26+$0xFFFFFFC0];
	v23 =	vadd.f32 $1.000000000e+00, v23;
	v25 =	vmul.f32 $1.442695020e+00, v25;
	v49 =	vpop (erf);
	(erf) = vpow2.f32 v30  }
0x351: {  	v62 =	vld [tilespmem:s25+$0xFFFFFFD0];
	v26 =	vadd.f32 v57, v56;
	v30 =	vmul.f32 v40, v10;
	v40 =	vpop (erf);
	(erf) = vrcp.f32 v52  }
0x352: {  	v57 =	vmul.f32 v41, v11;
	v55 =	vld [tilespmem:s25+$0xFFFFFFC0];
	v33 =	vadd.f32 v63, v59;
	v50 =	vpop (erf);
	(erf) = vpow2.f32 v27  }
0x353: {  	v26 =	vmul.f32 $1.442695020e+00, v26;
	v63 =	vld [tilespmem:s26+$0xFFFFFFD0];
	v24 =	vadd.f32 v54, v53;
	v34 =	vpop (erf);
	(erf) = vrcp.f32 v32  }
0x354: {  	v31 =	vld [tilespmem:s25+$0x90];
	v22 =	vadd.f32 v57, v22;
	v33 =	vmul.f32 $1.442695020e+00, v33;
	v48 =	vpop (erf);
	(erf) = vpow2.f32 v25  }
0x355: {  	v56 =	vld [tilespmem:s26+$0x90];
	v58 =	vadd.f32 $1.000000000e+00, v45;
	v24 =	vmul.f32 $1.442695020e+00, v24;
	v37 =	vpop (erf);
	(erf) = vrcp.f32 v61  }
0x356: {  	v59 =	vld [tilespmem:s25+$0xA0];
	v21 =	vadd.f32 v21, v22;
	v40 =	vadd.f32 $1.000000000e+00, v40;
	v38 =	vpop (erf);
	(erf) = vpow2.f32 v26  }
0x357: {  	v27 =	vadd.f32 v60, v55;
	v60 =	vld [tilespmem:s26+$0xA0];
	v29 =	vadd.f32 v30, v29;
	v45 =	vpop (erf);
	(erf) = vrcp.f32 v36  }
0x358: {  	v55 =	vadd.f32 $1.000000000e+00, v43;
	v25 =	vadd.f32 v63, v62;
	v62 =	vld [tilespmem:s26+$0xFFFFFF10];
	v51 =	vpop (erf);
	(erf) = vpow2.f32 v33  }
0x359: {  	v27 =	vmul.f32 $1.442695020e+00, v27;
	v63 =	vadd.f32 $1.000000000e+00, v39;
	v61 =	vld [tilespmem:s25+$0xFFFFFF10];
	v42 =	vpop (erf);
	(erf) = vrcp.f32 v58  }
0x35a: {  	v20 =	vadd.f32 v20, v29;
	v37 =	vadd.f32 $1.000000000e+00, v37;
	v52 =	vpop (erf);
	(erf) = vpow2.f32 v24  }
0x35b: {  	v25 =	vmul.f32 $1.442695020e+00, v25;
	v26 =	vadd.f32 v56, v31;
	v32 =	vpop (erf);
	(erf) = vrcp.f32 v23  }
0x35c: {  	v53 =	vld [tilespmem:s25+$0xFFFFFF20];
	v20 =	vadd.f32 v21, v20;
	v38 =	vadd.f32 $1.000000000e+00, v38;
	v39 =	vpop (erf);
	(erf) = vpow2.f32 v27  }
0x35d: {  	v54 =	vld [tilespmem:s26+$0xFFFFFF20];
	v45 =	vadd.f32 $1.000000000e+00, v45;
	v33 =	vadd.f32 v60, v59;
	v31 =	vpop (erf);
	(erf) = vrcp.f32 v63  }
0x35e: {  	v26 =	vmul.f32 $1.442695020e+00, v26;
	v24 =	vadd.f32 v62, v61;
	v43 =	vpop (erf);
	(erf) = vpow2.f32 v25  }
0x35f: {  	v57 =	vld [tilespmem:s26+$0xFFFFFFE0];
	v58 =	vadd.f32 $1.000000000e+00, v44;
	v33 =	vmul.f32 $1.442695020e+00, v33;
	v44 =	vpop (erf);
	(erf) = vrcp.f32 v55  }
0x360: {  	v56 =	vld [tilespmem:s25+$0xFFFFFFE0];
	v42 =	vadd.f32 $1.000000000e+00, v42;
	v24 =	vmul.f32 $1.442695020e+00, v24;
	v41 =	vpop (erf);
	(erf) = vpow2.f32 v26  }
0x361: {  	v59 =	vld [tilespmem:s25+$0xFFFFFFF0];
	v61 =	vadd.f32 $1.000000000e+00, v35;
	v52 =	vmul.f32 v52, v1;
	v35 =	vpop (erf);
	(erf) = vrcp.f32 v58  }
0x362: {  	v60 =	vld [tilespmem:s26+$0xFFFFFFF0];
	v23 =	vadd.f32 v54, v53;
	v53 =	vadd.f32 $1.000000000e+00, v46;
	v27 =	vpop (erf);
	(erf) = vpow2.f32 v33  }
0x363: {  	v54 =	vadd.f32 $1.000000000e+00, v47;
	v32 =	vadd.f32 $1.000000000e+00, v32;
	v29 =	vpop (erf);
	(erf) = vrcp.f32 v61  }
0x364: {  	v62 =	vld [tilespmem:s25+$0xB0];
	v39 =	vmul.f32 v39, v1;
	v31 =	vadd.f32 $1.000000000e+00, v31;
	(erf) = vpow2.f32 v24;
	v24 =	vpop (erf)  }
0x365: {  	v63 =	vld [tilespmem:s26+$0xB0];
	v23 =	vmul.f32 $1.442695020e+00, v23;
	v25 =	vadd.f32 v57, v56;
	v57 =	vadd.f32 $1.000000000e+00, v49;
	v30 =	vpop (erf)  }
0x366: {  	v56 =	vld [tilespmem:s26+$0xC0];
	v39 =	vadd.f32 $0.0e+00, v39;
	v43 =	vmul.f32 v43, v2;
	v44 =	vadd.f32 $1.000000000e+00, v44;
	v28 =	vpop (erf)  }
0x367: {  	v55 =	vld [tilespmem:s25+$0xC0];
	v26 =	vadd.f32 v60, v59;
	v25 =	vmul.f32 $1.442695020e+00, v25;
	(erf) = vrcp.f32 v53;
	v36 =	vpop (erf)  }
0x368: {  	v60 =	vadd.f32 $1.000000000e+00, v34;
	v41 =	vmul.f32 v41, v3;
	(erf) = vpow2.f32 v23;
	v59 =	vpop (erf)  }
0x369: {  	v58 =	vadd.f32 $1.000000000e+00, v50;
	v26 =	vmul.f32 $1.442695020e+00, v26;
	(erf) = vrcp.f32 v54;
	v23 =	vpop (erf)  }
0x36a: {  	v33 =	vadd.f32 v63, v62;
	v62 =	vmul.f32 v51, v1;
	(erf) = vpow2.f32 v25;
	v63 =	vpop (erf)  }
0x36b: {  	v35 =	vadd.f32 $1.000000000e+00, v35;
	v27 =	vmul.f32 v27, v2;
	(erf) = vrcp.f32 v57;
	v53 =	vpop (erf)  }
0x36c: {  	v22 =	vadd.f32 v56, v55;
	v33 =	vmul.f32 $1.442695020e+00, v33;
	(erf) = vpow2.f32 v26;
	v54 =	vpop (erf)  }
0x36d: {  	v61 =	vadd.f32 $1.000000000e+00, v48;
	v48 =	vadd.f32 $0.0e+00, v52;
	(erf) = vrcp.f32 v40;
	v55 =	vpop (erf)  }
0x36e: {  	v29 =	vadd.f32 $1.000000000e+00, v29;
	v22 =	vmul.f32 $1.442695020e+00, v22;
	(erf) = vpow2.f32 v33;
	v56 =	vpop (erf)  }
0x36f: {  	v47 =	vadd.f32 $0.0e+00, v62;
	v24 =	vmul.f32 v24, v3;
	(erf) = vrcp.f32 v58;
	v57 =	vpop (erf)  }
0x370: {  	v27 =	vadd.f32 $0.0e+00, v27;
	v28 =	vmul.f32 v28, v2;
	(erf) = vpow2.f32 v22;
	v58 =	vpop (erf)  }
0x371: {  	v41 =	vadd.f32 v41, v47;
	v25 =	vmul.f32 v59, v3;
	(erf) = vrcp.f32 v60;
	v59 =	vpop (erf)  }
0x372: {  	v30 =	vadd.f32 $1.000000000e+00, v30;
	v24 =	vadd.f32 v24, v48;
	(erf) = vrcp.f32 v61;
	v61 =	vpop (erf)  }
0x373: {  	v36 =	vadd.f32 $1.000000000e+00, v36;
	v28 =	vadd.f32 $0.0e+00, v28;
	(erf) = vrcp.f32 v37;
	v62 =	vpop (erf)  }
0x374: {  	v23 =	vadd.f32 $1.000000000e+00, v23;
	v26 =	vmul.f32 v63, v4;
	(erf) = vrcp.f32 v38;
	v63 =	vpop (erf)  }
0x375: {  	v25 =	vadd.f32 v25, v39;
	v33 =	vmul.f32 v54, v5;
	(erf) = vrcp.f32 v45;
	v49 =	vpop (erf)  }
0x376: {  	v50 =	vadd.f32 $1.000000000e+00, v55;
	v60 =	vadd.f32 $0.0e+00, v43;
	(erf) = vrcp.f32 v42;
	v51 =	vpop (erf)  }
0x377: {  	v54 =	vmul.f32 v56, v4;
	v33 =	vadd.f32 v33, v41;
	(erf) = vrcp.f32 v32;
	v52 =	vpop (erf)  }
0x378: {  	v22 =	vadd.f32 $1.000000000e+00, v57;
	v38 =	vadd.f32 $1.000000000e+00, v53;
	(erf) = vrcp.f32 v31;
	v53 =	vpop (erf)  }
0x379: {  	v26 =	vadd.f32 v26, v60;
	v56 =	vmul.f32 v58, v5;
	(erf) = vrcp.f32 v44;
	v55 =	vpop (erf)  }
0x37a: {  	v27 =	vadd.f32 v54, v27;
	v21 =	vadd.f32 $1.000000000e+00, v59;
	(erf) = vrcp.f32 v35;
	v57 =	vpop (erf)  }
0x37b: {  	v39 =	vmul.f32 v61, v4;
	v24 =	vadd.f32 v56, v24;
	(erf) = vrcp.f32 v29;
	v58 =	vpop (erf)  }
0x37c: {  	v37 =	vadd.f32 $1.000000000e+00, v62;
	v34 =	vmul.f32 v63, v5;
	(erf) = vrcp.f32 v30;
	v59 =	vpop (erf)  }
0x37d: {  	v28 =	vadd.f32 v39, v28;
	v40 =	vadd.f32 $1.000000000e+00, v49;
	(erf) = vrcp.f32 v36;
	v60 =	vpop (erf)  }
0x37e: {  	v25 =	vadd.f32 v34, v25;
	v61 =	vmul.f32 v51, v6;
	v62 =	vpop (erf);
	(erf) = vrcp.f32 v23  }
0x37f: {  	v32 =	vadd.f32 $1.000000000e+00, v52;
	v31 =	vmul.f32 v53, v7;
	v45 =	vpop (erf);
	(erf) = vrcp.f32 v38  }
0x380: {  	v26 =	vadd.f32 v61, v26;
	v35 =	vmul.f32 v57, v6;
	v46 =	vpop (erf);
	(erf) = vrcp.f32 v50  }
0x381: {  	v63 =	vadd.f32 $1.000000000e+00, v55;
	v29 =	vmul.f32 v58, v7;
	(erf) = vrcp.f32 v22;
	v47 =	vpop (erf)  }
0x382: {  	v31 =	vadd.f32 v31, v33;
	v30 =	vmul.f32 v59, v6;
	(erf) = vrcp.f32 v21;
	v48 =	vpop (erf)  }
0x383: {  	v27 =	vadd.f32 v35, v27;
	v49 =	vmul.f32 v60, v7;
	(erf) = vrcp.f32 v37;
	v50 =	vpop (erf)  }
0x384: {  	v24 =	vadd.f32 v29, v24;
	v51 =	vmul.f32 v62, v8;
	v52 =	vpop (erf);
	(erf) = vrcp.f32 v40  }
0x385: {  	v28 =	vadd.f32 v30, v28;
	v53 =	vmul.f32 v45, v9;
	v54 =	vpop (erf);
	(erf) = vrcp.f32 v32  }
0x386: {  	v25 =	vadd.f32 v49, v25;
	v55 =	vmul.f32 v46, v8;
	v56 =	vpop (erf);
	(erf) = vrcp.f32 v63  }
0x387: {  	v57 =	vadd.f32 v51, v26;
	v58 =	vadd.f32 v53, v31;
	v22 =	vmul.f32 v47, v9;
	v59 =	vpop (erf)  }
0x388: {  	v27 =	vadd.f32 v55, v27;
	v21 =	vmul.f32 v48, v8;
	v60 =	vmul.f32 v50, v9;
	v61 =	vpop (erf)  }
0x389: {  	v22 =	vadd.f32 v22, v24;
	v62 =	vmul.f32 v52, v10;
	v63 =	vmul.f32 v54, v11;
	v36 =	vpop (erf)  }
0x38a: {  	v21 =	vadd.f32 v21, v28;
	v25 =	vadd.f32 v60, v25;
	v37 =	vmul.f32 v56, v10;
	v38 =	vpop (erf)  }
0x38b: {  	v23 =	vadd.f32 v62, v57;
	v29 =	vmul.f32 v59, v11;
	v39 =	vadd.f32 v63, v58;
	v40 =	vpop (erf)  }
0x38c: {  	v31 =	vmul.f32 v61, v10;
	v27 =	vadd.f32 v37, v27;
	v41 =	vmul.f32 v36, v11;
	v42 =	vpop (erf)  }
0x38d: {  	v22 =	vadd.f32 v29, v22;
	v43 =	vmul.f32 v38, v12;
	v26 =	vmul.f32 v40, v13;
	v44 =	vpop (erf)  }
0x38e: {  	v21 =	vadd.f32 v31, v21;
	v25 =	vadd.f32 v41, v25;
	v45 =	vmul.f32 v42, v12;
	v46 =	vpop (erf)  }
0x38f: {  	v23 =	vadd.f32 v43, v23;
	v24 =	vadd.f32 v26, v39;
	v47 =	vmul.f32 v44, v13;
	v48 =	vpop (erf)  }
0x390: {  	(xrf2) =	vadd.scan.msk.f32 $0xffff, v17;
	v49 =	vadd.f32 v45, v27;
	v50 =	vmul.f32 v46, v12;
	v51 =	vmul.f32 v48, v13  }
0x391: {  	(xrf2) =	vadd.scan.msk.f32 $0xffff, v18;
	v52 =	vadd.f32 v24, v23;
	v22 =	vadd.f32 v47, v22  }
0x392: {  	(xrf2) =	vadd.scan.msk.f32 $0xffff, v19;
	v53 =	vadd.f32 v50, v21;
	v54 =	vadd.f32 v51, v25  }
0x393: {  	(xrf2) =	vadd.scan.msk.f32 $0xffff, v20;
	v17 =	vadd.f32 v22, v49  }
0x394: {  	v15 =	vand.u32 $0xFFFFFFFC, v15;
	(xrf2) =	vadd.scan.msk.f32 $0xffff, v52;
	v55 =	vadd.f32 v54, v53  }
0x395: {  	v15 =	vbroadcast v15, $0x0;
	(xrf2) =	vadd.scan.msk.f32 $0xffff, v17  }
0x396: {  	v14 =	vbroadcast v14, $0x0;
	s0 =	sadd.s32 s23, s24;
	(xrf2) =	vadd.scan.msk.f32 $0xffff, v55  }
0x397: {  	v16 =	vbroadcast v16, $0x0;
	s1 =	sadd.s32 $0x1, s0;
	s23 =	sadd.s32 $0x3, s0;
	v56 =	vmov s0  }
0x398: {  	s0 =	sadd.s32 $0x2, s0;
	v57 =	vmov s23;
	v58 =	vmov s1;
	v17 =	vand.u32 $0xFFFFFFFC, v56  }
0x399: {  	v59 =	vmov s0;
	v19 =	vand.u32 $0xFFFFFFFD, v58;
	v17 =	vbroadcast v17, $0x0  }
0x39a: {  	v60, _, _ =	vpop (xrf2);
	v20 =	vand.u32 $0xFFFFFFFE, v59;
	v19 =	vbroadcast v19, $0x0  }
0x39b: {  	v61, _, _ =	vpop (xrf2);
	[tilespmem:v15+s19+$0x0] =	vst.idx.msk vm0, v60;
	v15 =	vbroadcast v20, $0x0  }
0x39c: {  	v62, _, _ =	vpop (xrf2);
	[tilespmem:v14+s19+$0x0] =	vst.idx.msk vm0, v61  }
0x39d: {  	v14, _, _ =	vpop (xrf2);
	[tilespmem:v16+s19+$0x0] =	vst.idx.msk vm0, v62  }
0x39e: {  	[tilespmem:v57+s19+$0x0] =	vst.idx.msk vm0, v14;
	v63, _, _ =	vpop (xrf2)  }
0x39f: {  	[tilespmem:v17+s19+$0x0] =	vst.idx.msk vm0, v63;
	v14, _, _ =	vpop (xrf2)  }
0x3a0: {  	[tilespmem:v19+s19+$0x0] =	vst.idx.msk vm0, v14;
	v14, _, _ =	vpop (xrf2)  }
0x3a1: {  	[tilespmem:v15+s19+$0x0] =	vst.idx.msk vm0, v14  }
.Ltmp2:
0x3a2: {  	(pc) =	sbr.rel @p0 .LBB2_3-.Ltmp2, $2  }
0x3a3: {  	_ =	sdelay $0x2  }
0x3a4: {  	s24 =	simm.s32 $0x100;
	p1 =	por $0x0, $0x0  }
0x3a5: {  	v1 =	vld [tilespmem:$0x1A5A0];
	_ =	sdelay $0x4  }
0x3a6: {  	v1 =	vsub.f32 v0, v1;
	_ =	sdelay $0x1  }
0x3a7: {  	v1 =	vadd.f32 v1, v1;
	_ =	sdelay $0x1  }
0x3a8: {  	v1 =	vmul.f32 $1.442695020e+00, v1;
	_ =	sdelay $0x1  }
0x3a9: {  	(erf) = vpow2.f32 v1;
	_ =	sdelay $0x1  }
0x3aa: {  	v41 =	vld [tilespmem:$0x1A5B0];
	_ =	sdelay $0x4  }
0x3ab: {  	v1 =	vsub.f32 v0, v41;
	_ =	sdelay $0x1  }
0x3ac: {  	v1 =	vadd.f32 v1, v1;
	v2 =	vpop (erf)  }
0x3ad: {  	v2 =	vadd.f32 $1.000000000e+00, v2  }
0x3ae: {  	v1 =	vmul.f32 $1.442695020e+00, v1  }
0x3af: {  	(erf) = vrcp.f32 v2  }
0x3b0: {  	(erf) = vpow2.f32 v1;
	_ =	sdelay $0x1  }
0x3b1: {  	v42 =	vld [tilespmem:$0x1A5C0];
	_ =	sdelay $0x4  }
0x3b2: {  	v43 =	vsub.f32 v0, v42  }
0x3b3: {  	v1 =	vpop (erf)  }
0x3b4: {  	v2 =	vadd.f32 v43, v43;
	v3 =	vpop (erf)  }
0x3b5: {  	v3 =	vadd.f32 $1.000000000e+00, v3  }
0x3b6: {  	v2 =	vmul.f32 $1.442695020e+00, v2  }
0x3b7: {  	(erf) = vrcp.f32 v3  }
0x3b8: {  	(erf) = vpow2.f32 v2;
	_ =	sdelay $0x1  }
0x3b9: {  	v44 =	vld [tilespmem:$0x1A5D0];
	_ =	sdelay $0x4  }
0x3ba: {  	v45 =	vsub.f32 v0, v44  }
0x3bb: {  	v2 =	vpop (erf)  }
0x3bc: {  	v3 =	vadd.f32 v45, v45;
	v4 =	vpop (erf)  }
0x3bd: {  	v4 =	vadd.f32 $1.000000000e+00, v4  }
0x3be: {  	v3 =	vmul.f32 $1.442695020e+00, v3  }
0x3bf: {  	(erf) = vrcp.f32 v4  }
0x3c0: {  	(erf) = vpow2.f32 v3;
	_ =	sdelay $0x1  }
0x3c1: {  	v46 =	vld [tilespmem:$0x1A5E0];
	_ =	sdelay $0x4  }
0x3c2: {  	v47 =	vsub.f32 v0, v46  }
0x3c3: {  	v3 =	vpop (erf)  }
0x3c4: {  	v4 =	vadd.f32 v47, v47;
	v5 =	vpop (erf)  }
0x3c5: {  	v5 =	vadd.f32 $1.000000000e+00, v5  }
0x3c6: {  	v4 =	vmul.f32 $1.442695020e+00, v4  }
0x3c7: {  	(erf) = vrcp.f32 v5  }
0x3c8: {  	(erf) = vpow2.f32 v4;
	_ =	sdelay $0x1  }
0x3c9: {  	v48 =	vld [tilespmem:$0x1A5F0];
	_ =	sdelay $0x4  }
0x3ca: {  	v49 =	vsub.f32 v0, v48  }
0x3cb: {  	v4 =	vpop (erf)  }
0x3cc: {  	v5 =	vadd.f32 v49, v49;
	v6 =	vpop (erf)  }
0x3cd: {  	v6 =	vadd.f32 $1.000000000e+00, v6  }
0x3ce: {  	v5 =	vmul.f32 $1.442695020e+00, v5  }
0x3cf: {  	(erf) = vrcp.f32 v6  }
0x3d0: {  	(erf) = vpow2.f32 v5;
	_ =	sdelay $0x1  }
0x3d1: {  	v50 =	vld [tilespmem:$0x1A600];
	_ =	sdelay $0x4  }
0x3d2: {  	v51 =	vsub.f32 v0, v50  }
0x3d3: {  	v52 =	vpop (erf)  }
0x3d4: {  	v6 =	vadd.f32 v51, v51;
	v7 =	vpop (erf)  }
0x3d5: {  	v7 =	vadd.f32 $1.000000000e+00, v7  }
0x3d6: {  	v6 =	vmul.f32 $1.442695020e+00, v6  }
0x3d7: {  	(erf) = vrcp.f32 v7  }
0x3d8: {  	(erf) = vpow2.f32 v6;
	_ =	sdelay $0x1  }
0x3d9: {  	v53 =	vld [tilespmem:$0x1A610];
	_ =	sdelay $0x4  }
0x3da: {  	v6 =	vsub.f32 v0, v53  }
0x3db: {  	v7 =	vpop (erf)  }
0x3dc: {  	v6 =	vadd.f32 v6, v6;
	v8 =	vpop (erf)  }
0x3dd: {  	v8 =	vadd.f32 $1.000000000e+00, v8  }
0x3de: {  	v6 =	vmul.f32 $1.442695020e+00, v6  }
0x3df: {  	(erf) = vrcp.f32 v8  }
0x3e0: {  	(erf) = vpow2.f32 v6;
	_ =	sdelay $0x1  }
0x3e1: {  	v54 =	vld [tilespmem:$0x1A620];
	_ =	sdelay $0x4  }
0x3e2: {  	v55 =	vsub.f32 v0, v54  }
0x3e3: {  	v6 =	vpop (erf)  }
0x3e4: {  	v8 =	vadd.f32 v55, v55;
	v9 =	vpop (erf)  }
0x3e5: {  	v9 =	vadd.f32 $1.000000000e+00, v9  }
0x3e6: {  	v8 =	vmul.f32 $1.442695020e+00, v8  }
0x3e7: {  	(erf) = vrcp.f32 v9  }
0x3e8: {  	(erf) = vpow2.f32 v8;
	_ =	sdelay $0x1  }
0x3e9: {  	v56 =	vld [tilespmem:$0x1A630];
	_ =	sdelay $0x4  }
0x3ea: {  	v57 =	vsub.f32 v0, v56  }
0x3eb: {  	v8 =	vpop (erf)  }
0x3ec: {  	v9 =	vadd.f32 v57, v57;
	v10 =	vpop (erf)  }
0x3ed: {  	v10 =	vadd.f32 $1.000000000e+00, v10  }
0x3ee: {  	v9 =	vmul.f32 $1.442695020e+00, v9  }
0x3ef: {  	(erf) = vrcp.f32 v10  }
0x3f0: {  	(erf) = vpow2.f32 v9;
	_ =	sdelay $0x1  }
0x3f1: {  	v58 =	vld [tilespmem:$0x1A640];
	_ =	sdelay $0x4  }
0x3f2: {  	v59 =	vsub.f32 v0, v58  }
0x3f3: {  	v60 =	vpop (erf)  }
0x3f4: {  	v10 =	vadd.f32 v59, v59;
	v11 =	vpop (erf)  }
0x3f5: {  	v11 =	vadd.f32 $1.000000000e+00, v11  }
0x3f6: {  	v10 =	vmul.f32 $1.442695020e+00, v10  }
0x3f7: {  	(erf) = vrcp.f32 v11  }
0x3f8: {  	(erf) = vpow2.f32 v10;
	_ =	sdelay $0x1  }
0x3f9: {  	v61 =	vld [tilespmem:$0x1A650];
	_ =	sdelay $0x4  }
0x3fa: {  	v62 =	vsub.f32 v0, v61  }
0x3fb: {  	v63 =	vpop (erf)  }
0x3fc: {  	v11 =	vadd.f32 v62, v62;
	v12 =	vpop (erf)  }
0x3fd: {  	v12 =	vadd.f32 $1.000000000e+00, v12  }
0x3fe: {  	v11 =	vmul.f32 $1.442695020e+00, v11  }
0x3ff: {  	(erf) = vrcp.f32 v12  }
0x400: {  	(erf) = vpow2.f32 v11;
	_ =	sdelay $0x1  }
0x401: {  	v17 =	vld [tilespmem:$0x1A660];
	_ =	sdelay $0x4  }
0x402: {  	v18 =	vsub.f32 v0, v17  }
0x403: {  	v11 =	vpop (erf)  }
0x404: {  	v12 =	vadd.f32 v18, v18;
	v13 =	vpop (erf)  }
0x405: {  	v13 =	vadd.f32 $1.000000000e+00, v13  }
0x406: {  	v12 =	vmul.f32 $1.442695020e+00, v12  }
0x407: {  	(erf) = vrcp.f32 v13  }
0x408: {  	(erf) = vpow2.f32 v12;
	_ =	sdelay $0x1  }
0x409: {  	v19 =	vld [tilespmem:$0x1A670];
	_ =	sdelay $0x4  }
0x40a: {  	v20 =	vsub.f32 v0, v19  }
0x40b: {  	v12 =	vpop (erf)  }
0x40c: {  	v13 =	vadd.f32 v20, v20;
	v14 =	vpop (erf)  }
0x40d: {  	v14 =	vadd.f32 $1.000000000e+00, v14  }
0x40e: {  	v13 =	vmul.f32 $1.442695020e+00, v13  }
0x40f: {  	(erf) = vrcp.f32 v14  }
0x410: {  	(erf) = vpow2.f32 v13;
	_ =	sdelay $0x1  }
0x411: {  	v21 =	vld [tilespmem:$0x1A680];
	_ =	sdelay $0x4  }
0x412: {  	v22 =	vsub.f32 v0, v21  }
0x413: {  	v13 =	vpop (erf)  }
0x414: {  	v14 =	vadd.f32 v22, v22;
	v15 =	vpop (erf)  }
0x415: {  	v15 =	vadd.f32 $1.000000000e+00, v15  }
0x416: {  	v14 =	vmul.f32 $1.442695020e+00, v14  }
0x417: {  	(erf) = vrcp.f32 v15  }
0x418: {  	(erf) = vpow2.f32 v14;
	_ =	sdelay $0x1  }
0x419: {  	v23 =	vld [tilespmem:$0x1A690];
	_ =	sdelay $0x4  }
0x41a: {  	v24 =	vsub.f32 v0, v23  }
0x41b: {  	v14 =	vpop (erf)  }
0x41c: {  	v15 =	vadd.f32 v24, v24;
	v16 =	vpop (erf)  }
0x41d: {  	v16 =	vadd.f32 $1.000000000e+00, v16  }
0x41e: {  	v15 =	vmul.f32 $1.442695020e+00, v15  }
0x41f: {  	(erf) = vrcp.f32 v16  }
0x420: {  	(erf) = vpow2.f32 v15;
	_ =	sdelay $0x1  }
0x421: {  	v25 =	vld [tilespmem:$0x1A6A0];
	_ =	sdelay $0x4  }
0x422: {  	v26 =	vsub.f32 v0, v25  }
0x423: {  	v15 =	vpop (erf)  }
0x424: {  	v16 =	vadd.f32 v26, v26;
	v17 =	vpop (erf)  }
0x425: {  	v17 =	vadd.f32 $1.000000000e+00, v17  }
0x426: {  	v16 =	vmul.f32 $1.442695020e+00, v16  }
0x427: {  	(erf) = vrcp.f32 v17  }
0x428: {  	(erf) = vpow2.f32 v16;
	_ =	sdelay $0x1  }
0x429: {  	v27 =	vld [tilespmem:$0x1A6B0];
	_ =	sdelay $0x4  }
0x42a: {  	v28 =	vsub.f32 v0, v27  }
0x42b: {  	v16 =	vpop (erf)  }
0x42c: {  	v17 =	vadd.f32 v28, v28;
	v18 =	vpop (erf)  }
0x42d: {  	v18 =	vadd.f32 $1.000000000e+00, v18  }
0x42e: {  	v17 =	vmul.f32 $1.442695020e+00, v17  }
0x42f: {  	(erf) = vrcp.f32 v18  }
0x430: {  	(erf) = vpow2.f32 v17;
	_ =	sdelay $0x1  }
0x431: {  	v29 =	vld [tilespmem:$0x1A6C0];
	_ =	sdelay $0x4  }
0x432: {  	v30 =	vsub.f32 v0, v29  }
0x433: {  	v17 =	vpop (erf)  }
0x434: {  	v18 =	vadd.f32 v30, v30;
	v19 =	vpop (erf)  }
0x435: {  	v19 =	vadd.f32 $1.000000000e+00, v19  }
0x436: {  	v18 =	vmul.f32 $1.442695020e+00, v18  }
0x437: {  	(erf) = vrcp.f32 v19  }
0x438: {  	(erf) = vpow2.f32 v18;
	_ =	sdelay $0x1  }
0x439: {  	v31 =	vld [tilespmem:$0x1A6D0];
	_ =	sdelay $0x4  }
0x43a: {  	v32 =	vsub.f32 v0, v31  }
0x43b: {  	v18 =	vpop (erf)  }
0x43c: {  	v19 =	vadd.f32 v32, v32;
	v20 =	vpop (erf)  }
0x43d: {  	v20 =	vadd.f32 $1.000000000e+00, v20  }
0x43e: {  	v19 =	vmul.f32 $1.442695020e+00, v19  }
0x43f: {  	(erf) = vrcp.f32 v20  }
0x440: {  	(erf) = vpow2.f32 v19;
	_ =	sdelay $0x1  }
0x441: {  	v33 =	vld [tilespmem:$0x1A6E0];
	_ =	sdelay $0x4  }
0x442: {  	v34 =	vsub.f32 v0, v33  }
0x443: {  	v19 =	vpop (erf)  }
0x444: {  	v20 =	vadd.f32 v34, v34;
	v21 =	vpop (erf)  }
0x445: {  	v21 =	vadd.f32 $1.000000000e+00, v21  }
0x446: {  	v20 =	vmul.f32 $1.442695020e+00, v20  }
0x447: {  	(erf) = vrcp.f32 v21  }
0x448: {  	(erf) = vpow2.f32 v20;
	_ =	sdelay $0x1  }
0x449: {  	v35 =	vld [tilespmem:$0x1A6F0];
	_ =	sdelay $0x4  }
0x44a: {  	v36 =	vsub.f32 v0, v35  }
0x44b: {  	v20 =	vpop (erf)  }
0x44c: {  	v21 =	vadd.f32 v36, v36;
	v22 =	vpop (erf)  }
0x44d: {  	v22 =	vadd.f32 $1.000000000e+00, v22  }
0x44e: {  	v21 =	vmul.f32 $1.442695020e+00, v21  }
0x44f: {  	(erf) = vrcp.f32 v22  }
0x450: {  	(erf) = vpow2.f32 v21;
	_ =	sdelay $0x1  }
0x451: {  	v37 =	vld [tilespmem:$0x1A700];
	_ =	sdelay $0x4  }
0x452: {  	v38 =	vsub.f32 v0, v37  }
0x453: {  	v21 =	vpop (erf)  }
0x454: {  	v22 =	vadd.f32 v38, v38;
	v23 =	vpop (erf)  }
0x455: {  	v23 =	vadd.f32 $1.000000000e+00, v23  }
0x456: {  	v22 =	vmul.f32 $1.442695020e+00, v22  }
0x457: {  	(erf) = vrcp.f32 v23  }
0x458: {  	(erf) = vpow2.f32 v22;
	_ =	sdelay $0x1  }
0x459: {  	v39 =	vld [tilespmem:$0x1A710];
	_ =	sdelay $0x4  }
0x45a: {  	v40 =	vsub.f32 v0, v39  }
0x45b: {  	v22 =	vpop (erf)  }
0x45c: {  	v23 =	vadd.f32 v40, v40;
	v24 =	vpop (erf)  }
0x45d: {  	v24 =	vadd.f32 $1.000000000e+00, v24  }
0x45e: {  	v23 =	vmul.f32 $1.442695020e+00, v23  }
0x45f: {  	(erf) = vrcp.f32 v24  }
0x460: {  	(erf) = vpow2.f32 v23;
	_ =	sdelay $0x1  }
0x461: {  	v41 =	vld [tilespmem:$0x1A720];
	_ =	sdelay $0x4  }
0x462: {  	v42 =	vsub.f32 v0, v41  }
0x463: {  	v23 =	vpop (erf)  }
0x464: {  	v24 =	vadd.f32 v42, v42;
	v25 =	vpop (erf)  }
0x465: {  	v25 =	vadd.f32 $1.000000000e+00, v25  }
0x466: {  	v24 =	vmul.f32 $1.442695020e+00, v24  }
0x467: {  	(erf) = vrcp.f32 v25  }
0x468: {  	(erf) = vpow2.f32 v24;
	_ =	sdelay $0x1  }
0x469: {  	v43 =	vld [tilespmem:$0x1A730];
	_ =	sdelay $0x4  }
0x46a: {  	v44 =	vsub.f32 v0, v43  }
0x46b: {  	v24 =	vpop (erf)  }
0x46c: {  	v25 =	vadd.f32 v44, v44;
	v26 =	vpop (erf)  }
0x46d: {  	v26 =	vadd.f32 $1.000000000e+00, v26  }
0x46e: {  	v25 =	vmul.f32 $1.442695020e+00, v25  }
0x46f: {  	(erf) = vrcp.f32 v26  }
0x470: {  	(erf) = vpow2.f32 v25;
	_ =	sdelay $0x1  }
0x471: {  	v45 =	vld [tilespmem:$0x1A740];
	_ =	sdelay $0x4  }
0x472: {  	v25 =	vsub.f32 v0, v45  }
0x473: {  	v26 =	vpop (erf)  }
0x474: {  	v25 =	vadd.f32 v25, v25;
	v27 =	vpop (erf)  }
0x475: {  	v27 =	vadd.f32 $1.000000000e+00, v27  }
0x476: {  	v25 =	vmul.f32 $1.442695020e+00, v25  }
0x477: {  	(erf) = vrcp.f32 v27  }
0x478: {  	(erf) = vpow2.f32 v25;
	_ =	sdelay $0x1  }
0x479: {  	v46 =	vld [tilespmem:$0x1A750];
	_ =	sdelay $0x4  }
0x47a: {  	v25 =	vsub.f32 v0, v46  }
0x47b: {  	v27 =	vpop (erf)  }
0x47c: {  	v25 =	vadd.f32 v25, v25;
	v28 =	vpop (erf)  }
0x47d: {  	v28 =	vadd.f32 $1.000000000e+00, v28  }
0x47e: {  	v25 =	vmul.f32 $1.442695020e+00, v25  }
0x47f: {  	(erf) = vrcp.f32 v28  }
0x480: {  	(erf) = vpow2.f32 v25;
	_ =	sdelay $0x1  }
0x481: {  	v47 =	vld [tilespmem:$0x1A760];
	_ =	sdelay $0x4  }
0x482: {  	v25 =	vsub.f32 v0, v47  }
0x483: {  	v28 =	vpop (erf)  }
0x484: {  	v25 =	vadd.f32 v25, v25;
	v29 =	vpop (erf)  }
0x485: {  	v29 =	vadd.f32 $1.000000000e+00, v29  }
0x486: {  	v25 =	vmul.f32 $1.442695020e+00, v25  }
0x487: {  	(erf) = vrcp.f32 v29  }
0x488: {  	(erf) = vpow2.f32 v25;
	_ =	sdelay $0x1  }
0x489: {  	v48 =	vld [tilespmem:$0x1A770];
	_ =	sdelay $0x4  }
0x48a: {  	v25 =	vsub.f32 v0, v48  }
0x48b: {  	v29 =	vpop (erf)  }
0x48c: {  	v25 =	vadd.f32 v25, v25;
	v30 =	vpop (erf)  }
0x48d: {  	v30 =	vadd.f32 $1.000000000e+00, v30  }
0x48e: {  	v25 =	vmul.f32 $1.442695020e+00, v25  }
0x48f: {  	(erf) = vrcp.f32 v30  }
0x490: {  	(erf) = vpow2.f32 v25;
	_ =	sdelay $0x1  }
0x491: {  	v49 =	vld [tilespmem:$0x1A780];
	_ =	sdelay $0x4  }
0x492: {  	v25 =	vsub.f32 v0, v49  }
0x493: {  	v30 =	vpop (erf)  }
0x494: {  	v25 =	vadd.f32 v25, v25;
	v31 =	vpop (erf)  }
0x495: {  	v31 =	vadd.f32 $1.000000000e+00, v31  }
0x496: {  	v25 =	vmul.f32 $1.442695020e+00, v25  }
0x497: {  	(erf) = vrcp.f32 v31  }
0x498: {  	(erf) = vpow2.f32 v25  }
0x499: {  	v1 =	vadd.f32 v1, v1  }
0x49a: {  	v50 =	vld [tilespmem:$0x1A790]  }
0x49b: {  	v1 =	vsub.f32 $1.000000000e+00, v1;
	v2 =	vadd.f32 v2, v2  }
0x49c: {  	v3 =	vadd.f32 v3, v3;
	v5 =	vadd.f32 v52, v52  }
0x49d: {  	v2 =	vsub.f32 $1.000000000e+00, v2;
	v4 =	vadd.f32 v4, v4  }
0x49e: {  	v3 =	vsub.f32 $1.000000000e+00, v3;
	v7 =	vadd.f32 v7, v7  }
0x49f: {  	v51 =	vsub.f32 v0, v50;
	v52 =	vsub.f32 $1.000000000e+00, v4  }
0x4a0: {  	[tilespmem:$0x1A5A0] =	vst v1;
	v53 =	vsub.f32 $1.000000000e+00, v5;
	v54 =	vsub.f32 $1.000000000e+00, v7;
	v5 =	vpop (erf)  }
0x4a1: {  	[tilespmem:$0x1A5B0] =	vst v2;
	v56 =	vadd.f32 v6, v6;
	v0 =	vadd.f32 v51, v51;
	v55 =	vpop (erf)  }
0x4a2: {  	[tilespmem:$0x1A5C0] =	vst v3;
	v58 =	vadd.f32 v8, v8;
	v57 =	vadd.f32 $1.000000000e+00, v55  }
0x4a3: {  	[tilespmem:$0x1A5D0] =	vst v52;
	v59 =	vadd.f32 v60, v60;
	v60 =	vadd.f32 v63, v63;
	v0 =	vmul.f32 $1.442695020e+00, v0  }
0x4a4: {  	[tilespmem:$0x1A5E0] =	vst v53;
	v3 =	vsub.f32 $1.000000000e+00, v56;
	v61 =	vsub.f32 $1.000000000e+00, v58;
	(erf) = vrcp.f32 v57  }
0x4a5: {  	[tilespmem:$0x1A5F0] =	vst v54;
	v62 =	vsub.f32 $1.000000000e+00, v59;
	v63 =	vsub.f32 $1.000000000e+00, v60;
	(erf) = vpow2.f32 v0  }
0x4a6: {  	[tilespmem:$0x1A600] =	vst v3;
	v8 =	vadd.f32 v11, v11;
	v9 =	vadd.f32 v12, v12  }
0x4a7: {  	[tilespmem:$0x1A610] =	vst v61;
	v10 =	vadd.f32 v13, v13;
	v12 =	vadd.f32 v14, v14  }
0x4a8: {  	[tilespmem:$0x1A620] =	vst v62;
	v11 =	vsub.f32 $1.000000000e+00, v8;
	v15 =	vadd.f32 v15, v15  }
0x4a9: {  	[tilespmem:$0x1A630] =	vst v63;
	v13 =	vsub.f32 $1.000000000e+00, v10;
	v14 =	vsub.f32 $1.000000000e+00, v12  }
0x4aa: {  	[tilespmem:$0x1A640] =	vst v11;
	v32 =	vsub.f32 $1.000000000e+00, v15;
	v33 =	vadd.f32 v18, v18  }
0x4ab: {  	[tilespmem:$0x1A660] =	vst v13;
	v36 =	vadd.f32 v19, v19;
	v40 =	vadd.f32 v21, v21  }
0x4ac: {  	[tilespmem:$0x1A670] =	vst v14;
	v35 =	vsub.f32 $1.000000000e+00, v33;
	v41 =	vadd.f32 v22, v22  }
0x4ad: {  	[tilespmem:$0x1A680] =	vst v32;
	v39 =	vsub.f32 $1.000000000e+00, v36;
	v42 =	vsub.f32 $1.000000000e+00, v40;
	v6 =	vpop (erf)  }
0x4ae: {  	[tilespmem:$0x1A6B0] =	vst v35;
	v43 =	vadd.f32 v23, v23;
	v44 =	vsub.f32 $1.000000000e+00, v41;
	v37 =	vpop (erf)  }
0x4af: {  	[tilespmem:$0x1A6C0] =	vst v39;
	v47 =	vadd.f32 v26, v26;
	v4 =	vadd.f32 $1.000000000e+00, v37  }
0x4b0: {  	[tilespmem:$0x1A6E0] =	vst v42;
	v45 =	vadd.f32 v24, v24;
	v46 =	vsub.f32 $1.000000000e+00, v43  }
0x4b1: {  	[tilespmem:$0x1A6F0] =	vst v44;
	v50 =	vsub.f32 $1.000000000e+00, v47;
	v53 =	vadd.f32 v29, v29;
	(erf) = vrcp.f32 v4  }
0x4b2: {  	[tilespmem:$0x1A700] =	vst v46;
	v48 =	vsub.f32 $1.000000000e+00, v45;
	v49 =	vadd.f32 v27, v27  }
0x4b3: {  	[tilespmem:$0x1A720] =	vst v50;
	v56 =	vsub.f32 $1.000000000e+00, v53;
	v51 =	vadd.f32 v28, v28  }
0x4b4: {  	[tilespmem:$0x1A710] =	vst v48;
	v52 =	vsub.f32 $1.000000000e+00, v49;
	v31 =	vadd.f32 v17, v17  }
0x4b5: {  	[tilespmem:$0x1A750] =	vst v56;
	v54 =	vsub.f32 $1.000000000e+00, v51  }
0x4b6: {  	[tilespmem:$0x1A730] =	vst v52;
	v34 =	vsub.f32 $1.000000000e+00, v31;
	v55 =	vadd.f32 v30, v30  }
0x4b7: {  	[tilespmem:$0x1A740] =	vst v54;
	v25 =	vadd.f32 v16, v16;
	v0 =	vsub.f32 $1.000000000e+00, v9  }
0x4b8: {  	[tilespmem:$0x1A6A0] =	vst v34;
	v57 =	vadd.f32 v5, v5;
	v58 =	vsub.f32 $1.000000000e+00, v55  }
0x4b9: {  	v38 =	vadd.f32 v20, v20;
	[tilespmem:$0x1A650] =	vst v0;
	v0 =	vsub.f32 $1.000000000e+00, v25  }
0x4ba: {  	v60 =	vsub.f32 $1.000000000e+00, v57;
	[tilespmem:$0x1A760] =	vst v58;
	v59 =	vadd.f32 v6, v6;
	v4 =	vpop (erf)  }
0x4bb: {  	[tilespmem:$0x1A690] =	vst v0;
	v0 =	vsub.f32 $1.000000000e+00, v38;
	v61 =	vadd.f32 v4, v4  }
0x4bc: {  	[tilespmem:$0x1A770] =	vst v60;
	v62 =	vsub.f32 $1.000000000e+00, v59  }
0x4bd: {  	s22 =	sadd.s32 $0x1, s22;
	[tilespmem:$0x1A6D0] =	vst v0;
	v63 =	vsub.f32 $1.000000000e+00, v61  }
0x4be: {  	p0 =	sne.s32 s22, s8;
	[tilespmem:$0x1A780] =	vst v62  }
.Ltmp3:
0x4bf: {  	[tilespmem:$0x1A790] =	vst v63;
	(pc) =	sbr.rel @p0 .LBB2_1-.Ltmp3, $4  }
0x4c0: {  	[hbm4b:s7+s2] =	stream.linear.scatter [tilespmem:s19], [sflag:$0x5], $0x200, $0x38;
	[tilespmem:$0x1A7A0] =	vst v63  }
0x4c1: {  	_ =	swait.ge [sflag:s9], $0x200  }
0x4c2: {  	[sflag:s9] =	ssyncset.done $0x0  }
0x4c3: {  	[sflag:s9] =	ssyncadd.s32 $0xFFFFFE00  }
0x4c4: {  	_ =	sfence.sel $0x180000  }
0x4c5: {  	[bflag:$0x0] =	sbarrier.arrive $0xFFFF  }
0x4c6: {  	_ =	strace $0x90000047  }
0x4c7: {  	s0 =	stileid.u32;
	[bflag:$0x2] =	sbarrier.arrive $0xFFFF  }
0x4c8: {  	p0 =	sne.s32 s0, $0x0;
	s0 =	rddreg [dreg:$0x2]  }
0x4c9: {  	s0 =	sadd.s32 @!p0 $0x100000, s0  }
0x4ca: {  	[sflag:s0] =	ssyncadd.tile.s32 @!p0 $0x1;
	_ =	shalt  }
.Lfunc_end2:
_tile_overlayer_lowered:
.L_overlay_start_2:
0x4cb: {  	(tag) =	ssettag $0x2  }
0x4cc: {  	s0 =	rddreg [dreg:$0x0];
	s2 =	stileid.u32  }
0x4cd: {  	s1 =	rddreg [dreg:$0x1];
	p0 =	sne.s32 s2, $0x0  }
0x4ce: {  	s3 =	rddreg [dreg:$0x2];
	[bflag:$0x3] =	sbarrier.arrive $0xFFFF;
	s2 =	simm.s32 @!p0 $0x1C05  }
0x4cf: {  	[timem:s3], [sflag:s2] =	dma.local @!p0 [hbm:s0], s1  }
0x4d0: {  	s0 =	simm.s32 @!p0 $0x5  }
0x4d1: {  	_ =	swait.ge @!p0 [sflag:s0], s1  }
0x4d2: {  	s1 =	ssub.s32 @!p0 $0x0, s1;
	[sflag:s0] =	ssyncset.done @!p0 $0x0  }
0x4d3: {  	[sflag:s0] =	ssyncadd.s32 @!p0 s1  }
0x4d4: {  	[bflag:$0x3] =	sbarrier.arrive $0xFFFF  }
0x4d5: {  	_ =	shalt  }

</sc_bundles>
